<compile_context>
chip_gen: v7x
topology: tpu7x:2x2x1
jax: 0.10.2.dev20260603
libtpu: 0.0.44.dev20260713+nightly
codegen_flags: <defaults>
</compile_context>

<pallas_src>
import functools

import jax
import jax.numpy as jnp
from jax import lax
from jax.experimental import pallas as pl
from jax.experimental.pallas import tpu as pltpu
from jax.experimental.pallas import tpu_sc as plsc

NUM_EMBEDDINGS = 1000000
D = 64
L = 16
DK = D // L
MAX_NORM = 1.0

NC = 2
NS = 16
NW = NC * NS

B_TOTAL = 4096 * 200
B_PER_W = B_TOTAL // NW
CHUNK = 512
N_CHUNKS = B_PER_W // CHUNK


def _rsqrt_newton(a):
    i = plsc.bitcast(a, jnp.int32)
    i = jnp.int32(0x5F3759DF) - (i >> 1)
    y = plsc.bitcast(i, jnp.float32)
    for _ in range(3):
        y = y * (jnp.float32(1.5) - jnp.float32(0.5) * a * y * y)
    return y


_mesh = plsc.VectorSubcoreMesh(core_axis_name="c", subcore_axis_name="s")


@functools.partial(
    pl.kernel,
    mesh=_mesh,
    out_type=jax.ShapeDtypeStruct((B_TOTAL, D), jnp.float32),
    scratch_types=[
        pltpu.VMEM((CHUNK,), jnp.int32),
        pltpu.VMEM((CHUNK,), jnp.int32),
        pltpu.VMEM((CHUNK, D), jnp.float32),
        pltpu.VMEM((CHUNK, D), jnp.float32),
        pltpu.VMEM((L, L), jnp.float32),
        pltpu.SemaphoreType.DMA,
        pltpu.SemaphoreType.DMA,
    ],
    compiler_params=pltpu.CompilerParams(needs_layout_passes=False,
                                         use_tc_tiling_on_sc=False),
)
def _gather_renorm(idx_hbm, table_hbm, out_hbm, idx_a, idx_b, rows_a, rows_b,
                   tbuf, sem_a, sem_b):
    wid = lax.axis_index("s") * NC + lax.axis_index("c")
    wbase = wid * B_PER_W
    lane = lax.iota(jnp.int32, L)

    def compute(buf):
        def grp_body(q, c):
            for rl in range(L):
                r = q * L + rl
                t = None
                for k in range(DK):
                    v = buf[r, pl.ds(k * L, L)]
                    t = v * v if t is None else t + v * v
                plsc.store_scatter(tbuf, [lane, jnp.full((L,), rl, jnp.int32)],
                                   t)
            a = None
            for i in range(L):
                row = tbuf[i, :]
                a = row if a is None else a + row
            y = _rsqrt_newton(a)
            scale16 = jnp.where(a > jnp.float32(MAX_NORM * MAX_NORM),
                                y * jnp.float32(MAX_NORM), jnp.float32(1.0))
            for rl in range(L):
                r = q * L + rl
                s = scale16[rl]
                for k in range(DK):
                    buf[r, pl.ds(k * L, L)] = buf[r, pl.ds(k * L, L)] * s
            return c

        lax.fori_loop(0, CHUNK // L, grp_body, 0)

    def pair_body(g2, carry):
        base_a = wbase + (2 * g2) * CHUNK
        base_b = base_a + CHUNK
        pltpu.sync_copy(idx_hbm.at[pl.ds(base_a, CHUNK)], idx_a)
        pltpu.sync_copy(idx_hbm.at[pl.ds(base_b, CHUNK)], idx_b)
        ha = pltpu.async_copy(table_hbm.at[idx_a], rows_a, sem_a)
        hb = pltpu.async_copy(table_hbm.at[idx_b], rows_b, sem_b)
        ha.wait()
        compute(rows_a)
        pltpu.sync_copy(rows_a, out_hbm.at[pl.ds(base_a, CHUNK)])
        hb.wait()
        compute(rows_b)
        pltpu.sync_copy(rows_b, out_hbm.at[pl.ds(base_b, CHUNK)])
        return carry

    lax.fori_loop(0, N_CHUNKS // 2, pair_body, 0)


def kernel(x, table):
    flat = x.reshape(-1).astype(jnp.int32)
    out = _gather_renorm(flat, table)
    return out.reshape(x.shape[0], x.shape[1], D)

# --- scband reference (transcript-rebuilt; emitter-appended) ---
"""Pipeline reference for scband-gene-encoder-2619930051684 (READ-ONLY COPY).

The authoritative reference and input builder live on the scoring server;
editing this copy changes nothing except your own understanding.
"""

import jax, jax.numpy as jnp
import numpy as np

NUM_EMBEDDINGS = 1000000
EMBEDDING_DIM = 64
MAX_NORM = 1.0

def setup_inputs(seed: int = 0) -> dict:
    key = jax.random.key(seed)
    k_idx, k_tab = jax.random.split(key)
    x = jax.random.randint(k_idx, (4096, 200), 0, NUM_EMBEDDINGS, dtype=jnp.int64)
    # nn.Embedding default init: N(0, 1) -- many rows exceed max_norm so renorm is exercised
    table = jax.random.normal(k_tab, (NUM_EMBEDDINGS, EMBEDDING_DIM), dtype=jnp.float32)
    return {"x": x, "table": table}

def reference(x, table):
    # Gather rows (embedding lookup)
    emb = jnp.take(table, x, axis=0)
    # torch max_norm semantics: rows with L2 norm > max_norm are renormalized to max_norm
    # (torch.renorm uses eps=1e-7 in the scale denominator)
    norms = jnp.linalg.norm(emb, axis=-1, keepdims=True)
    scale = jnp.where(norms > MAX_NORM, MAX_NORM / (norms + 1e-7), 1.0)
    return emb * scale

if __name__ == "__main__":
    import jax
    _d = setup_inputs()
    print(jax.jit(kernel)(*tuple(_d.values())))

</pallas_src>

<mosaic_0001>
#map = affine_map<(d0, d1) -> (0)>
#map1 = affine_map<(d0, d1) -> (0, 0)>
module attributes {stable_mosaic.version = 14 : i64} {
  func.func @_gather_renorm(%arg0: i32, %arg1: i32, %arg2: memref<819200xi32, #tpu.memory_space<hbm>>, %arg3: memref<1000000x64xf32, #tpu.memory_space<hbm>>, %arg4: memref<819200x64xf32, #tpu.memory_space<hbm>>, %arg5: memref<512xi32, #tpu.memory_space<vmem>>, %arg6: memref<512xi32, #tpu.memory_space<vmem>>, %arg7: memref<512x64xf32, #tpu.memory_space<vmem>>, %arg8: memref<512x64xf32, #tpu.memory_space<vmem>>, %arg9: memref<16x16xf32, #tpu.memory_space<vmem>>, %arg10: memref<!tpu.dma_semaphore, #tpu.memory_space<semaphore_mem>>, %arg11: memref<!tpu.dma_semaphore, #tpu.memory_space<semaphore_mem>>) attributes {dimension_semantics = [#tpu.dimension_semantics<core_parallel>, #tpu.dimension_semantics<subcore_parallel>], iteration_bounds = array<i64: 2, 16>, scalar_prefetch = 0 : i64, scratch_operands = 7 : i64, tpu.core_type = #tpu.core_type<sc_vector_subcore>, window_params = [{transform_indices = #map}, {transform_indices = #map1}, {transform_indices = #map1}]} {
    %mul3A = arith.constant 2 : i32
    %mul3A_0 = arith.muli %arg1, %mul3A : i32
    %add3A = arith.addi %mul3A_0, %arg0 : i32
    %mul3A_1 = arith.constant 25600 : i32
    %mul3A_2 = arith.muli %add3A, %mul3A_1 : i32
    %iota3A = tpu.iota {dimensions = array<i32: 0>} : vector<16xi32>
    %scan3A = arith.constant 0 : i32
    %scan3A_3 = arith.constant 0 : i32
    %scan3A_4 = arith.constant 25 : i32
    %scan3A_5 = arith.addi %scan3A_3, %scan3A_4 : i32
    %scan3A_6 = arith.constant 1 : i32
    scf.for %scan3A_8 = %scan3A_3 to %scan3A_5 step %scan3A_6  : i32 {
      %mul3A_9 = arith.constant 2 : i32
      %mul3A_10 = arith.muli %mul3A_9, %scan3A_8 : i32
      %mul3A_11 = arith.constant 512 : i32
      %mul3A_12 = arith.muli %mul3A_10, %mul3A_11 : i32
      %add3A_13 = arith.addi %mul3A_2, %mul3A_12 : i32
      %add3A_14 = arith.constant 512 : i32
      %add3A_15 = arith.addi %add3A_13, %add3A_14 : i32
      "tpu.region"() ({
        %run_scoped3A = tpu.sem_alloc : memref<!tpu.dma_semaphore, #tpu.memory_space<semaphore_mem>>
        %dma_start3A_38 = tpu.memref_slice %arg2[%add3A_13] : memref<819200xi32, #tpu.memory_space<hbm>> -> memref<512xi32, #tpu.memory_space<hbm>>
        %dma_start3A_39 = tpu.memref_slice %arg2[%add3A_13] : memref<819200xi32, #tpu.memory_space<hbm>> -> memref<512xi32, #tpu.memory_space<hbm>>
        tpu.enqueue_dma source(%dma_start3A_39 : memref<512xi32, #tpu.memory_space<hbm>>) target(%arg5 : memref<512xi32, #tpu.memory_space<vmem>>) target_semaphore(%run_scoped3A : memref<!tpu.dma_semaphore, #tpu.memory_space<semaphore_mem>>)
        %dma_wait3A_40 = tpu.memref_slice %arg2[%add3A_13] : memref<819200xi32, #tpu.memory_space<hbm>> -> memref<512xi32, #tpu.memory_space<hbm>>
        %dma_wait3A_41 = tpu.memref_slice %arg2[%add3A_13] : memref<819200xi32, #tpu.memory_space<hbm>> -> memref<512xi32, #tpu.memory_space<hbm>>
        tpu.wait_dma2 semaphore(%run_scoped3A : memref<!tpu.dma_semaphore, #tpu.memory_space<semaphore_mem>>) src(%dma_wait3A_41 : memref<512xi32, #tpu.memory_space<hbm>>) dst(%arg5 : memref<512xi32, #tpu.memory_space<vmem>>)
        tpu.yield
      }) : () -> ()
      "tpu.region"() ({
        %run_scoped3A = tpu.sem_alloc : memref<!tpu.dma_semaphore, #tpu.memory_space<semaphore_mem>>
        %dma_start3A_38 = tpu.memref_slice %arg2[%add3A_15] : memref<819200xi32, #tpu.memory_space<hbm>> -> memref<512xi32, #tpu.memory_space<hbm>>
        %dma_start3A_39 = tpu.memref_slice %arg2[%add3A_15] : memref<819200xi32, #tpu.memory_space<hbm>> -> memref<512xi32, #tpu.memory_space<hbm>>
        tpu.enqueue_dma source(%dma_start3A_39 : memref<512xi32, #tpu.memory_space<hbm>>) target(%arg6 : memref<512xi32, #tpu.memory_space<vmem>>) target_semaphore(%run_scoped3A : memref<!tpu.dma_semaphore, #tpu.memory_space<semaphore_mem>>)
        %dma_wait3A_40 = tpu.memref_slice %arg2[%add3A_15] : memref<819200xi32, #tpu.memory_space<hbm>> -> memref<512xi32, #tpu.memory_space<hbm>>
        %dma_wait3A_41 = tpu.memref_slice %arg2[%add3A_15] : memref<819200xi32, #tpu.memory_space<hbm>> -> memref<512xi32, #tpu.memory_space<hbm>>
        tpu.wait_dma2 semaphore(%run_scoped3A : memref<!tpu.dma_semaphore, #tpu.memory_space<semaphore_mem>>) src(%dma_wait3A_41 : memref<512xi32, #tpu.memory_space<hbm>>) dst(%arg6 : memref<512xi32, #tpu.memory_space<vmem>>)
        tpu.yield
      }) : () -> ()
      %dma_start3A = arith.constant 0 : i32
      %dma_start3A_16 = arith.constant 0 : i32
      %dma_start3A_17 = tpu.memref_slice %arg3[%dma_start3A, %dma_start3A_16] : memref<1000000x64xf32, #tpu.memory_space<hbm>> -> memref<1000000x64xf32, #tpu.memory_space<hbm>>
      tpu.enqueue_indirect_dma source(%dma_start3A_17 : memref<1000000x64xf32, #tpu.memory_space<hbm>>) target(%arg7 : memref<512x64xf32, #tpu.memory_space<vmem>>) offsets(%arg5 : memref<512xi32, #tpu.memory_space<vmem>>) semaphore(%arg10 : memref<!tpu.dma_semaphore, #tpu.memory_space<semaphore_mem>>)
      %dma_start3A_18 = arith.constant 0 : i32
      %dma_start3A_19 = arith.constant 0 : i32
      %dma_start3A_20 = tpu.memref_slice %arg3[%dma_start3A_18, %dma_start3A_19] : memref<1000000x64xf32, #tpu.memory_space<hbm>> -> memref<1000000x64xf32, #tpu.memory_space<hbm>>
      tpu.enqueue_indirect_dma source(%dma_start3A_20 : memref<1000000x64xf32, #tpu.memory_space<hbm>>) target(%arg8 : memref<512x64xf32, #tpu.memory_space<vmem>>) offsets(%arg6 : memref<512xi32, #tpu.memory_space<vmem>>) semaphore(%arg11 : memref<!tpu.dma_semaphore, #tpu.memory_space<semaphore_mem>>)
      %dma_wait3A = arith.constant 0 : i32
      %dma_wait3A_21 = arith.constant 0 : i32
      %dma_wait3A_22 = tpu.memref_slice %arg3[%dma_wait3A, %dma_wait3A_21] : memref<1000000x64xf32, #tpu.memory_space<hbm>> -> memref<1000000x64xf32, #tpu.memory_space<hbm>>
      tpu.wait_indirect_dma semaphore(%arg10 : memref<!tpu.dma_semaphore, #tpu.memory_space<semaphore_mem>>) src(%dma_wait3A_22 : memref<1000000x64xf32, #tpu.memory_space<hbm>>) dst(%arg7 : memref<512x64xf32, #tpu.memory_space<vmem>>)
      %scan3A_23 = arith.constant 0 : i32
      %scan3A_24 = arith.constant 0 : i32
      %scan3A_25 = arith.constant 32 : i32
      %scan3A_26 = arith.addi %scan3A_24, %scan3A_25 : i32
      %scan3A_27 = arith.constant 1 : i32
      scf.for %scan3A_38 = %scan3A_24 to %scan3A_26 step %scan3A_27  : i32 {
        %mul3A_39 = arith.constant 16 : i32
        %mul3A_40 = arith.muli %scan3A_38, %mul3A_39 : i32
        %add3A_41 = arith.constant 0 : i32
        %add3A_42 = arith.addi %mul3A_40, %add3A_41 : i32
        %get3A = arith.index_cast %add3A_42 : i32 to index
        %get3A_43 = arith.constant 0 : index
        %get3A_44 = tpu.vector_load %arg7[%get3A, %get3A_43] {strides = array<i32>} : memref<512x64xf32, #tpu.memory_space<vmem>>, vector<16xf32>,
        %mul3A_45 = arith.mulf %get3A_44, %get3A_44 : vector<16xf32>
        %get3A_46 = arith.index_cast %add3A_42 : i32 to index
        %get3A_47 = arith.constant 16 : index
        %get3A_48 = tpu.vector_load %arg7[%get3A_46, %get3A_47] {strides = array<i32>} : memref<512x64xf32, #tpu.memory_space<vmem>>, vector<16xf32>,
        %mul3A_49 = arith.mulf %get3A_48, %get3A_48 : vector<16xf32>
        %add3A_50 = arith.addf %mul3A_45, %mul3A_49 : vector<16xf32>
        %get3A_51 = arith.index_cast %add3A_42 : i32 to index
        %get3A_52 = arith.constant 32 : index
        %get3A_53 = tpu.vector_load %arg7[%get3A_51, %get3A_52] {strides = array<i32>} : memref<512x64xf32, #tpu.memory_space<vmem>>, vector<16xf32>,
        %mul3A_54 = arith.mulf %get3A_53, %get3A_53 : vector<16xf32>
        %add3A_55 = arith.addf %add3A_50, %mul3A_54 : vector<16xf32>
        %get3A_56 = arith.index_cast %add3A_42 : i32 to index
        %get3A_57 = arith.constant 48 : index
        %get3A_58 = tpu.vector_load %arg7[%get3A_56, %get3A_57] {strides = array<i32>} : memref<512x64xf32, #tpu.memory_space<vmem>>, vector<16xf32>,
        %mul3A_59 = arith.mulf %get3A_58, %get3A_58 : vector<16xf32>
        %add3A_60 = arith.addf %add3A_55, %mul3A_59 : vector<16xf32>
        %broadcast_in_dim3A = arith.constant 0 : i32
        %broadcast_in_dim3A_61 = vector.broadcast %broadcast_in_dim3A : i32 to vector<16xi32>
        tpu.vector_store_idx %arg9[%iota3A, %broadcast_in_dim3A_61], %add3A_60 : memref<16x16xf32, #tpu.memory_space<vmem>>[vector<16xi32>, vector<16xi32>], vector<16xf32>,
        %mul3A_62 = arith.constant 16 : i32
        %mul3A_63 = arith.muli %scan3A_38, %mul3A_62 : i32
        %add3A_64 = arith.constant 1 : i32
        %add3A_65 = arith.addi %mul3A_63, %add3A_64 : i32
        %get3A_66 = arith.index_cast %add3A_65 : i32 to index
        %get3A_67 = arith.constant 0 : index
        %get3A_68 = tpu.vector_load %arg7[%get3A_66, %get3A_67] {strides = array<i32>} : memref<512x64xf32, #tpu.memory_space<vmem>>, vector<16xf32>,
        %mul3A_69 = arith.mulf %get3A_68, %get3A_68 : vector<16xf32>
        %get3A_70 = arith.index_cast %add3A_65 : i32 to index
        %get3A_71 = arith.constant 16 : index
        %get3A_72 = tpu.vector_load %arg7[%get3A_70, %get3A_71] {strides = array<i32>} : memref<512x64xf32, #tpu.memory_space<vmem>>, vector<16xf32>,
        %mul3A_73 = arith.mulf %get3A_72, %get3A_72 : vector<16xf32>
        %add3A_74 = arith.addf %mul3A_69, %mul3A_73 : vector<16xf32>
        %get3A_75 = arith.index_cast %add3A_65 : i32 to index
        %get3A_76 = arith.constant 32 : index
        %get3A_77 = tpu.vector_load %arg7[%get3A_75, %get3A_76] {strides = array<i32>} : memref<512x64xf32, #tpu.memory_space<vmem>>, vector<16xf32>,
        %mul3A_78 = arith.mulf %get3A_77, %get3A_77 : vector<16xf32>
        %add3A_79 = arith.addf %add3A_74, %mul3A_78 : vector<16xf32>
        %get3A_80 = arith.index_cast %add3A_65 : i32 to index
        %get3A_81 = arith.constant 48 : index
        %get3A_82 = tpu.vector_load %arg7[%get3A_80, %get3A_81] {strides = array<i32>} : memref<512x64xf32, #tpu.memory_space<vmem>>, vector<16xf32>,
        %mul3A_83 = arith.mulf %get3A_82, %get3A_82 : vector<16xf32>
        %add3A_84 = arith.addf %add3A_79, %mul3A_83 : vector<16xf32>
        %broadcast_in_dim3A_85 = arith.constant 1 : i32
        %broadcast_in_dim3A_86 = vector.broadcast %broadcast_in_dim3A_85 : i32 to vector<16xi32>
        tpu.vector_store_idx %arg9[%iota3A, %broadcast_in_dim3A_86], %add3A_84 : memref<16x16xf32, #tpu.memory_space<vmem>>[vector<16xi32>, vector<16xi32>], vector<16xf32>,
        %mul3A_87 = arith.constant 16 : i32
        %mul3A_88 = arith.muli %scan3A_38, %mul3A_87 : i32
        %add3A_89 = arith.constant 2 : i32
        %add3A_90 = arith.addi %mul3A_88, %add3A_89 : i32
        %get3A_91 = arith.index_cast %add3A_90 : i32 to index
        %get3A_92 = arith.constant 0 : index
        %get3A_93 = tpu.vector_load %arg7[%get3A_91, %get3A_92] {strides = array<i32>} : memref<512x64xf32, #tpu.memory_space<vmem>>, vector<16xf32>,
        %mul3A_94 = arith.mulf %get3A_93, %get3A_93 : vector<16xf32>
        %get3A_95 = arith.index_cast %add3A_90 : i32 to index
        %get3A_96 = arith.constant 16 : index
        %get3A_97 = tpu.vector_load %arg7[%get3A_95, %get3A_96] {strides = array<i32>} : memref<512x64xf32, #tpu.memory_space<vmem>>, vector<16xf32>,
        %mul3A_98 = arith.mulf %get3A_97, %get3A_97 : vector<16xf32>
        %add3A_99 = arith.addf %mul3A_94, %mul3A_98 : vector<16xf32>
        %get3A_100 = arith.index_cast %add3A_90 : i32 to index
        %get3A_101 = arith.constant 32 : index
        %get3A_102 = tpu.vector_load %arg7[%get3A_100, %get3A_101] {strides = array<i32>} : memref<512x64xf32, #tpu.memory_space<vmem>>, vector<16xf32>,
        %mul3A_103 = arith.mulf %get3A_102, %get3A_102 : vector<16xf32>
        %add3A_104 = arith.addf %add3A_99, %mul3A_103 : vector<16xf32>
        %get3A_105 = arith.index_cast %add3A_90 : i32 to index
        %get3A_106 = arith.constant 48 : index
        %get3A_107 = tpu.vector_load %arg7[%get3A_105, %get3A_106] {strides = array<i32>} : memref<512x64xf32, #tpu.memory_space<vmem>>, vector<16xf32>,
        %mul3A_108 = arith.mulf %get3A_107, %get3A_107 : vector<16xf32>
        %add3A_109 = arith.addf %add3A_104, %mul3A_108 : vector<16xf32>
        %broadcast_in_dim3A_110 = arith.constant 2 : i32
        %broadcast_in_dim3A_111 = vector.broadcast %broadcast_in_dim3A_110 : i32 to vector<16xi32>
        tpu.vector_store_idx %arg9[%iota3A, %broadcast_in_dim3A_111], %add3A_109 : memref<16x16xf32, #tpu.memory_space<vmem>>[vector<16xi32>, vector<16xi32>], vector<16xf32>,
        %mul3A_112 = arith.constant 16 : i32
        %mul3A_113 = arith.muli %scan3A_38, %mul3A_112 : i32
        %add3A_114 = arith.constant 3 : i32
        %add3A_115 = arith.addi %mul3A_113, %add3A_114 : i32
        %get3A_116 = arith.index_cast %add3A_115 : i32 to index
        %get3A_117 = arith.constant 0 : index
        %get3A_118 = tpu.vector_load %arg7[%get3A_116, %get3A_117] {strides = array<i32>} : memref<512x64xf32, #tpu.memory_space<vmem>>, vector<16xf32>,
        %mul3A_119 = arith.mulf %get3A_118, %get3A_118 : vector<16xf32>
        %get3A_120 = arith.index_cast %add3A_115 : i32 to index
        %get3A_121 = arith.constant 16 : index
        %get3A_122 = tpu.vector_load %arg7[%get3A_120, %get3A_121] {strides = array<i32>} : memref<512x64xf32, #tpu.memory_space<vmem>>, vector<16xf32>,
        %mul3A_123 = arith.mulf %get3A_122, %get3A_122 : vector<16xf32>
        %add3A_124 = arith.addf %mul3A_119, %mul3A_123 : vector<16xf32>
        %get3A_125 = arith.index_cast %add3A_115 : i32 to index
        %get3A_126 = arith.constant 32 : index
        %get3A_127 = tpu.vector_load %arg7[%get3A_125, %get3A_126] {strides = array<i32>} : memref<512x64xf32, #tpu.memory_space<vmem>>, vector<16xf32>,
        %mul3A_128 = arith.mulf %get3A_127, %get3A_127 : vector<16xf32>
        %add3A_129 = arith.addf %add3A_124, %mul3A_128 : vector<16xf32>
        %get3A_130 = arith.index_cast %add3A_115 : i32 to index
        %get3A_131 = arith.constant 48 : index
        %get3A_132 = tpu.vector_load %arg7[%get3A_130, %get3A_131] {strides = array<i32>} : memref<512x64xf32, #tpu.memory_space<vmem>>, vector<16xf32>,
        %mul3A_133 = arith.mulf %get3A_132, %get3A_132 : vector<16xf32>
        %add3A_134 = arith.addf %add3A_129, %mul3A_133 : vector<16xf32>
        %broadcast_in_dim3A_135 = arith.constant 3 : i32
        %broadcast_in_dim3A_136 = vector.broadcast %broadcast_in_dim3A_135 : i32 to vector<16xi32>
        tpu.vector_store_idx %arg9[%iota3A, %broadcast_in_dim3A_136], %add3A_134 : memref<16x16xf32, #tpu.memory_space<vmem>>[vector<16xi32>, vector<16xi32>], vector<16xf32>,
        %mul3A_137 = arith.constant 16 : i32
        %mul3A_138 = arith.muli %scan3A_38, %mul3A_137 : i32
        %add3A_139 = arith.constant 4 : i32
        %add3A_140 = arith.addi %mul3A_138, %add3A_139 : i32
        %get3A_141 = arith.index_cast %add3A_140 : i32 to index
        %get3A_142 = arith.constant 0 : index
        %get3A_143 = tpu.vector_load %arg7[%get3A_141, %get3A_142] {strides = array<i32>} : memref<512x64xf32, #tpu.memory_space<vmem>>, vector<16xf32>,
        %mul3A_144 = arith.mulf %get3A_143, %get3A_143 : vector<16xf32>
        %get3A_145 = arith.index_cast %add3A_140 : i32 to index
        %get3A_146 = arith.constant 16 : index
        %get3A_147 = tpu.vector_load %arg7[%get3A_145, %get3A_146] {strides = array<i32>} : memref<512x64xf32, #tpu.memory_space<vmem>>, vector<16xf32>,
        %mul3A_148 = arith.mulf %get3A_147, %get3A_147 : vector<16xf32>
        %add3A_149 = arith.addf %mul3A_144, %mul3A_148 : vector<16xf32>
        %get3A_150 = arith.index_cast %add3A_140 : i32 to index
        %get3A_151 = arith.constant 32 : index
        %get3A_152 = tpu.vector_load %arg7[%get3A_150, %get3A_151] {strides = array<i32>} : memref<512x64xf32, #tpu.memory_space<vmem>>, vector<16xf32>,
        %mul3A_153 = arith.mulf %get3A_152, %get3A_152 : vector<16xf32>
        %add3A_154 = arith.addf %add3A_149, %mul3A_153 : vector<16xf32>
        %get3A_155 = arith.index_cast %add3A_140 : i32 to index
        %get3A_156 = arith.constant 48 : index
        %get3A_157 = tpu.vector_load %arg7[%get3A_155, %get3A_156] {strides = array<i32>} : memref<512x64xf32, #tpu.memory_space<vmem>>, vector<16xf32>,
        %mul3A_158 = arith.mulf %get3A_157, %get3A_157 : vector<16xf32>
        %add3A_159 = arith.addf %add3A_154, %mul3A_158 : vector<16xf32>
        %broadcast_in_dim3A_160 = arith.constant 4 : i32
        %broadcast_in_dim3A_161 = vector.broadcast %broadcast_in_dim3A_160 : i32 to vector<16xi32>
        tpu.vector_store_idx %arg9[%iota3A, %broadcast_in_dim3A_161], %add3A_159 : memref<16x16xf32, #tpu.memory_space<vmem>>[vector<16xi32>, vector<16xi32>], vector<16xf32>,
        %mul3A_162 = arith.constant 16 : i32
        %mul3A_163 = arith.muli %scan3A_38, %mul3A_162 : i32
        %add3A_164 = arith.constant 5 : i32
        %add3A_165 = arith.addi %mul3A_163, %add3A_164 : i32
        %get3A_166 = arith.index_cast %add3A_165 : i32 to index
        %get3A_167 = arith.constant 0 : index
        %get3A_168 = tpu.vector_load %arg7[%get3A_166, %get3A_167] {strides = array<i32>} : memref<512x64xf32, #tpu.memory_space<vmem>>, vector<16xf32>,
        %mul3A_169 = arith.mulf %get3A_168, %get3A_168 : vector<16xf32>
        %get3A_170 = arith.index_cast %add3A_165 : i32 to index
        %get3A_171 = arith.constant 16 : index
        %get3A_172 = tpu.vector_load %arg7[%get3A_170, %get3A_171] {strides = array<i32>} : memref<512x64xf32, #tpu.memory_space<vmem>>, vector<16xf32>,
        %mul3A_173 = arith.mulf %get3A_172, %get3A_172 : vector<16xf32>
        %add3A_174 = arith.addf %mul3A_169, %mul3A_173 : vector<16xf32>
        %get3A_175 = arith.index_cast %add3A_165 : i32 to index
        %get3A_176 = arith.constant 32 : index
        %get3A_177 = tpu.vector_load %arg7[%get3A_175, %get3A_176] {strides = array<i32>} : memref<512x64xf32, #tpu.memory_space<vmem>>, vector<16xf32>,
        %mul3A_178 = arith.mulf %get3A_177, %get3A_177 : vector<16xf32>
        %add3A_179 = arith.addf %add3A_174, %mul3A_178 : vector<16xf32>
        %get3A_180 = arith.index_cast %add3A_165 : i32 to index
        %get3A_181 = arith.constant 48 : index
        %get3A_182 = tpu.vector_load %arg7[%get3A_180, %get3A_181] {strides = array<i32>} : memref<512x64xf32, #tpu.memory_space<vmem>>, vector<16xf32>,
        %mul3A_183 = arith.mulf %get3A_182, %get3A_182 : vector<16xf32>
        %add3A_184 = arith.addf %add3A_179, %mul3A_183 : vector<16xf32>
        %broadcast_in_dim3A_185 = arith.constant 5 : i32
        %broadcast_in_dim3A_186 = vector.broadcast %broadcast_in_dim3A_185 : i32 to vector<16xi32>
        tpu.vector_store_idx %arg9[%iota3A, %broadcast_in_dim3A_186], %add3A_184 : memref<16x16xf32, #tpu.memory_space<vmem>>[vector<16xi32>, vector<16xi32>], vector<16xf32>,
        %mul3A_187 = arith.constant 16 : i32
        %mul3A_188 = arith.muli %scan3A_38, %mul3A_187 : i32
        %add3A_189 = arith.constant 6 : i32
        %add3A_190 = arith.addi %mul3A_188, %add3A_189 : i32
        %get3A_191 = arith.index_cast %add3A_190 : i32 to index
        %get3A_192 = arith.constant 0 : index
        %get3A_193 = tpu.vector_load %arg7[%get3A_191, %get3A_192] {strides = array<i32>} : memref<512x64xf32, #tpu.memory_space<vmem>>, vector<16xf32>,
        %mul3A_194 = arith.mulf %get3A_193, %get3A_193 : vector<16xf32>
        %get3A_195 = arith.index_cast %add3A_190 : i32 to index
        %get3A_196 = arith.constant 16 : index
        %get3A_197 = tpu.vector_load %arg7[%get3A_195, %get3A_196] {strides = array<i32>} : memref<512x64xf32, #tpu.memory_space<vmem>>, vector<16xf32>,
        %mul3A_198 = arith.mulf %get3A_197, %get3A_197 : vector<16xf32>
        %add3A_199 = arith.addf %mul3A_194, %mul3A_198 : vector<16xf32>
        %get3A_200 = arith.index_cast %add3A_190 : i32 to index
        %get3A_201 = arith.constant 32 : index
        %get3A_202 = tpu.vector_load %arg7[%get3A_200, %get3A_201] {strides = array<i32>} : memref<512x64xf32, #tpu.memory_space<vmem>>, vector<16xf32>,
        %mul3A_203 = arith.mulf %get3A_202, %get3A_202 : vector<16xf32>
        %add3A_204 = arith.addf %add3A_199, %mul3A_203 : vector<16xf32>
        %get3A_205 = arith.index_cast %add3A_190 : i32 to index
        %get3A_206 = arith.constant 48 : index
        %get3A_207 = tpu.vector_load %arg7[%get3A_205, %get3A_206] {strides = array<i32>} : memref<512x64xf32, #tpu.memory_space<vmem>>, vector<16xf32>,
        %mul3A_208 = arith.mulf %get3A_207, %get3A_207 : vector<16xf32>
        %add3A_209 = arith.addf %add3A_204, %mul3A_208 : vector<16xf32>
        %broadcast_in_dim3A_210 = arith.constant 6 : i32
        %broadcast_in_dim3A_211 = vector.broadcast %broadcast_in_dim3A_210 : i32 to vector<16xi32>
        tpu.vector_store_idx %arg9[%iota3A, %broadcast_in_dim3A_211], %add3A_209 : memref<16x16xf32, #tpu.memory_space<vmem>>[vector<16xi32>, vector<16xi32>], vector<16xf32>,
        %mul3A_212 = arith.constant 16 : i32
        %mul3A_213 = arith.muli %scan3A_38, %mul3A_212 : i32
        %add3A_214 = arith.constant 7 : i32
        %add3A_215 = arith.addi %mul3A_213, %add3A_214 : i32
        %get3A_216 = arith.index_cast %add3A_215 : i32 to index
        %get3A_217 = arith.constant 0 : index
        %get3A_218 = tpu.vector_load %arg7[%get3A_216, %get3A_217] {strides = array<i32>} : memref<512x64xf32, #tpu.memory_space<vmem>>, vector<16xf32>,
        %mul3A_219 = arith.mulf %get3A_218, %get3A_218 : vector<16xf32>
        %get3A_220 = arith.index_cast %add3A_215 : i32 to index
        %get3A_221 = arith.constant 16 : index
        %get3A_222 = tpu.vector_load %arg7[%get3A_220, %get3A_221] {strides = array<i32>} : memref<512x64xf32, #tpu.memory_space<vmem>>, vector<16xf32>,
        %mul3A_223 = arith.mulf %get3A_222, %get3A_222 : vector<16xf32>
        %add3A_224 = arith.addf %mul3A_219, %mul3A_223 : vector<16xf32>
        %get3A_225 = arith.index_cast %add3A_215 : i32 to index
        %get3A_226 = arith.constant 32 : index
        %get3A_227 = tpu.vector_load %arg7[%get3A_225, %get3A_226] {strides = array<i32>} : memref<512x64xf32, #tpu.memory_space<vmem>>, vector<16xf32>,
        %mul3A_228 = arith.mulf %get3A_227, %get3A_227 : vector<16xf32>
        %add3A_229 = arith.addf %add3A_224, %mul3A_228 : vector<16xf32>
        %get3A_230 = arith.index_cast %add3A_215 : i32 to index
        %get3A_231 = arith.constant 48 : index
        %get3A_232 = tpu.vector_load %arg7[%get3A_230, %get3A_231] {strides = array<i32>} : memref<512x64xf32, #tpu.memory_space<vmem>>, vector<16xf32>,
        %mul3A_233 = arith.mulf %get3A_232, %get3A_232 : vector<16xf32>
        %add3A_234 = arith.addf %add3A_229, %mul3A_233 : vector<16xf32>
        %broadcast_in_dim3A_235 = arith.constant 7 : i32
        %broadcast_in_dim3A_236 = vector.broadcast %broadcast_in_dim3A_235 : i32 to vector<16xi32>
        tpu.vector_store_idx %arg9[%iota3A, %broadcast_in_dim3A_236], %add3A_234 : memref<16x16xf32, #tpu.memory_space<vmem>>[vector<16xi32>, vector<16xi32>], vector<16xf32>,
        %mul3A_237 = arith.constant 16 : i32
        %mul3A_238 = arith.muli %scan3A_38, %mul3A_237 : i32
        %add3A_239 = arith.constant 8 : i32
        %add3A_240 = arith.addi %mul3A_238, %add3A_239 : i32
        %get3A_241 = arith.index_cast %add3A_240 : i32 to index
        %get3A_242 = arith.constant 0 : index
        %get3A_243 = tpu.vector_load %arg7[%get3A_241, %get3A_242] {strides = array<i32>} : memref<512x64xf32, #tpu.memory_space<vmem>>, vector<16xf32>,
        %mul3A_244 = arith.mulf %get3A_243, %get3A_243 : vector<16xf32>
        %get3A_245 = arith.index_cast %add3A_240 : i32 to index
        %get3A_246 = arith.constant 16 : index
        %get3A_247 = tpu.vector_load %arg7[%get3A_245, %get3A_246] {strides = array<i32>} : memref<512x64xf32, #tpu.memory_space<vmem>>, vector<16xf32>,
        %mul3A_248 = arith.mulf %get3A_247, %get3A_247 : vector<16xf32>
        %add3A_249 = arith.addf %mul3A_244, %mul3A_248 : vector<16xf32>
        %get3A_250 = arith.index_cast %add3A_240 : i32 to index
        %get3A_251 = arith.constant 32 : index
        %get3A_252 = tpu.vector_load %arg7[%get3A_250, %get3A_251] {strides = array<i32>} : memref<512x64xf32, #tpu.memory_space<vmem>>, vector<16xf32>,
        %mul3A_253 = arith.mulf %get3A_252, %get3A_252 : vector<16xf32>
        %add3A_254 = arith.addf %add3A_249, %mul3A_253 : vector<16xf32>
        %get3A_255 = arith.index_cast %add3A_240 : i32 to index
        %get3A_256 = arith.constant 48 : index
        %get3A_257 = tpu.vector_load %arg7[%get3A_255, %get3A_256] {strides = array<i32>} : memref<512x64xf32, #tpu.memory_space<vmem>>, vector<16xf32>,
        %mul3A_258 = arith.mulf %get3A_257, %get3A_257 : vector<16xf32>
        %add3A_259 = arith.addf %add3A_254, %mul3A_258 : vector<16xf32>
        %broadcast_in_dim3A_260 = arith.constant 8 : i32
        %broadcast_in_dim3A_261 = vector.broadcast %broadcast_in_dim3A_260 : i32 to vector<16xi32>
        tpu.vector_store_idx %arg9[%iota3A, %broadcast_in_dim3A_261], %add3A_259 : memref<16x16xf32, #tpu.memory_space<vmem>>[vector<16xi32>, vector<16xi32>], vector<16xf32>,
        %mul3A_262 = arith.constant 16 : i32
        %mul3A_263 = arith.muli %scan3A_38, %mul3A_262 : i32
        %add3A_264 = arith.constant 9 : i32
        %add3A_265 = arith.addi %mul3A_263, %add3A_264 : i32
        %get3A_266 = arith.index_cast %add3A_265 : i32 to index
        %get3A_267 = arith.constant 0 : index
        %get3A_268 = tpu.vector_load %arg7[%get3A_266, %get3A_267] {strides = array<i32>} : memref<512x64xf32, #tpu.memory_space<vmem>>, vector<16xf32>,
        %mul3A_269 = arith.mulf %get3A_268, %get3A_268 : vector<16xf32>
        %get3A_270 = arith.index_cast %add3A_265 : i32 to index
        %get3A_271 = arith.constant 16 : index
        %get3A_272 = tpu.vector_load %arg7[%get3A_270, %get3A_271] {strides = array<i32>} : memref<512x64xf32, #tpu.memory_space<vmem>>, vector<16xf32>,
        %mul3A_273 = arith.mulf %get3A_272, %get3A_272 : vector<16xf32>
        %add3A_274 = arith.addf %mul3A_269, %mul3A_273 : vector<16xf32>
        %get3A_275 = arith.index_cast %add3A_265 : i32 to index
        %get3A_276 = arith.constant 32 : index
        %get3A_277 = tpu.vector_load %arg7[%get3A_275, %get3A_276] {strides = array<i32>} : memref<512x64xf32, #tpu.memory_space<vmem>>, vector<16xf32>,
        %mul3A_278 = arith.mulf %get3A_277, %get3A_277 : vector<16xf32>
        %add3A_279 = arith.addf %add3A_274, %mul3A_278 : vector<16xf32>
        %get3A_280 = arith.index_cast %add3A_265 : i32 to index
        %get3A_281 = arith.constant 48 : index
        %get3A_282 = tpu.vector_load %arg7[%get3A_280, %get3A_281] {strides = array<i32>} : memref<512x64xf32, #tpu.memory_space<vmem>>, vector<16xf32>,
        %mul3A_283 = arith.mulf %get3A_282, %get3A_282 : vector<16xf32>
        %add3A_284 = arith.addf %add3A_279, %mul3A_283 : vector<16xf32>
        %broadcast_in_dim3A_285 = arith.constant 9 : i32
        %broadcast_in_dim3A_286 = vector.broadcast %broadcast_in_dim3A_285 : i32 to vector<16xi32>
        tpu.vector_store_idx %arg9[%iota3A, %broadcast_in_dim3A_286], %add3A_284 : memref<16x16xf32, #tpu.memory_space<vmem>>[vector<16xi32>, vector<16xi32>], vector<16xf32>,
        %mul3A_287 = arith.constant 16 : i32
        %mul3A_288 = arith.muli %scan3A_38, %mul3A_287 : i32
        %add3A_289 = arith.constant 10 : i32
        %add3A_290 = arith.addi %mul3A_288, %add3A_289 : i32
        %get3A_291 = arith.index_cast %add3A_290 : i32 to index
        %get3A_292 = arith.constant 0 : index
        %get3A_293 = tpu.vector_load %arg7[%get3A_291, %get3A_292] {strides = array<i32>} : memref<512x64xf32, #tpu.memory_space<vmem>>, vector<16xf32>,
        %mul3A_294 = arith.mulf %get3A_293, %get3A_293 : vector<16xf32>
        %get3A_295 = arith.index_cast %add3A_290 : i32 to index
        %get3A_296 = arith.constant 16 : index
        %get3A_297 = tpu.vector_load %arg7[%get3A_295, %get3A_296] {strides = array<i32>} : memref<512x64xf32, #tpu.memory_space<vmem>>, vector<16xf32>,
        %mul3A_298 = arith.mulf %get3A_297, %get3A_297 : vector<16xf32>
        %add3A_299 = arith.addf %mul3A_294, %mul3A_298 : vector<16xf32>
        %get3A_300 = arith.index_cast %add3A_290 : i32 to index
        %get3A_301 = arith.constant 32 : index
        %get3A_302 = tpu.vector_load %arg7[%get3A_300, %get3A_301] {strides = array<i32>} : memref<512x64xf32, #tpu.memory_space<vmem>>, vector<16xf32>,
        %mul3A_303 = arith.mulf %get3A_302, %get3A_302 : vector<16xf32>
        %add3A_304 = arith.addf %add3A_299, %mul3A_303 : vector<16xf32>
        %get3A_305 = arith.index_cast %add3A_290 : i32 to index
        %get3A_306 = arith.constant 48 : index
        %get3A_307 = tpu.vector_load %arg7[%get3A_305, %get3A_306] {strides = array<i32>} : memref<512x64xf32, #tpu.memory_space<vmem>>, vector<16xf32>,
        %mul3A_308 = arith.mulf %get3A_307, %get3A_307 : vector<16xf32>
        %add3A_309 = arith.addf %add3A_304, %mul3A_308 : vector<16xf32>
        %broadcast_in_dim3A_310 = arith.constant 10 : i32
        %broadcast_in_dim3A_311 = vector.broadcast %broadcast_in_dim3A_310 : i32 to vector<16xi32>
        tpu.vector_store_idx %arg9[%iota3A, %broadcast_in_dim3A_311], %add3A_309 : memref<16x16xf32, #tpu.memory_space<vmem>>[vector<16xi32>, vector<16xi32>], vector<16xf32>,
        %mul3A_312 = arith.constant 16 : i32
        %mul3A_313 = arith.muli %scan3A_38, %mul3A_312 : i32
        %add3A_314 = arith.constant 11 : i32
        %add3A_315 = arith.addi %mul3A_313, %add3A_314 : i32
        %get3A_316 = arith.index_cast %add3A_315 : i32 to index
        %get3A_317 = arith.constant 0 : index
        %get3A_318 = tpu.vector_load %arg7[%get3A_316, %get3A_317] {strides = array<i32>} : memref<512x64xf32, #tpu.memory_space<vmem>>, vector<16xf32>,
        %mul3A_319 = arith.mulf %get3A_318, %get3A_318 : vector<16xf32>
        %get3A_320 = arith.index_cast %add3A_315 : i32 to index
        %get3A_321 = arith.constant 16 : index
        %get3A_322 = tpu.vector_load %arg7[%get3A_320, %get3A_321] {strides = array<i32>} : memref<512x64xf32, #tpu.memory_space<vmem>>, vector<16xf32>,
        %mul3A_323 = arith.mulf %get3A_322, %get3A_322 : vector<16xf32>
        %add3A_324 = arith.addf %mul3A_319, %mul3A_323 : vector<16xf32>
        %get3A_325 = arith.index_cast %add3A_315 : i32 to index
        %get3A_326 = arith.constant 32 : index
        %get3A_327 = tpu.vector_load %arg7[%get3A_325, %get3A_326] {strides = array<i32>} : memref<512x64xf32, #tpu.memory_space<vmem>>, vector<16xf32>,
        %mul3A_328 = arith.mulf %get3A_327, %get3A_327 : vector<16xf32>
        %add3A_329 = arith.addf %add3A_324, %mul3A_328 : vector<16xf32>
        %get3A_330 = arith.index_cast %add3A_315 : i32 to index
        %get3A_331 = arith.constant 48 : index
        %get3A_332 = tpu.vector_load %arg7[%get3A_330, %get3A_331] {strides = array<i32>} : memref<512x64xf32, #tpu.memory_space<vmem>>, vector<16xf32>,
        %mul3A_333 = arith.mulf %get3A_332, %get3A_332 : vector<16xf32>
        %add3A_334 = arith.addf %add3A_329, %mul3A_333 : vector<16xf32>
        %broadcast_in_dim3A_335 = arith.constant 11 : i32
        %broadcast_in_dim3A_336 = vector.broadcast %broadcast_in_dim3A_335 : i32 to vector<16xi32>
        tpu.vector_store_idx %arg9[%iota3A, %broadcast_in_dim3A_336], %add3A_334 : memref<16x16xf32, #tpu.memory_space<vmem>>[vector<16xi32>, vector<16xi32>], vector<16xf32>,
        %mul3A_337 = arith.constant 16 : i32
        %mul3A_338 = arith.muli %scan3A_38, %mul3A_337 : i32
        %add3A_339 = arith.constant 12 : i32
        %add3A_340 = arith.addi %mul3A_338, %add3A_339 : i32
        %get3A_341 = arith.index_cast %add3A_340 : i32 to index
        %get3A_342 = arith.constant 0 : index
        %get3A_343 = tpu.vector_load %arg7[%get3A_341, %get3A_342] {strides = array<i32>} : memref<512x64xf32, #tpu.memory_space<vmem>>, vector<16xf32>,
        %mul3A_344 = arith.mulf %get3A_343, %get3A_343 : vector<16xf32>
        %get3A_345 = arith.index_cast %add3A_340 : i32 to index
        %get3A_346 = arith.constant 16 : index
        %get3A_347 = tpu.vector_load %arg7[%get3A_345, %get3A_346] {strides = array<i32>} : memref<512x64xf32, #tpu.memory_space<vmem>>, vector<16xf32>,
        %mul3A_348 = arith.mulf %get3A_347, %get3A_347 : vector<16xf32>
        %add3A_349 = arith.addf %mul3A_344, %mul3A_348 : vector<16xf32>
        %get3A_350 = arith.index_cast %add3A_340 : i32 to index
        %get3A_351 = arith.constant 32 : index
        %get3A_352 = tpu.vector_load %arg7[%get3A_350, %get3A_351] {strides = array<i32>} : memref<512x64xf32, #tpu.memory_space<vmem>>, vector<16xf32>,
        %mul3A_353 = arith.mulf %get3A_352, %get3A_352 : vector<16xf32>
        %add3A_354 = arith.addf %add3A_349, %mul3A_353 : vector<16xf32>
        %get3A_355 = arith.index_cast %add3A_340 : i32 to index
        %get3A_356 = arith.constant 48 : index
        %get3A_357 = tpu.vector_load %arg7[%get3A_355, %get3A_356] {strides = array<i32>} : memref<512x64xf32, #tpu.memory_space<vmem>>, vector<16xf32>,
        %mul3A_358 = arith.mulf %get3A_357, %get3A_357 : vector<16xf32>
        %add3A_359 = arith.addf %add3A_354, %mul3A_358 : vector<16xf32>
        %broadcast_in_dim3A_360 = arith.constant 12 : i32
        %broadcast_in_dim3A_361 = vector.broadcast %broadcast_in_dim3A_360 : i32 to vector<16xi32>
        tpu.vector_store_idx %arg9[%iota3A, %broadcast_in_dim3A_361], %add3A_359 : memref<16x16xf32, #tpu.memory_space<vmem>>[vector<16xi32>, vector<16xi32>], vector<16xf32>,
        %mul3A_362 = arith.constant 16 : i32
        %mul3A_363 = arith.muli %scan3A_38, %mul3A_362 : i32
        %add3A_364 = arith.constant 13 : i32
        %add3A_365 = arith.addi %mul3A_363, %add3A_364 : i32
        %get3A_366 = arith.index_cast %add3A_365 : i32 to index
        %get3A_367 = arith.constant 0 : index
        %get3A_368 = tpu.vector_load %arg7[%get3A_366, %get3A_367] {strides = array<i32>} : memref<512x64xf32, #tpu.memory_space<vmem>>, vector<16xf32>,
        %mul3A_369 = arith.mulf %get3A_368, %get3A_368 : vector<16xf32>
        %get3A_370 = arith.index_cast %add3A_365 : i32 to index
        %get3A_371 = arith.constant 16 : index
        %get3A_372 = tpu.vector_load %arg7[%get3A_370, %get3A_371] {strides = array<i32>} : memref<512x64xf32, #tpu.memory_space<vmem>>, vector<16xf32>,
        %mul3A_373 = arith.mulf %get3A_372, %get3A_372 : vector<16xf32>
        %add3A_374 = arith.addf %mul3A_369, %mul3A_373 : vector<16xf32>
        %get3A_375 = arith.index_cast %add3A_365 : i32 to index
        %get3A_376 = arith.constant 32 : index
        %get3A_377 = tpu.vector_load %arg7[%get3A_375, %get3A_376] {strides = array<i32>} : memref<512x64xf32, #tpu.memory_space<vmem>>, vector<16xf32>,
        %mul3A_378 = arith.mulf %get3A_377, %get3A_377 : vector<16xf32>
        %add3A_379 = arith.addf %add3A_374, %mul3A_378 : vector<16xf32>
        %get3A_380 = arith.index_cast %add3A_365 : i32 to index
        %get3A_381 = arith.constant 48 : index
        %get3A_382 = tpu.vector_load %arg7[%get3A_380, %get3A_381] {strides = array<i32>} : memref<512x64xf32, #tpu.memory_space<vmem>>, vector<16xf32>,
        %mul3A_383 = arith.mulf %get3A_382, %get3A_382 : vector<16xf32>
        %add3A_384 = arith.addf %add3A_379, %mul3A_383 : vector<16xf32>
        %broadcast_in_dim3A_385 = arith.constant 13 : i32
        %broadcast_in_dim3A_386 = vector.broadcast %broadcast_in_dim3A_385 : i32 to vector<16xi32>
        tpu.vector_store_idx %arg9[%iota3A, %broadcast_in_dim3A_386], %add3A_384 : memref<16x16xf32, #tpu.memory_space<vmem>>[vector<16xi32>, vector<16xi32>], vector<16xf32>,
        %mul3A_387 = arith.constant 16 : i32
        %mul3A_388 = arith.muli %scan3A_38, %mul3A_387 : i32
        %add3A_389 = arith.constant 14 : i32
        %add3A_390 = arith.addi %mul3A_388, %add3A_389 : i32
        %get3A_391 = arith.index_cast %add3A_390 : i32 to index
        %get3A_392 = arith.constant 0 : index
        %get3A_393 = tpu.vector_load %arg7[%get3A_391, %get3A_392] {strides = array<i32>} : memref<512x64xf32, #tpu.memory_space<vmem>>, vector<16xf32>,
        %mul3A_394 = arith.mulf %get3A_393, %get3A_393 : vector<16xf32>
        %get3A_395 = arith.index_cast %add3A_390 : i32 to index
        %get3A_396 = arith.constant 16 : index
        %get3A_397 = tpu.vector_load %arg7[%get3A_395, %get3A_396] {strides = array<i32>} : memref<512x64xf32, #tpu.memory_space<vmem>>, vector<16xf32>,
        %mul3A_398 = arith.mulf %get3A_397, %get3A_397 : vector<16xf32>
        %add3A_399 = arith.addf %mul3A_394, %mul3A_398 : vector<16xf32>
        %get3A_400 = arith.index_cast %add3A_390 : i32 to index
        %get3A_401 = arith.constant 32 : index
        %get3A_402 = tpu.vector_load %arg7[%get3A_400, %get3A_401] {strides = array<i32>} : memref<512x64xf32, #tpu.memory_space<vmem>>, vector<16xf32>,
        %mul3A_403 = arith.mulf %get3A_402, %get3A_402 : vector<16xf32>
        %add3A_404 = arith.addf %add3A_399, %mul3A_403 : vector<16xf32>
        %get3A_405 = arith.index_cast %add3A_390 : i32 to index
        %get3A_406 = arith.constant 48 : index
        %get3A_407 = tpu.vector_load %arg7[%get3A_405, %get3A_406] {strides = array<i32>} : memref<512x64xf32, #tpu.memory_space<vmem>>, vector<16xf32>,
        %mul3A_408 = arith.mulf %get3A_407, %get3A_407 : vector<16xf32>
        %add3A_409 = arith.addf %add3A_404, %mul3A_408 : vector<16xf32>
        %broadcast_in_dim3A_410 = arith.constant 14 : i32
        %broadcast_in_dim3A_411 = vector.broadcast %broadcast_in_dim3A_410 : i32 to vector<16xi32>
        tpu.vector_store_idx %arg9[%iota3A, %broadcast_in_dim3A_411], %add3A_409 : memref<16x16xf32, #tpu.memory_space<vmem>>[vector<16xi32>, vector<16xi32>], vector<16xf32>,
        %mul3A_412 = arith.constant 16 : i32
        %mul3A_413 = arith.muli %scan3A_38, %mul3A_412 : i32
        %add3A_414 = arith.constant 15 : i32
        %add3A_415 = arith.addi %mul3A_413, %add3A_414 : i32
        %get3A_416 = arith.index_cast %add3A_415 : i32 to index
        %get3A_417 = arith.constant 0 : index
        %get3A_418 = tpu.vector_load %arg7[%get3A_416, %get3A_417] {strides = array<i32>} : memref<512x64xf32, #tpu.memory_space<vmem>>, vector<16xf32>,
        %mul3A_419 = arith.mulf %get3A_418, %get3A_418 : vector<16xf32>
        %get3A_420 = arith.index_cast %add3A_415 : i32 to index
        %get3A_421 = arith.constant 16 : index
        %get3A_422 = tpu.vector_load %arg7[%get3A_420, %get3A_421] {strides = array<i32>} : memref<512x64xf32, #tpu.memory_space<vmem>>, vector<16xf32>,
        %mul3A_423 = arith.mulf %get3A_422, %get3A_422 : vector<16xf32>
        %add3A_424 = arith.addf %mul3A_419, %mul3A_423 : vector<16xf32>
        %get3A_425 = arith.index_cast %add3A_415 : i32 to index
        %get3A_426 = arith.constant 32 : index
        %get3A_427 = tpu.vector_load %arg7[%get3A_425, %get3A_426] {strides = array<i32>} : memref<512x64xf32, #tpu.memory_space<vmem>>, vector<16xf32>,
        %mul3A_428 = arith.mulf %get3A_427, %get3A_427 : vector<16xf32>
        %add3A_429 = arith.addf %add3A_424, %mul3A_428 : vector<16xf32>
        %get3A_430 = arith.index_cast %add3A_415 : i32 to index
        %get3A_431 = arith.constant 48 : index
        %get3A_432 = tpu.vector_load %arg7[%get3A_430, %get3A_431] {strides = array<i32>} : memref<512x64xf32, #tpu.memory_space<vmem>>, vector<16xf32>,
        %mul3A_433 = arith.mulf %get3A_432, %get3A_432 : vector<16xf32>
        %add3A_434 = arith.addf %add3A_429, %mul3A_433 : vector<16xf32>
        %broadcast_in_dim3A_435 = arith.constant 15 : i32
        %broadcast_in_dim3A_436 = vector.broadcast %broadcast_in_dim3A_435 : i32 to vector<16xi32>
        tpu.vector_store_idx %arg9[%iota3A, %broadcast_in_dim3A_436], %add3A_434 : memref<16x16xf32, #tpu.memory_space<vmem>>[vector<16xi32>, vector<16xi32>], vector<16xf32>,
        %get3A_437 = arith.constant 0 : i32
        %get3A_438 = arith.index_cast %get3A_437 : i32 to index
        %get3A_439 = arith.constant 0 : index
        %get3A_440 = tpu.vector_load %arg9[%get3A_438, %get3A_439] {strides = array<i32>} : memref<16x16xf32, #tpu.memory_space<vmem>>, vector<16xf32>,
        %get3A_441 = arith.constant 1 : i32
        %get3A_442 = arith.index_cast %get3A_441 : i32 to index
        %get3A_443 = arith.constant 0 : index
        %get3A_444 = tpu.vector_load %arg9[%get3A_442, %get3A_443] {strides = array<i32>} : memref<16x16xf32, #tpu.memory_space<vmem>>, vector<16xf32>,
        %add3A_445 = arith.addf %get3A_440, %get3A_444 : vector<16xf32>
        %get3A_446 = arith.constant 2 : i32
        %get3A_447 = arith.index_cast %get3A_446 : i32 to index
        %get3A_448 = arith.constant 0 : index
        %get3A_449 = tpu.vector_load %arg9[%get3A_447, %get3A_448] {strides = array<i32>} : memref<16x16xf32, #tpu.memory_space<vmem>>, vector<16xf32>,
        %add3A_450 = arith.addf %add3A_445, %get3A_449 : vector<16xf32>
        %get3A_451 = arith.constant 3 : i32
        %get3A_452 = arith.index_cast %get3A_451 : i32 to index
        %get3A_453 = arith.constant 0 : index
        %get3A_454 = tpu.vector_load %arg9[%get3A_452, %get3A_453] {strides = array<i32>} : memref<16x16xf32, #tpu.memory_space<vmem>>, vector<16xf32>,
        %add3A_455 = arith.addf %add3A_450, %get3A_454 : vector<16xf32>
        %get3A_456 = arith.constant 4 : i32
        %get3A_457 = arith.index_cast %get3A_456 : i32 to index
        %get3A_458 = arith.constant 0 : index
        %get3A_459 = tpu.vector_load %arg9[%get3A_457, %get3A_458] {strides = array<i32>} : memref<16x16xf32, #tpu.memory_space<vmem>>, vector<16xf32>,
        %add3A_460 = arith.addf %add3A_455, %get3A_459 : vector<16xf32>
        %get3A_461 = arith.constant 5 : i32
        %get3A_462 = arith.index_cast %get3A_461 : i32 to index
        %get3A_463 = arith.constant 0 : index
        %get3A_464 = tpu.vector_load %arg9[%get3A_462, %get3A_463] {strides = array<i32>} : memref<16x16xf32, #tpu.memory_space<vmem>>, vector<16xf32>,
        %add3A_465 = arith.addf %add3A_460, %get3A_464 : vector<16xf32>
        %get3A_466 = arith.constant 6 : i32
        %get3A_467 = arith.index_cast %get3A_466 : i32 to index
        %get3A_468 = arith.constant 0 : index
        %get3A_469 = tpu.vector_load %arg9[%get3A_467, %get3A_468] {strides = array<i32>} : memref<16x16xf32, #tpu.memory_space<vmem>>, vector<16xf32>,
        %add3A_470 = arith.addf %add3A_465, %get3A_469 : vector<16xf32>
        %get3A_471 = arith.constant 7 : i32
        %get3A_472 = arith.index_cast %get3A_471 : i32 to index
        %get3A_473 = arith.constant 0 : index
        %get3A_474 = tpu.vector_load %arg9[%get3A_472, %get3A_473] {strides = array<i32>} : memref<16x16xf32, #tpu.memory_space<vmem>>, vector<16xf32>,
        %add3A_475 = arith.addf %add3A_470, %get3A_474 : vector<16xf32>
        %get3A_476 = arith.constant 8 : i32
        %get3A_477 = arith.index_cast %get3A_476 : i32 to index
        %get3A_478 = arith.constant 0 : index
        %get3A_479 = tpu.vector_load %arg9[%get3A_477, %get3A_478] {strides = array<i32>} : memref<16x16xf32, #tpu.memory_space<vmem>>, vector<16xf32>,
        %add3A_480 = arith.addf %add3A_475, %get3A_479 : vector<16xf32>
        %get3A_481 = arith.constant 9 : i32
        %get3A_482 = arith.index_cast %get3A_481 : i32 to index
        %get3A_483 = arith.constant 0 : index
        %get3A_484 = tpu.vector_load %arg9[%get3A_482, %get3A_483] {strides = array<i32>} : memref<16x16xf32, #tpu.memory_space<vmem>>, vector<16xf32>,
        %add3A_485 = arith.addf %add3A_480, %get3A_484 : vector<16xf32>
        %get3A_486 = arith.constant 10 : i32
        %get3A_487 = arith.index_cast %get3A_486 : i32 to index
        %get3A_488 = arith.constant 0 : index
        %get3A_489 = tpu.vector_load %arg9[%get3A_487, %get3A_488] {strides = array<i32>} : memref<16x16xf32, #tpu.memory_space<vmem>>, vector<16xf32>,
        %add3A_490 = arith.addf %add3A_485, %get3A_489 : vector<16xf32>
        %get3A_491 = arith.constant 11 : i32
        %get3A_492 = arith.index_cast %get3A_491 : i32 to index
        %get3A_493 = arith.constant 0 : index
        %get3A_494 = tpu.vector_load %arg9[%get3A_492, %get3A_493] {strides = array<i32>} : memref<16x16xf32, #tpu.memory_space<vmem>>, vector<16xf32>,
        %add3A_495 = arith.addf %add3A_490, %get3A_494 : vector<16xf32>
        %get3A_496 = arith.constant 12 : i32
        %get3A_497 = arith.index_cast %get3A_496 : i32 to index
        %get3A_498 = arith.constant 0 : index
        %get3A_499 = tpu.vector_load %arg9[%get3A_497, %get3A_498] {strides = array<i32>} : memref<16x16xf32, #tpu.memory_space<vmem>>, vector<16xf32>,
        %add3A_500 = arith.addf %add3A_495, %get3A_499 : vector<16xf32>
        %get3A_501 = arith.constant 13 : i32
        %get3A_502 = arith.index_cast %get3A_501 : i32 to index
        %get3A_503 = arith.constant 0 : index
        %get3A_504 = tpu.vector_load %arg9[%get3A_502, %get3A_503] {strides = array<i32>} : memref<16x16xf32, #tpu.memory_space<vmem>>, vector<16xf32>,
        %add3A_505 = arith.addf %add3A_500, %get3A_504 : vector<16xf32>
        %get3A_506 = arith.constant 14 : i32
        %get3A_507 = arith.index_cast %get3A_506 : i32 to index
        %get3A_508 = arith.constant 0 : index
        %get3A_509 = tpu.vector_load %arg9[%get3A_507, %get3A_508] {strides = array<i32>} : memref<16x16xf32, #tpu.memory_space<vmem>>, vector<16xf32>,
        %add3A_510 = arith.addf %add3A_505, %get3A_509 : vector<16xf32>
        %get3A_511 = arith.constant 15 : i32
        %get3A_512 = arith.index_cast %get3A_511 : i32 to index
        %get3A_513 = arith.constant 0 : index
        %get3A_514 = tpu.vector_load %arg9[%get3A_512, %get3A_513] {strides = array<i32>} : memref<16x16xf32, #tpu.memory_space<vmem>>, vector<16xf32>,
        %add3A_515 = arith.addf %add3A_510, %get3A_514 : vector<16xf32>
        %bitcast3A = vector.bitcast %add3A_515 : vector<16xf32> to vector<16xi32>
        %shift_right_arithmetic3A = arith.constant 1 : i32
        %shift_right_arithmetic3A_516 = vector.broadcast %shift_right_arithmetic3A : i32 to vector<16xi32>
        %shift_right_arithmetic3A_517 = arith.shrsi %bitcast3A, %shift_right_arithmetic3A_516 : vector<16xi32>
        %sub3A = arith.constant 1597463007 : i32
        %sub3A_518 = vector.broadcast %sub3A : i32 to vector<16xi32>
        %sub3A_519 = arith.subi %sub3A_518, %shift_right_arithmetic3A_517 : vector<16xi32>
        %bitcast3A_520 = vector.bitcast %sub3A_519 : vector<16xi32> to vector<16xf32>
        %mul3A_521 = arith.constant 5.000000e-01 : f32
        %mul3A_522 = vector.broadcast %mul3A_521 : f32 to vector<16xf32>
        %mul3A_523 = arith.mulf %mul3A_522, %add3A_515 : vector<16xf32>
        %mul3A_524 = arith.mulf %mul3A_523, %bitcast3A_520 : vector<16xf32>
        %mul3A_525 = arith.mulf %mul3A_524, %bitcast3A_520 : vector<16xf32>
        %sub3A_526 = arith.constant 1.500000e+00 : f32
        %sub3A_527 = vector.broadcast %sub3A_526 : f32 to vector<16xf32>
        %sub3A_528 = arith.subf %sub3A_527, %mul3A_525 : vector<16xf32>
        %mul3A_529 = arith.mulf %bitcast3A_520, %sub3A_528 : vector<16xf32>
        %mul3A_530 = arith.constant 5.000000e-01 : f32
        %mul3A_531 = vector.broadcast %mul3A_530 : f32 to vector<16xf32>
        %mul3A_532 = arith.mulf %mul3A_531, %add3A_515 : vector<16xf32>
        %mul3A_533 = arith.mulf %mul3A_532, %mul3A_529 : vector<16xf32>
        %mul3A_534 = arith.mulf %mul3A_533, %mul3A_529 : vector<16xf32>
        %sub3A_535 = arith.constant 1.500000e+00 : f32
        %sub3A_536 = vector.broadcast %sub3A_535 : f32 to vector<16xf32>
        %sub3A_537 = arith.subf %sub3A_536, %mul3A_534 : vector<16xf32>
        %mul3A_538 = arith.mulf %mul3A_529, %sub3A_537 : vector<16xf32>
        %mul3A_539 = arith.constant 5.000000e-01 : f32
        %mul3A_540 = vector.broadcast %mul3A_539 : f32 to vector<16xf32>
        %mul3A_541 = arith.mulf %mul3A_540, %add3A_515 : vector<16xf32>
        %mul3A_542 = arith.mulf %mul3A_541, %mul3A_538 : vector<16xf32>
        %mul3A_543 = arith.mulf %mul3A_542, %mul3A_538 : vector<16xf32>
        %sub3A_544 = arith.constant 1.500000e+00 : f32
        %sub3A_545 = vector.broadcast %sub3A_544 : f32 to vector<16xf32>
        %sub3A_546 = arith.subf %sub3A_545, %mul3A_543 : vector<16xf32>
        %mul3A_547 = arith.mulf %mul3A_538, %sub3A_546 : vector<16xf32>
        %gt3A = arith.constant 1.000000e+00 : f32
        %gt3A_548 = vector.broadcast %gt3A : f32 to vector<16xf32>
        %gt3A_549 = arith.cmpf ogt, %add3A_515, %gt3A_548 : vector<16xf32>
        %mul3A_550 = arith.constant 1.000000e+00 : f32
        %mul3A_551 = vector.broadcast %mul3A_550 : f32 to vector<16xf32>
        %mul3A_552 = arith.mulf %mul3A_547, %mul3A_551 : vector<16xf32>
        %jit3A = arith.constant 1.000000e+00 : f32
        %broadcast_in_dim3A_553 = vector.broadcast %jit3A : f32 to vector<16xf32>
        %select_n3A = arith.select %gt3A_549, %mul3A_552, %broadcast_in_dim3A_553 : vector<16xi1>, vector<16xf32>
        %mul3A_554 = arith.constant 16 : i32
        %mul3A_555 = arith.muli %scan3A_38, %mul3A_554 : i32
        %add3A_556 = arith.constant 0 : i32
        %add3A_557 = arith.addi %mul3A_555, %add3A_556 : i32
        %slice3A = vector.extract_strided_slice %select_n3A {offsets = [0], sizes = [1], strides = [1]} : vector<16xf32> to vector<1xf32>
        %squeeze3A = vector.extract %slice3A[0] : f32 from vector<1xf32>
        %get3A_558 = arith.index_cast %add3A_557 : i32 to index
        %get3A_559 = arith.constant 0 : index
        %get3A_560 = tpu.vector_load %arg7[%get3A_558, %get3A_559] {strides = array<i32>} : memref<512x64xf32, #tpu.memory_space<vmem>>, vector<16xf32>,
        %mul3A_561 = vector.broadcast %squeeze3A : f32 to vector<16xf32>
        %mul3A_562 = arith.mulf %get3A_560, %mul3A_561 : vector<16xf32>
        %swap3A = arith.index_cast %add3A_557 : i32 to index
        %swap3A_563 = arith.constant 0 : index
        %swap3A_564 = tpu.vector_load %arg7[%swap3A, %swap3A_563] {strides = array<i32>} : memref<512x64xf32, #tpu.memory_space<vmem>>, vector<16xf32>,
        tpu.vector_store %arg7[%swap3A, %swap3A_563], %mul3A_562 {strides = array<i32>} : memref<512x64xf32, #tpu.memory_space<vmem>>, vector<16xf32>,
        %get3A_565 = arith.index_cast %add3A_557 : i32 to index
        %get3A_566 = arith.constant 16 : index
        %get3A_567 = tpu.vector_load %arg7[%get3A_565, %get3A_566] {strides = array<i32>} : memref<512x64xf32, #tpu.memory_space<vmem>>, vector<16xf32>,
        %mul3A_568 = vector.broadcast %squeeze3A : f32 to vector<16xf32>
        %mul3A_569 = arith.mulf %get3A_567, %mul3A_568 : vector<16xf32>
        %swap3A_570 = arith.index_cast %add3A_557 : i32 to index
        %swap3A_571 = arith.constant 16 : index
        %swap3A_572 = tpu.vector_load %arg7[%swap3A_570, %swap3A_571] {strides = array<i32>} : memref<512x64xf32, #tpu.memory_space<vmem>>, vector<16xf32>,
        tpu.vector_store %arg7[%swap3A_570, %swap3A_571], %mul3A_569 {strides = array<i32>} : memref<512x64xf32, #tpu.memory_space<vmem>>, vector<16xf32>,
        %get3A_573 = arith.index_cast %add3A_557 : i32 to index
        %get3A_574 = arith.constant 32 : index
        %get3A_575 = tpu.vector_load %arg7[%get3A_573, %get3A_574] {strides = array<i32>} : memref<512x64xf32, #tpu.memory_space<vmem>>, vector<16xf32>,
        %mul3A_576 = vector.broadcast %squeeze3A : f32 to vector<16xf32>
        %mul3A_577 = arith.mulf %get3A_575, %mul3A_576 : vector<16xf32>
        %swap3A_578 = arith.index_cast %add3A_557 : i32 to index
        %swap3A_579 = arith.constant 32 : index
        %swap3A_580 = tpu.vector_load %arg7[%swap3A_578, %swap3A_579] {strides = array<i32>} : memref<512x64xf32, #tpu.memory_space<vmem>>, vector<16xf32>,
        tpu.vector_store %arg7[%swap3A_578, %swap3A_579], %mul3A_577 {strides = array<i32>} : memref<512x64xf32, #tpu.memory_space<vmem>>, vector<16xf32>,
        %get3A_581 = arith.index_cast %add3A_557 : i32 to index
        %get3A_582 = arith.constant 48 : index
        %get3A_583 = tpu.vector_load %arg7[%get3A_581, %get3A_582] {strides = array<i32>} : memref<512x64xf32, #tpu.memory_space<vmem>>, vector<16xf32>,
        %mul3A_584 = vector.broadcast %squeeze3A : f32 to vector<16xf32>
        %mul3A_585 = arith.mulf %get3A_583, %mul3A_584 : vector<16xf32>
        %swap3A_586 = arith.index_cast %add3A_557 : i32 to index
        %swap3A_587 = arith.constant 48 : index
        %swap3A_588 = tpu.vector_load %arg7[%swap3A_586, %swap3A_587] {strides = array<i32>} : memref<512x64xf32, #tpu.memory_space<vmem>>, vector<16xf32>,
        tpu.vector_store %arg7[%swap3A_586, %swap3A_587], %mul3A_585 {strides = array<i32>} : memref<512x64xf32, #tpu.memory_space<vmem>>, vector<16xf32>,
        %mul3A_589 = arith.constant 16 : i32
        %mul3A_590 = arith.muli %scan3A_38, %mul3A_589 : i32
        %add3A_591 = arith.constant 1 : i32
        %add3A_592 = arith.addi %mul3A_590, %add3A_591 : i32
        %slice3A_593 = vector.extract_strided_slice %select_n3A {offsets = [1], sizes = [1], strides = [1]} : vector<16xf32> to vector<1xf32>
        %squeeze3A_594 = vector.extract %slice3A_593[0] : f32 from vector<1xf32>
        %get3A_595 = arith.index_cast %add3A_592 : i32 to index
        %get3A_596 = arith.constant 0 : index
        %get3A_597 = tpu.vector_load %arg7[%get3A_595, %get3A_596] {strides = array<i32>} : memref<512x64xf32, #tpu.memory_space<vmem>>, vector<16xf32>,
        %mul3A_598 = vector.broadcast %squeeze3A_594 : f32 to vector<16xf32>
        %mul3A_599 = arith.mulf %get3A_597, %mul3A_598 : vector<16xf32>
        %swap3A_600 = arith.index_cast %add3A_592 : i32 to index
        %swap3A_601 = arith.constant 0 : index
        %swap3A_602 = tpu.vector_load %arg7[%swap3A_600, %swap3A_601] {strides = array<i32>} : memref<512x64xf32, #tpu.memory_space<vmem>>, vector<16xf32>,
        tpu.vector_store %arg7[%swap3A_600, %swap3A_601], %mul3A_599 {strides = array<i32>} : memref<512x64xf32, #tpu.memory_space<vmem>>, vector<16xf32>,
        %get3A_603 = arith.index_cast %add3A_592 : i32 to index
        %get3A_604 = arith.constant 16 : index
        %get3A_605 = tpu.vector_load %arg7[%get3A_603, %get3A_604] {strides = array<i32>} : memref<512x64xf32, #tpu.memory_space<vmem>>, vector<16xf32>,
        %mul3A_606 = vector.broadcast %squeeze3A_594 : f32 to vector<16xf32>
        %mul3A_607 = arith.mulf %get3A_605, %mul3A_606 : vector<16xf32>
        %swap3A_608 = arith.index_cast %add3A_592 : i32 to index
        %swap3A_609 = arith.constant 16 : index
        %swap3A_610 = tpu.vector_load %arg7[%swap3A_608, %swap3A_609] {strides = array<i32>} : memref<512x64xf32, #tpu.memory_space<vmem>>, vector<16xf32>,
        tpu.vector_store %arg7[%swap3A_608, %swap3A_609], %mul3A_607 {strides = array<i32>} : memref<512x64xf32, #tpu.memory_space<vmem>>, vector<16xf32>,
        %get3A_611 = arith.index_cast %add3A_592 : i32 to index
        %get3A_612 = arith.constant 32 : index
        %get3A_613 = tpu.vector_load %arg7[%get3A_611, %get3A_612] {strides = array<i32>} : memref<512x64xf32, #tpu.memory_space<vmem>>, vector<16xf32>,
        %mul3A_614 = vector.broadcast %squeeze3A_594 : f32 to vector<16xf32>
        %mul3A_615 = arith.mulf %get3A_613, %mul3A_614 : vector<16xf32>
        %swap3A_616 = arith.index_cast %add3A_592 : i32 to index
        %swap3A_617 = arith.constant 32 : index
        %swap3A_618 = tpu.vector_load %arg7[%swap3A_616, %swap3A_617] {strides = array<i32>} : memref<512x64xf32, #tpu.memory_space<vmem>>, vector<16xf32>,
        tpu.vector_store %arg7[%swap3A_616, %swap3A_617], %mul3A_615 {strides = array<i32>} : memref<512x64xf32, #tpu.memory_space<vmem>>, vector<16xf32>,
        %get3A_619 = arith.index_cast %add3A_592 : i32 to index
        %get3A_620 = arith.constant 48 : index
        %get3A_621 = tpu.vector_load %arg7[%get3A_619, %get3A_620] {strides = array<i32>} : memref<512x64xf32, #tpu.memory_space<vmem>>, vector<16xf32>,
        %mul3A_622 = vector.broadcast %squeeze3A_594 : f32 to vector<16xf32>
        %mul3A_623 = arith.mulf %get3A_621, %mul3A_622 : vector<16xf32>
        %swap3A_624 = arith.index_cast %add3A_592 : i32 to index
        %swap3A_625 = arith.constant 48 : index
        %swap3A_626 = tpu.vector_load %arg7[%swap3A_624, %swap3A_625] {strides = array<i32>} : memref<512x64xf32, #tpu.memory_space<vmem>>, vector<16xf32>,
        tpu.vector_store %arg7[%swap3A_624, %swap3A_625], %mul3A_623 {strides = array<i32>} : memref<512x64xf32, #tpu.memory_space<vmem>>, vector<16xf32>,
        %mul3A_627 = arith.constant 16 : i32
        %mul3A_628 = arith.muli %scan3A_38, %mul3A_627 : i32
        %add3A_629 = arith.constant 2 : i32
        %add3A_630 = arith.addi %mul3A_628, %add3A_629 : i32
        %slice3A_631 = vector.extract_strided_slice %select_n3A {offsets = [2], sizes = [1], strides = [1]} : vector<16xf32> to vector<1xf32>
        %squeeze3A_632 = vector.extract %slice3A_631[0] : f32 from vector<1xf32>
        %get3A_633 = arith.index_cast %add3A_630 : i32 to index
        %get3A_634 = arith.constant 0 : index
        %get3A_635 = tpu.vector_load %arg7[%get3A_633, %get3A_634] {strides = array<i32>} : memref<512x64xf32, #tpu.memory_space<vmem>>, vector<16xf32>,
        %mul3A_636 = vector.broadcast %squeeze3A_632 : f32 to vector<16xf32>
        %mul3A_637 = arith.mulf %get3A_635, %mul3A_636 : vector<16xf32>
        %swap3A_638 = arith.index_cast %add3A_630 : i32 to index
        %swap3A_639 = arith.constant 0 : index
        %swap3A_640 = tpu.vector_load %arg7[%swap3A_638, %swap3A_639] {strides = array<i32>} : memref<512x64xf32, #tpu.memory_space<vmem>>, vector<16xf32>,
        tpu.vector_store %arg7[%swap3A_638, %swap3A_639], %mul3A_637 {strides = array<i32>} : memref<512x64xf32, #tpu.memory_space<vmem>>, vector<16xf32>,
        %get3A_641 = arith.index_cast %add3A_630 : i32 to index
        %get3A_642 = arith.constant 16 : index
        %get3A_643 = tpu.vector_load %arg7[%get3A_641, %get3A_642] {strides = array<i32>} : memref<512x64xf32, #tpu.memory_space<vmem>>, vector<16xf32>,
        %mul3A_644 = vector.broadcast %squeeze3A_632 : f32 to vector<16xf32>
        %mul3A_645 = arith.mulf %get3A_643, %mul3A_644 : vector<16xf32>
        %swap3A_646 = arith.index_cast %add3A_630 : i32 to index
        %swap3A_647 = arith.constant 16 : index
        %swap3A_648 = tpu.vector_load %arg7[%swap3A_646, %swap3A_647] {strides = array<i32>} : memref<512x64xf32, #tpu.memory_space<vmem>>, vector<16xf32>,
        tpu.vector_store %arg7[%swap3A_646, %swap3A_647], %mul3A_645 {strides = array<i32>} : memref<512x64xf32, #tpu.memory_space<vmem>>, vector<16xf32>,
        %get3A_649 = arith.index_cast %add3A_630 : i32 to index
        %get3A_650 = arith.constant 32 : index
        %get3A_651 = tpu.vector_load %arg7[%get3A_649, %get3A_650] {strides = array<i32>} : memref<512x64xf32, #tpu.memory_space<vmem>>, vector<16xf32>,
        %mul3A_652 = vector.broadcast %squeeze3A_632 : f32 to vector<16xf32>
        %mul3A_653 = arith.mulf %get3A_651, %mul3A_652 : vector<16xf32>
        %swap3A_654 = arith.index_cast %add3A_630 : i32 to index
        %swap3A_655 = arith.constant 32 : index
        %swap3A_656 = tpu.vector_load %arg7[%swap3A_654, %swap3A_655] {strides = array<i32>} : memref<512x64xf32, #tpu.memory_space<vmem>>, vector<16xf32>,
        tpu.vector_store %arg7[%swap3A_654, %swap3A_655], %mul3A_653 {strides = array<i32>} : memref<512x64xf32, #tpu.memory_space<vmem>>, vector<16xf32>,
        %get3A_657 = arith.index_cast %add3A_630 : i32 to index
        %get3A_658 = arith.constant 48 : index
        %get3A_659 = tpu.vector_load %arg7[%get3A_657, %get3A_658] {strides = array<i32>} : memref<512x64xf32, #tpu.memory_space<vmem>>, vector<16xf32>,
        %mul3A_660 = vector.broadcast %squeeze3A_632 : f32 to vector<16xf32>
        %mul3A_661 = arith.mulf %get3A_659, %mul3A_660 : vector<16xf32>
        %swap3A_662 = arith.index_cast %add3A_630 : i32 to index
        %swap3A_663 = arith.constant 48 : index
        %swap3A_664 = tpu.vector_load %arg7[%swap3A_662, %swap3A_663] {strides = array<i32>} : memref<512x64xf32, #tpu.memory_space<vmem>>, vector<16xf32>,
        tpu.vector_store %arg7[%swap3A_662, %swap3A_663], %mul3A_661 {strides = array<i32>} : memref<512x64xf32, #tpu.memory_space<vmem>>, vector<16xf32>,
        %mul3A_665 = arith.constant 16 : i32
        %mul3A_666 = arith.muli %scan3A_38, %mul3A_665 : i32
        %add3A_667 = arith.constant 3 : i32
        %add3A_668 = arith.addi %mul3A_666, %add3A_667 : i32
        %slice3A_669 = vector.extract_strided_slice %select_n3A {offsets = [3], sizes = [1], strides = [1]} : vector<16xf32> to vector<1xf32>
        %squeeze3A_670 = vector.extract %slice3A_669[0] : f32 from vector<1xf32>
        %get3A_671 = arith.index_cast %add3A_668 : i32 to index
        %get3A_672 = arith.constant 0 : index
        %get3A_673 = tpu.vector_load %arg7[%get3A_671, %get3A_672] {strides = array<i32>} : memref<512x64xf32, #tpu.memory_space<vmem>>, vector<16xf32>,
        %mul3A_674 = vector.broadcast %squeeze3A_670 : f32 to vector<16xf32>
        %mul3A_675 = arith.mulf %get3A_673, %mul3A_674 : vector<16xf32>
        %swap3A_676 = arith.index_cast %add3A_668 : i32 to index
        %swap3A_677 = arith.constant 0 : index
        %swap3A_678 = tpu.vector_load %arg7[%swap3A_676, %swap3A_677] {strides = array<i32>} : memref<512x64xf32, #tpu.memory_space<vmem>>, vector<16xf32>,
        tpu.vector_store %arg7[%swap3A_676, %swap3A_677], %mul3A_675 {strides = array<i32>} : memref<512x64xf32, #tpu.memory_space<vmem>>, vector<16xf32>,
        %get3A_679 = arith.index_cast %add3A_668 : i32 to index
        %get3A_680 = arith.constant 16 : index
        %get3A_681 = tpu.vector_load %arg7[%get3A_679, %get3A_680] {strides = array<i32>} : memref<512x64xf32, #tpu.memory_space<vmem>>, vector<16xf32>,
        %mul3A_682 = vector.broadcast %squeeze3A_670 : f32 to vector<16xf32>
        %mul3A_683 = arith.mulf %get3A_681, %mul3A_682 : vector<16xf32>
        %swap3A_684 = arith.index_cast %add3A_668 : i32 to index
        %swap3A_685 = arith.constant 16 : index
        %swap3A_686 = tpu.vector_load %arg7[%swap3A_684, %swap3A_685] {strides = array<i32>} : memref<512x64xf32, #tpu.memory_space<vmem>>, vector<16xf32>,
        tpu.vector_store %arg7[%swap3A_684, %swap3A_685], %mul3A_683 {strides = array<i32>} : memref<512x64xf32, #tpu.memory_space<vmem>>, vector<16xf32>,
        %get3A_687 = arith.index_cast %add3A_668 : i32 to index
        %get3A_688 = arith.constant 32 : index
        %get3A_689 = tpu.vector_load %arg7[%get3A_687, %get3A_688] {strides = array<i32>} : memref<512x64xf32, #tpu.memory_space<vmem>>, vector<16xf32>,
        %mul3A_690 = vector.broadcast %squeeze3A_670 : f32 to vector<16xf32>
        %mul3A_691 = arith.mulf %get3A_689, %mul3A_690 : vector<16xf32>
        %swap3A_692 = arith.index_cast %add3A_668 : i32 to index
        %swap3A_693 = arith.constant 32 : index
        %swap3A_694 = tpu.vector_load %arg7[%swap3A_692, %swap3A_693] {strides = array<i32>} : memref<512x64xf32, #tpu.memory_space<vmem>>, vector<16xf32>,
        tpu.vector_store %arg7[%swap3A_692, %swap3A_693], %mul3A_691 {strides = array<i32>} : memref<512x64xf32, #tpu.memory_space<vmem>>, vector<16xf32>,
        %get3A_695 = arith.index_cast %add3A_668 : i32 to index
        %get3A_696 = arith.constant 48 : index
        %get3A_697 = tpu.vector_load %arg7[%get3A_695, %get3A_696] {strides = array<i32>} : memref<512x64xf32, #tpu.memory_space<vmem>>, vector<16xf32>,
        %mul3A_698 = vector.broadcast %squeeze3A_670 : f32 to vector<16xf32>
        %mul3A_699 = arith.mulf %get3A_697, %mul3A_698 : vector<16xf32>
        %swap3A_700 = arith.index_cast %add3A_668 : i32 to index
        %swap3A_701 = arith.constant 48 : index
        %swap3A_702 = tpu.vector_load %arg7[%swap3A_700, %swap3A_701] {strides = array<i32>} : memref<512x64xf32, #tpu.memory_space<vmem>>, vector<16xf32>,
        tpu.vector_store %arg7[%swap3A_700, %swap3A_701], %mul3A_699 {strides = array<i32>} : memref<512x64xf32, #tpu.memory_space<vmem>>, vector<16xf32>,
        %mul3A_703 = arith.constant 16 : i32
        %mul3A_704 = arith.muli %scan3A_38, %mul3A_703 : i32
        %add3A_705 = arith.constant 4 : i32
        %add3A_706 = arith.addi %mul3A_704, %add3A_705 : i32
        %slice3A_707 = vector.extract_strided_slice %select_n3A {offsets = [4], sizes = [1], strides = [1]} : vector<16xf32> to vector<1xf32>
        %squeeze3A_708 = vector.extract %slice3A_707[0] : f32 from vector<1xf32>
        %get3A_709 = arith.index_cast %add3A_706 : i32 to index
        %get3A_710 = arith.constant 0 : index
        %get3A_711 = tpu.vector_load %arg7[%get3A_709, %get3A_710] {strides = array<i32>} : memref<512x64xf32, #tpu.memory_space<vmem>>, vector<16xf32>,
        %mul3A_712 = vector.broadcast %squeeze3A_708 : f32 to vector<16xf32>
        %mul3A_713 = arith.mulf %get3A_711, %mul3A_712 : vector<16xf32>
        %swap3A_714 = arith.index_cast %add3A_706 : i32 to index
        %swap3A_715 = arith.constant 0 : index
        %swap3A_716 = tpu.vector_load %arg7[%swap3A_714, %swap3A_715] {strides = array<i32>} : memref<512x64xf32, #tpu.memory_space<vmem>>, vector<16xf32>,
        tpu.vector_store %arg7[%swap3A_714, %swap3A_715], %mul3A_713 {strides = array<i32>} : memref<512x64xf32, #tpu.memory_space<vmem>>, vector<16xf32>,
        %get3A_717 = arith.index_cast %add3A_706 : i32 to index
        %get3A_718 = arith.constant 16 : index
        %get3A_719 = tpu.vector_load %arg7[%get3A_717, %get3A_718] {strides = array<i32>} : memref<512x64xf32, #tpu.memory_space<vmem>>, vector<16xf32>,
        %mul3A_720 = vector.broadcast %squeeze3A_708 : f32 to vector<16xf32>
        %mul3A_721 = arith.mulf %get3A_719, %mul3A_720 : vector<16xf32>
        %swap3A_722 = arith.index_cast %add3A_706 : i32 to index
        %swap3A_723 = arith.constant 16 : index
        %swap3A_724 = tpu.vector_load %arg7[%swap3A_722, %swap3A_723] {strides = array<i32>} : memref<512x64xf32, #tpu.memory_space<vmem>>, vector<16xf32>,
        tpu.vector_store %arg7[%swap3A_722, %swap3A_723], %mul3A_721 {strides = array<i32>} : memref<512x64xf32, #tpu.memory_space<vmem>>, vector<16xf32>,
        %get3A_725 = arith.index_cast %add3A_706 : i32 to index
        %get3A_726 = arith.constant 32 : index
        %get3A_727 = tpu.vector_load %arg7[%get3A_725, %get3A_726] {strides = array<i32>} : memref<512x64xf32, #tpu.memory_space<vmem>>, vector<16xf32>,
        %mul3A_728 = vector.broadcast %squeeze3A_708 : f32 to vector<16xf32>
        %mul3A_729 = arith.mulf %get3A_727, %mul3A_728 : vector<16xf32>
        %swap3A_730 = arith.index_cast %add3A_706 : i32 to index
        %swap3A_731 = arith.constant 32 : index
        %swap3A_732 = tpu.vector_load %arg7[%swap3A_730, %swap3A_731] {strides = array<i32>} : memref<512x64xf32, #tpu.memory_space<vmem>>, vector<16xf32>,
        tpu.vector_store %arg7[%swap3A_730, %swap3A_731], %mul3A_729 {strides = array<i32>} : memref<512x64xf32, #tpu.memory_space<vmem>>, vector<16xf32>,
        %get3A_733 = arith.index_cast %add3A_706 : i32 to index
        %get3A_734 = arith.constant 48 : index
        %get3A_735 = tpu.vector_load %arg7[%get3A_733, %get3A_734] {strides = array<i32>} : memref<512x64xf32, #tpu.memory_space<vmem>>, vector<16xf32>,
        %mul3A_736 = vector.broadcast %squeeze3A_708 : f32 to vector<16xf32>
        %mul3A_737 = arith.mulf %get3A_735, %mul3A_736 : vector<16xf32>
        %swap3A_738 = arith.index_cast %add3A_706 : i32 to index
        %swap3A_739 = arith.constant 48 : index
        %swap3A_740 = tpu.vector_load %arg7[%swap3A_738, %swap3A_739] {strides = array<i32>} : memref<512x64xf32, #tpu.memory_space<vmem>>, vector<16xf32>,
        tpu.vector_store %arg7[%swap3A_738, %swap3A_739], %mul3A_737 {strides = array<i32>} : memref<512x64xf32, #tpu.memory_space<vmem>>, vector<16xf32>,
        %mul3A_741 = arith.constant 16 : i32
        %mul3A_742 = arith.muli %scan3A_38, %mul3A_741 : i32
        %add3A_743 = arith.constant 5 : i32
        %add3A_744 = arith.addi %mul3A_742, %add3A_743 : i32
        %slice3A_745 = vector.extract_strided_slice %select_n3A {offsets = [5], sizes = [1], strides = [1]} : vector<16xf32> to vector<1xf32>
        %squeeze3A_746 = vector.extract %slice3A_745[0] : f32 from vector<1xf32>
        %get3A_747 = arith.index_cast %add3A_744 : i32 to index
        %get3A_748 = arith.constant 0 : index
        %get3A_749 = tpu.vector_load %arg7[%get3A_747, %get3A_748] {strides = array<i32>} : memref<512x64xf32, #tpu.memory_space<vmem>>, vector<16xf32>,
        %mul3A_750 = vector.broadcast %squeeze3A_746 : f32 to vector<16xf32>
        %mul3A_751 = arith.mulf %get3A_749, %mul3A_750 : vector<16xf32>
        %swap3A_752 = arith.index_cast %add3A_744 : i32 to index
        %swap3A_753 = arith.constant 0 : index
        %swap3A_754 = tpu.vector_load %arg7[%swap3A_752, %swap3A_753] {strides = array<i32>} : memref<512x64xf32, #tpu.memory_space<vmem>>, vector<16xf32>,
        tpu.vector_store %arg7[%swap3A_752, %swap3A_753], %mul3A_751 {strides = array<i32>} : memref<512x64xf32, #tpu.memory_space<vmem>>, vector<16xf32>,
        %get3A_755 = arith.index_cast %add3A_744 : i32 to index
        %get3A_756 = arith.constant 16 : index
        %get3A_757 = tpu.vector_load %arg7[%get3A_755, %get3A_756] {strides = array<i32>} : memref<512x64xf32, #tpu.memory_space<vmem>>, vector<16xf32>,
        %mul3A_758 = vector.broadcast %squeeze3A_746 : f32 to vector<16xf32>
        %mul3A_759 = arith.mulf %get3A_757, %mul3A_758 : vector<16xf32>
        %swap3A_760 = arith.index_cast %add3A_744 : i32 to index
        %swap3A_761 = arith.constant 16 : index
        %swap3A_762 = tpu.vector_load %arg7[%swap3A_760, %swap3A_761] {strides = array<i32>} : memref<512x64xf32, #tpu.memory_space<vmem>>, vector<16xf32>,
        tpu.vector_store %arg7[%swap3A_760, %swap3A_761], %mul3A_759 {strides = array<i32>} : memref<512x64xf32, #tpu.memory_space<vmem>>, vector<16xf32>,
        %get3A_763 = arith.index_cast %add3A_744 : i32 to index
        %get3A_764 = arith.constant 32 : index
        %get3A_765 = tpu.vector_load %arg7[%get3A_763, %get3A_764] {strides = array<i32>} : memref<512x64xf32, #tpu.memory_space<vmem>>, vector<16xf32>,
        %mul3A_766 = vector.broadcast %squeeze3A_746 : f32 to vector<16xf32>
        %mul3A_767 = arith.mulf %get3A_765, %mul3A_766 : vector<16xf32>
        %swap3A_768 = arith.index_cast %add3A_744 : i32 to index
        %swap3A_769 = arith.constant 32 : index
        %swap3A_770 = tpu.vector_load %arg7[%swap3A_768, %swap3A_769] {strides = array<i32>} : memref<512x64xf32, #tpu.memory_space<vmem>>, vector<16xf32>,
        tpu.vector_store %arg7[%swap3A_768, %swap3A_769], %mul3A_767 {strides = array<i32>} : memref<512x64xf32, #tpu.memory_space<vmem>>, vector<16xf32>,
        %get3A_771 = arith.index_cast %add3A_744 : i32 to index
        %get3A_772 = arith.constant 48 : index
        %get3A_773 = tpu.vector_load %arg7[%get3A_771, %get3A_772] {strides = array<i32>} : memref<512x64xf32, #tpu.memory_space<vmem>>, vector<16xf32>,
        %mul3A_774 = vector.broadcast %squeeze3A_746 : f32 to vector<16xf32>
        %mul3A_775 = arith.mulf %get3A_773, %mul3A_774 : vector<16xf32>
        %swap3A_776 = arith.index_cast %add3A_744 : i32 to index
        %swap3A_777 = arith.constant 48 : index
        %swap3A_778 = tpu.vector_load %arg7[%swap3A_776, %swap3A_777] {strides = array<i32>} : memref<512x64xf32, #tpu.memory_space<vmem>>, vector<16xf32>,
        tpu.vector_store %arg7[%swap3A_776, %swap3A_777], %mul3A_775 {strides = array<i32>} : memref<512x64xf32, #tpu.memory_space<vmem>>, vector<16xf32>,
        %mul3A_779 = arith.constant 16 : i32
        %mul3A_780 = arith.muli %scan3A_38, %mul3A_779 : i32
        %add3A_781 = arith.constant 6 : i32
        %add3A_782 = arith.addi %mul3A_780, %add3A_781 : i32
        %slice3A_783 = vector.extract_strided_slice %select_n3A {offsets = [6], sizes = [1], strides = [1]} : vector<16xf32> to vector<1xf32>
        %squeeze3A_784 = vector.extract %slice3A_783[0] : f32 from vector<1xf32>
        %get3A_785 = arith.index_cast %add3A_782 : i32 to index
        %get3A_786 = arith.constant 0 : index
        %get3A_787 = tpu.vector_load %arg7[%get3A_785, %get3A_786] {strides = array<i32>} : memref<512x64xf32, #tpu.memory_space<vmem>>, vector<16xf32>,
        %mul3A_788 = vector.broadcast %squeeze3A_784 : f32 to vector<16xf32>
        %mul3A_789 = arith.mulf %get3A_787, %mul3A_788 : vector<16xf32>
        %swap3A_790 = arith.index_cast %add3A_782 : i32 to index
        %swap3A_791 = arith.constant 0 : index
        %swap3A_792 = tpu.vector_load %arg7[%swap3A_790, %swap3A_791] {strides = array<i32>} : memref<512x64xf32, #tpu.memory_space<vmem>>, vector<16xf32>,
        tpu.vector_store %arg7[%swap3A_790, %swap3A_791], %mul3A_789 {strides = array<i32>} : memref<512x64xf32, #tpu.memory_space<vmem>>, vector<16xf32>,
        %get3A_793 = arith.index_cast %add3A_782 : i32 to index
        %get3A_794 = arith.constant 16 : index
        %get3A_795 = tpu.vector_load %arg7[%get3A_793, %get3A_794] {strides = array<i32>} : memref<512x64xf32, #tpu.memory_space<vmem>>, vector<16xf32>,
        %mul3A_796 = vector.broadcast %squeeze3A_784 : f32 to vector<16xf32>
        %mul3A_797 = arith.mulf %get3A_795, %mul3A_796 : vector<16xf32>
        %swap3A_798 = arith.index_cast %add3A_782 : i32 to index
        %swap3A_799 = arith.constant 16 : index
        %swap3A_800 = tpu.vector_load %arg7[%swap3A_798, %swap3A_799] {strides = array<i32>} : memref<512x64xf32, #tpu.memory_space<vmem>>, vector<16xf32>,
        tpu.vector_store %arg7[%swap3A_798, %swap3A_799], %mul3A_797 {strides = array<i32>} : memref<512x64xf32, #tpu.memory_space<vmem>>, vector<16xf32>,
        %get3A_801 = arith.index_cast %add3A_782 : i32 to index
        %get3A_802 = arith.constant 32 : index
        %get3A_803 = tpu.vector_load %arg7[%get3A_801, %get3A_802] {strides = array<i32>} : memref<512x64xf32, #tpu.memory_space<vmem>>, vector<16xf32>,
        %mul3A_804 = vector.broadcast %squeeze3A_784 : f32 to vector<16xf32>
        %mul3A_805 = arith.mulf %get3A_803, %mul3A_804 : vector<16xf32>
        %swap3A_806 = arith.index_cast %add3A_782 : i32 to index
        %swap3A_807 = arith.constant 32 : index
        %swap3A_808 = tpu.vector_load %arg7[%swap3A_806, %swap3A_807] {strides = array<i32>} : memref<512x64xf32, #tpu.memory_space<vmem>>, vector<16xf32>,
        tpu.vector_store %arg7[%swap3A_806, %swap3A_807], %mul3A_805 {strides = array<i32>} : memref<512x64xf32, #tpu.memory_space<vmem>>, vector<16xf32>,
        %get3A_809 = arith.index_cast %add3A_782 : i32 to index
        %get3A_810 = arith.constant 48 : index
        %get3A_811 = tpu.vector_load %arg7[%get3A_809, %get3A_810] {strides = array<i32>} : memref<512x64xf32, #tpu.memory_space<vmem>>, vector<16xf32>,
        %mul3A_812 = vector.broadcast %squeeze3A_784 : f32 to vector<16xf32>
        %mul3A_813 = arith.mulf %get3A_811, %mul3A_812 : vector<16xf32>
        %swap3A_814 = arith.index_cast %add3A_782 : i32 to index
        %swap3A_815 = arith.constant 48 : index
        %swap3A_816 = tpu.vector_load %arg7[%swap3A_814, %swap3A_815] {strides = array<i32>} : memref<512x64xf32, #tpu.memory_space<vmem>>, vector<16xf32>,
        tpu.vector_store %arg7[%swap3A_814, %swap3A_815], %mul3A_813 {strides = array<i32>} : memref<512x64xf32, #tpu.memory_space<vmem>>, vector<16xf32>,
        %mul3A_817 = arith.constant 16 : i32
        %mul3A_818 = arith.muli %scan3A_38, %mul3A_817 : i32
        %add3A_819 = arith.constant 7 : i32
        %add3A_820 = arith.addi %mul3A_818, %add3A_819 : i32
        %slice3A_821 = vector.extract_strided_slice %select_n3A {offsets = [7], sizes = [1], strides = [1]} : vector<16xf32> to vector<1xf32>
        %squeeze3A_822 = vector.extract %slice3A_821[0] : f32 from vector<1xf32>
        %get3A_823 = arith.index_cast %add3A_820 : i32 to index
        %get3A_824 = arith.constant 0 : index
        %get3A_825 = tpu.vector_load %arg7[%get3A_823, %get3A_824] {strides = array<i32>} : memref<512x64xf32, #tpu.memory_space<vmem>>, vector<16xf32>,
        %mul3A_826 = vector.broadcast %squeeze3A_822 : f32 to vector<16xf32>
        %mul3A_827 = arith.mulf %get3A_825, %mul3A_826 : vector<16xf32>
        %swap3A_828 = arith.index_cast %add3A_820 : i32 to index
        %swap3A_829 = arith.constant 0 : index
        %swap3A_830 = tpu.vector_load %arg7[%swap3A_828, %swap3A_829] {strides = array<i32>} : memref<512x64xf32, #tpu.memory_space<vmem>>, vector<16xf32>,
        tpu.vector_store %arg7[%swap3A_828, %swap3A_829], %mul3A_827 {strides = array<i32>} : memref<512x64xf32, #tpu.memory_space<vmem>>, vector<16xf32>,
        %get3A_831 = arith.index_cast %add3A_820 : i32 to index
        %get3A_832 = arith.constant 16 : index
        %get3A_833 = tpu.vector_load %arg7[%get3A_831, %get3A_832] {strides = array<i32>} : memref<512x64xf32, #tpu.memory_space<vmem>>, vector<16xf32>,
        %mul3A_834 = vector.broadcast %squeeze3A_822 : f32 to vector<16xf32>
        %mul3A_835 = arith.mulf %get3A_833, %mul3A_834 : vector<16xf32>
        %swap3A_836 = arith.index_cast %add3A_820 : i32 to index
        %swap3A_837 = arith.constant 16 : index
        %swap3A_838 = tpu.vector_load %arg7[%swap3A_836, %swap3A_837] {strides = array<i32>} : memref<512x64xf32, #tpu.memory_space<vmem>>, vector<16xf32>,
        tpu.vector_store %arg7[%swap3A_836, %swap3A_837], %mul3A_835 {strides = array<i32>} : memref<512x64xf32, #tpu.memory_space<vmem>>, vector<16xf32>,
        %get3A_839 = arith.index_cast %add3A_820 : i32 to index
        %get3A_840 = arith.constant 32 : index
        %get3A_841 = tpu.vector_load %arg7[%get3A_839, %get3A_840] {strides = array<i32>} : memref<512x64xf32, #tpu.memory_space<vmem>>, vector<16xf32>,
        %mul3A_842 = vector.broadcast %squeeze3A_822 : f32 to vector<16xf32>
        %mul3A_843 = arith.mulf %get3A_841, %mul3A_842 : vector<16xf32>
        %swap3A_844 = arith.index_cast %add3A_820 : i32 to index
        %swap3A_845 = arith.constant 32 : index
        %swap3A_846 = tpu.vector_load %arg7[%swap3A_844, %swap3A_845] {strides = array<i32>} : memref<512x64xf32, #tpu.memory_space<vmem>>, vector<16xf32>,
        tpu.vector_store %arg7[%swap3A_844, %swap3A_845], %mul3A_843 {strides = array<i32>} : memref<512x64xf32, #tpu.memory_space<vmem>>, vector<16xf32>,
        %get3A_847 = arith.index_cast %add3A_820 : i32 to index
        %get3A_848 = arith.constant 48 : index
        %get3A_849 = tpu.vector_load %arg7[%get3A_847, %get3A_848] {strides = array<i32>} : memref<512x64xf32, #tpu.memory_space<vmem>>, vector<16xf32>,
        %mul3A_850 = vector.broadcast %squeeze3A_822 : f32 to vector<16xf32>
        %mul3A_851 = arith.mulf %get3A_849, %mul3A_850 : vector<16xf32>
        %swap3A_852 = arith.index_cast %add3A_820 : i32 to index
        %swap3A_853 = arith.constant 48 : index
        %swap3A_854 = tpu.vector_load %arg7[%swap3A_852, %swap3A_853] {strides = array<i32>} : memref<512x64xf32, #tpu.memory_space<vmem>>, vector<16xf32>,
        tpu.vector_store %arg7[%swap3A_852, %swap3A_853], %mul3A_851 {strides = array<i32>} : memref<512x64xf32, #tpu.memory_space<vmem>>, vector<16xf32>,
        %mul3A_855 = arith.constant 16 : i32
        %mul3A_856 = arith.muli %scan3A_38, %mul3A_855 : i32
        %add3A_857 = arith.constant 8 : i32
        %add3A_858 = arith.addi %mul3A_856, %add3A_857 : i32
        %slice3A_859 = vector.extract_strided_slice %select_n3A {offsets = [8], sizes = [1], strides = [1]} : vector<16xf32> to vector<1xf32>
        %squeeze3A_860 = vector.extract %slice3A_859[0] : f32 from vector<1xf32>
        %get3A_861 = arith.index_cast %add3A_858 : i32 to index
        %get3A_862 = arith.constant 0 : index
        %get3A_863 = tpu.vector_load %arg7[%get3A_861, %get3A_862] {strides = array<i32>} : memref<512x64xf32, #tpu.memory_space<vmem>>, vector<16xf32>,
        %mul3A_864 = vector.broadcast %squeeze3A_860 : f32 to vector<16xf32>
        %mul3A_865 = arith.mulf %get3A_863, %mul3A_864 : vector<16xf32>
        %swap3A_866 = arith.index_cast %add3A_858 : i32 to index
        %swap3A_867 = arith.constant 0 : index
        %swap3A_868 = tpu.vector_load %arg7[%swap3A_866, %swap3A_867] {strides = array<i32>} : memref<512x64xf32, #tpu.memory_space<vmem>>, vector<16xf32>,
        tpu.vector_store %arg7[%swap3A_866, %swap3A_867], %mul3A_865 {strides = array<i32>} : memref<512x64xf32, #tpu.memory_space<vmem>>, vector<16xf32>,
        %get3A_869 = arith.index_cast %add3A_858 : i32 to index
        %get3A_870 = arith.constant 16 : index
        %get3A_871 = tpu.vector_load %arg7[%get3A_869, %get3A_870] {strides = array<i32>} : memref<512x64xf32, #tpu.memory_space<vmem>>, vector<16xf32>,
        %mul3A_872 = vector.broadcast %squeeze3A_860 : f32 to vector<16xf32>
        %mul3A_873 = arith.mulf %get3A_871, %mul3A_872 : vector<16xf32>
        %swap3A_874 = arith.index_cast %add3A_858 : i32 to index
        %swap3A_875 = arith.constant 16 : index
        %swap3A_876 = tpu.vector_load %arg7[%swap3A_874, %swap3A_875] {strides = array<i32>} : memref<512x64xf32, #tpu.memory_space<vmem>>, vector<16xf32>,
        tpu.vector_store %arg7[%swap3A_874, %swap3A_875], %mul3A_873 {strides = array<i32>} : memref<512x64xf32, #tpu.memory_space<vmem>>, vector<16xf32>,
        %get3A_877 = arith.index_cast %add3A_858 : i32 to index
        %get3A_878 = arith.constant 32 : index
        %get3A_879 = tpu.vector_load %arg7[%get3A_877, %get3A_878] {strides = array<i32>} : memref<512x64xf32, #tpu.memory_space<vmem>>, vector<16xf32>,
        %mul3A_880 = vector.broadcast %squeeze3A_860 : f32 to vector<16xf32>
        %mul3A_881 = arith.mulf %get3A_879, %mul3A_880 : vector<16xf32>
        %swap3A_882 = arith.index_cast %add3A_858 : i32 to index
        %swap3A_883 = arith.constant 32 : index
        %swap3A_884 = tpu.vector_load %arg7[%swap3A_882, %swap3A_883] {strides = array<i32>} : memref<512x64xf32, #tpu.memory_space<vmem>>, vector<16xf32>,
        tpu.vector_store %arg7[%swap3A_882, %swap3A_883], %mul3A_881 {strides = array<i32>} : memref<512x64xf32, #tpu.memory_space<vmem>>, vector<16xf32>,
        %get3A_885 = arith.index_cast %add3A_858 : i32 to index
        %get3A_886 = arith.constant 48 : index
        %get3A_887 = tpu.vector_load %arg7[%get3A_885, %get3A_886] {strides = array<i32>} : memref<512x64xf32, #tpu.memory_space<vmem>>, vector<16xf32>,
        %mul3A_888 = vector.broadcast %squeeze3A_860 : f32 to vector<16xf32>
        %mul3A_889 = arith.mulf %get3A_887, %mul3A_888 : vector<16xf32>
        %swap3A_890 = arith.index_cast %add3A_858 : i32 to index
        %swap3A_891 = arith.constant 48 : index
        %swap3A_892 = tpu.vector_load %arg7[%swap3A_890, %swap3A_891] {strides = array<i32>} : memref<512x64xf32, #tpu.memory_space<vmem>>, vector<16xf32>,
        tpu.vector_store %arg7[%swap3A_890, %swap3A_891], %mul3A_889 {strides = array<i32>} : memref<512x64xf32, #tpu.memory_space<vmem>>, vector<16xf32>,
        %mul3A_893 = arith.constant 16 : i32
        %mul3A_894 = arith.muli %scan3A_38, %mul3A_893 : i32
        %add3A_895 = arith.constant 9 : i32
        %add3A_896 = arith.addi %mul3A_894, %add3A_895 : i32
        %slice3A_897 = vector.extract_strided_slice %select_n3A {offsets = [9], sizes = [1], strides = [1]} : vector<16xf32> to vector<1xf32>
        %squeeze3A_898 = vector.extract %slice3A_897[0] : f32 from vector<1xf32>
        %get3A_899 = arith.index_cast %add3A_896 : i32 to index
        %get3A_900 = arith.constant 0 : index
        %get3A_901 = tpu.vector_load %arg7[%get3A_899, %get3A_900] {strides = array<i32>} : memref<512x64xf32, #tpu.memory_space<vmem>>, vector<16xf32>,
        %mul3A_902 = vector.broadcast %squeeze3A_898 : f32 to vector<16xf32>
        %mul3A_903 = arith.mulf %get3A_901, %mul3A_902 : vector<16xf32>
        %swap3A_904 = arith.index_cast %add3A_896 : i32 to index
        %swap3A_905 = arith.constant 0 : index
        %swap3A_906 = tpu.vector_load %arg7[%swap3A_904, %swap3A_905] {strides = array<i32>} : memref<512x64xf32, #tpu.memory_space<vmem>>, vector<16xf32>,
        tpu.vector_store %arg7[%swap3A_904, %swap3A_905], %mul3A_903 {strides = array<i32>} : memref<512x64xf32, #tpu.memory_space<vmem>>, vector<16xf32>,
        %get3A_907 = arith.index_cast %add3A_896 : i32 to index
        %get3A_908 = arith.constant 16 : index
        %get3A_909 = tpu.vector_load %arg7[%get3A_907, %get3A_908] {strides = array<i32>} : memref<512x64xf32, #tpu.memory_space<vmem>>, vector<16xf32>,
        %mul3A_910 = vector.broadcast %squeeze3A_898 : f32 to vector<16xf32>
        %mul3A_911 = arith.mulf %get3A_909, %mul3A_910 : vector<16xf32>
        %swap3A_912 = arith.index_cast %add3A_896 : i32 to index
        %swap3A_913 = arith.constant 16 : index
        %swap3A_914 = tpu.vector_load %arg7[%swap3A_912, %swap3A_913] {strides = array<i32>} : memref<512x64xf32, #tpu.memory_space<vmem>>, vector<16xf32>,
        tpu.vector_store %arg7[%swap3A_912, %swap3A_913], %mul3A_911 {strides = array<i32>} : memref<512x64xf32, #tpu.memory_space<vmem>>, vector<16xf32>,
        %get3A_915 = arith.index_cast %add3A_896 : i32 to index
        %get3A_916 = arith.constant 32 : index
        %get3A_917 = tpu.vector_load %arg7[%get3A_915, %get3A_916] {strides = array<i32>} : memref<512x64xf32, #tpu.memory_space<vmem>>, vector<16xf32>,
        %mul3A_918 = vector.broadcast %squeeze3A_898 : f32 to vector<16xf32>
        %mul3A_919 = arith.mulf %get3A_917, %mul3A_918 : vector<16xf32>
        %swap3A_920 = arith.index_cast %add3A_896 : i32 to index
        %swap3A_921 = arith.constant 32 : index
        %swap3A_922 = tpu.vector_load %arg7[%swap3A_920, %swap3A_921] {strides = array<i32>} : memref<512x64xf32, #tpu.memory_space<vmem>>, vector<16xf32>,
        tpu.vector_store %arg7[%swap3A_920, %swap3A_921], %mul3A_919 {strides = array<i32>} : memref<512x64xf32, #tpu.memory_space<vmem>>, vector<16xf32>,
        %get3A_923 = arith.index_cast %add3A_896 : i32 to index
        %get3A_924 = arith.constant 48 : index
        %get3A_925 = tpu.vector_load %arg7[%get3A_923, %get3A_924] {strides = array<i32>} : memref<512x64xf32, #tpu.memory_space<vmem>>, vector<16xf32>,
        %mul3A_926 = vector.broadcast %squeeze3A_898 : f32 to vector<16xf32>
        %mul3A_927 = arith.mulf %get3A_925, %mul3A_926 : vector<16xf32>
        %swap3A_928 = arith.index_cast %add3A_896 : i32 to index
        %swap3A_929 = arith.constant 48 : index
        %swap3A_930 = tpu.vector_load %arg7[%swap3A_928, %swap3A_929] {strides = array<i32>} : memref<512x64xf32, #tpu.memory_space<vmem>>, vector<16xf32>,
        tpu.vector_store %arg7[%swap3A_928, %swap3A_929], %mul3A_927 {strides = array<i32>} : memref<512x64xf32, #tpu.memory_space<vmem>>, vector<16xf32>,
        %mul3A_931 = arith.constant 16 : i32
        %mul3A_932 = arith.muli %scan3A_38, %mul3A_931 : i32
        %add3A_933 = arith.constant 10 : i32
        %add3A_934 = arith.addi %mul3A_932, %add3A_933 : i32
        %slice3A_935 = vector.extract_strided_slice %select_n3A {offsets = [10], sizes = [1], strides = [1]} : vector<16xf32> to vector<1xf32>
        %squeeze3A_936 = vector.extract %slice3A_935[0] : f32 from vector<1xf32>
        %get3A_937 = arith.index_cast %add3A_934 : i32 to index
        %get3A_938 = arith.constant 0 : index
        %get3A_939 = tpu.vector_load %arg7[%get3A_937, %get3A_938] {strides = array<i32>} : memref<512x64xf32, #tpu.memory_space<vmem>>, vector<16xf32>,
        %mul3A_940 = vector.broadcast %squeeze3A_936 : f32 to vector<16xf32>
        %mul3A_941 = arith.mulf %get3A_939, %mul3A_940 : vector<16xf32>
        %swap3A_942 = arith.index_cast %add3A_934 : i32 to index
        %swap3A_943 = arith.constant 0 : index
        %swap3A_944 = tpu.vector_load %arg7[%swap3A_942, %swap3A_943] {strides = array<i32>} : memref<512x64xf32, #tpu.memory_space<vmem>>, vector<16xf32>,
        tpu.vector_store %arg7[%swap3A_942, %swap3A_943], %mul3A_941 {strides = array<i32>} : memref<512x64xf32, #tpu.memory_space<vmem>>, vector<16xf32>,
        %get3A_945 = arith.index_cast %add3A_934 : i32 to index
        %get3A_946 = arith.constant 16 : index
        %get3A_947 = tpu.vector_load %arg7[%get3A_945, %get3A_946] {strides = array<i32>} : memref<512x64xf32, #tpu.memory_space<vmem>>, vector<16xf32>,
        %mul3A_948 = vector.broadcast %squeeze3A_936 : f32 to vector<16xf32>
        %mul3A_949 = arith.mulf %get3A_947, %mul3A_948 : vector<16xf32>
        %swap3A_950 = arith.index_cast %add3A_934 : i32 to index
        %swap3A_951 = arith.constant 16 : index
        %swap3A_952 = tpu.vector_load %arg7[%swap3A_950, %swap3A_951] {strides = array<i32>} : memref<512x64xf32, #tpu.memory_space<vmem>>, vector<16xf32>,
        tpu.vector_store %arg7[%swap3A_950, %swap3A_951], %mul3A_949 {strides = array<i32>} : memref<512x64xf32, #tpu.memory_space<vmem>>, vector<16xf32>,
        %get3A_953 = arith.index_cast %add3A_934 : i32 to index
        %get3A_954 = arith.constant 32 : index
        %get3A_955 = tpu.vector_load %arg7[%get3A_953, %get3A_954] {strides = array<i32>} : memref<512x64xf32, #tpu.memory_space<vmem>>, vector<16xf32>,
        %mul3A_956 = vector.broadcast %squeeze3A_936 : f32 to vector<16xf32>
        %mul3A_957 = arith.mulf %get3A_955, %mul3A_956 : vector<16xf32>
        %swap3A_958 = arith.index_cast %add3A_934 : i32 to index
        %swap3A_959 = arith.constant 32 : index
        %swap3A_960 = tpu.vector_load %arg7[%swap3A_958, %swap3A_959] {strides = array<i32>} : memref<512x64xf32, #tpu.memory_space<vmem>>, vector<16xf32>,
        tpu.vector_store %arg7[%swap3A_958, %swap3A_959], %mul3A_957 {strides = array<i32>} : memref<512x64xf32, #tpu.memory_space<vmem>>, vector<16xf32>,
        %get3A_961 = arith.index_cast %add3A_934 : i32 to index
        %get3A_962 = arith.constant 48 : index
        %get3A_963 = tpu.vector_load %arg7[%get3A_961, %get3A_962] {strides = array<i32>} : memref<512x64xf32, #tpu.memory_space<vmem>>, vector<16xf32>,
        %mul3A_964 = vector.broadcast %squeeze3A_936 : f32 to vector<16xf32>
        %mul3A_965 = arith.mulf %get3A_963, %mul3A_964 : vector<16xf32>
        %swap3A_966 = arith.index_cast %add3A_934 : i32 to index
        %swap3A_967 = arith.constant 48 : index
        %swap3A_968 = tpu.vector_load %arg7[%swap3A_966, %swap3A_967] {strides = array<i32>} : memref<512x64xf32, #tpu.memory_space<vmem>>, vector<16xf32>,
        tpu.vector_store %arg7[%swap3A_966, %swap3A_967], %mul3A_965 {strides = array<i32>} : memref<512x64xf32, #tpu.memory_space<vmem>>, vector<16xf32>,
        %mul3A_969 = arith.constant 16 : i32
        %mul3A_970 = arith.muli %scan3A_38, %mul3A_969 : i32
        %add3A_971 = arith.constant 11 : i32
        %add3A_972 = arith.addi %mul3A_970, %add3A_971 : i32
        %slice3A_973 = vector.extract_strided_slice %select_n3A {offsets = [11], sizes = [1], strides = [1]} : vector<16xf32> to vector<1xf32>
        %squeeze3A_974 = vector.extract %slice3A_973[0] : f32 from vector<1xf32>
        %get3A_975 = arith.index_cast %add3A_972 : i32 to index
        %get3A_976 = arith.constant 0 : index
        %get3A_977 = tpu.vector_load %arg7[%get3A_975, %get3A_976] {strides = array<i32>} : memref<512x64xf32, #tpu.memory_space<vmem>>, vector<16xf32>,
        %mul3A_978 = vector.broadcast %squeeze3A_974 : f32 to vector<16xf32>
        %mul3A_979 = arith.mulf %get3A_977, %mul3A_978 : vector<16xf32>
        %swap3A_980 = arith.index_cast %add3A_972 : i32 to index
        %swap3A_981 = arith.constant 0 : index
        %swap3A_982 = tpu.vector_load %arg7[%swap3A_980, %swap3A_981] {strides = array<i32>} : memref<512x64xf32, #tpu.memory_space<vmem>>, vector<16xf32>,
        tpu.vector_store %arg7[%swap3A_980, %swap3A_981], %mul3A_979 {strides = array<i32>} : memref<512x64xf32, #tpu.memory_space<vmem>>, vector<16xf32>,
        %get3A_983 = arith.index_cast %add3A_972 : i32 to index
        %get3A_984 = arith.constant 16 : index
        %get3A_985 = tpu.vector_load %arg7[%get3A_983, %get3A_984] {strides = array<i32>} : memref<512x64xf32, #tpu.memory_space<vmem>>, vector<16xf32>,
        %mul3A_986 = vector.broadcast %squeeze3A_974 : f32 to vector<16xf32>
        %mul3A_987 = arith.mulf %get3A_985, %mul3A_986 : vector<16xf32>
        %swap3A_988 = arith.index_cast %add3A_972 : i32 to index
        %swap3A_989 = arith.constant 16 : index
        %swap3A_990 = tpu.vector_load %arg7[%swap3A_988, %swap3A_989] {strides = array<i32>} : memref<512x64xf32, #tpu.memory_space<vmem>>, vector<16xf32>,
        tpu.vector_store %arg7[%swap3A_988, %swap3A_989], %mul3A_987 {strides = array<i32>} : memref<512x64xf32, #tpu.memory_space<vmem>>, vector<16xf32>,
        %get3A_991 = arith.index_cast %add3A_972 : i32 to index
        %get3A_992 = arith.constant 32 : index
        %get3A_993 = tpu.vector_load %arg7[%get3A_991, %get3A_992] {strides = array<i32>} : memref<512x64xf32, #tpu.memory_space<vmem>>, vector<16xf32>,
        %mul3A_994 = vector.broadcast %squeeze3A_974 : f32 to vector<16xf32>
        %mul3A_995 = arith.mulf %get3A_993, %mul3A_994 : vector<16xf32>
        %swap3A_996 = arith.index_cast %add3A_972 : i32 to index
        %swap3A_997 = arith.constant 32 : index
        %swap3A_998 = tpu.vector_load %arg7[%swap3A_996, %swap3A_997] {strides = array<i32>} : memref<512x64xf32, #tpu.memory_space<vmem>>, vector<16xf32>,
        tpu.vector_store %arg7[%swap3A_996, %swap3A_997], %mul3A_995 {strides = array<i32>} : memref<512x64xf32, #tpu.memory_space<vmem>>, vector<16xf32>,
        %get3A_999 = arith.index_cast %add3A_972 : i32 to index
        %get3A_1000 = arith.constant 48 : index
        %get3A_1001 = tpu.vector_load %arg7[%get3A_999, %get3A_1000] {strides = array<i32>} : memref<512x64xf32, #tpu.memory_space<vmem>>, vector<16xf32>,
        %mul3A_1002 = vector.broadcast %squeeze3A_974 : f32 to vector<16xf32>
        %mul3A_1003 = arith.mulf %get3A_1001, %mul3A_1002 : vector<16xf32>
        %swap3A_1004 = arith.index_cast %add3A_972 : i32 to index
        %swap3A_1005 = arith.constant 48 : index
        %swap3A_1006 = tpu.vector_load %arg7[%swap3A_1004, %swap3A_1005] {strides = array<i32>} : memref<512x64xf32, #tpu.memory_space<vmem>>, vector<16xf32>,
        tpu.vector_store %arg7[%swap3A_1004, %swap3A_1005], %mul3A_1003 {strides = array<i32>} : memref<512x64xf32, #tpu.memory_space<vmem>>, vector<16xf32>,
        %mul3A_1007 = arith.constant 16 : i32
        %mul3A_1008 = arith.muli %scan3A_38, %mul3A_1007 : i32
        %add3A_1009 = arith.constant 12 : i32
        %add3A_1010 = arith.addi %mul3A_1008, %add3A_1009 : i32
        %slice3A_1011 = vector.extract_strided_slice %select_n3A {offsets = [12], sizes = [1], strides = [1]} : vector<16xf32> to vector<1xf32>
        %squeeze3A_1012 = vector.extract %slice3A_1011[0] : f32 from vector<1xf32>
        %get3A_1013 = arith.index_cast %add3A_1010 : i32 to index
        %get3A_1014 = arith.constant 0 : index
        %get3A_1015 = tpu.vector_load %arg7[%get3A_1013, %get3A_1014] {strides = array<i32>} : memref<512x64xf32, #tpu.memory_space<vmem>>, vector<16xf32>,
        %mul3A_1016 = vector.broadcast %squeeze3A_1012 : f32 to vector<16xf32>
        %mul3A_1017 = arith.mulf %get3A_1015, %mul3A_1016 : vector<16xf32>
        %swap3A_1018 = arith.index_cast %add3A_1010 : i32 to index
        %swap3A_1019 = arith.constant 0 : index
        %swap3A_1020 = tpu.vector_load %arg7[%swap3A_1018, %swap3A_1019] {strides = array<i32>} : memref<512x64xf32, #tpu.memory_space<vmem>>, vector<16xf32>,
        tpu.vector_store %arg7[%swap3A_1018, %swap3A_1019], %mul3A_1017 {strides = array<i32>} : memref<512x64xf32, #tpu.memory_space<vmem>>, vector<16xf32>,
        %get3A_1021 = arith.index_cast %add3A_1010 : i32 to index
        %get3A_1022 = arith.constant 16 : index
        %get3A_1023 = tpu.vector_load %arg7[%get3A_1021, %get3A_1022] {strides = array<i32>} : memref<512x64xf32, #tpu.memory_space<vmem>>, vector<16xf32>,
        %mul3A_1024 = vector.broadcast %squeeze3A_1012 : f32 to vector<16xf32>
        %mul3A_1025 = arith.mulf %get3A_1023, %mul3A_1024 : vector<16xf32>
        %swap3A_1026 = arith.index_cast %add3A_1010 : i32 to index
        %swap3A_1027 = arith.constant 16 : index
        %swap3A_1028 = tpu.vector_load %arg7[%swap3A_1026, %swap3A_1027] {strides = array<i32>} : memref<512x64xf32, #tpu.memory_space<vmem>>, vector<16xf32>,
        tpu.vector_store %arg7[%swap3A_1026, %swap3A_1027], %mul3A_1025 {strides = array<i32>} : memref<512x64xf32, #tpu.memory_space<vmem>>, vector<16xf32>,
        %get3A_1029 = arith.index_cast %add3A_1010 : i32 to index
        %get3A_1030 = arith.constant 32 : index
        %get3A_1031 = tpu.vector_load %arg7[%get3A_1029, %get3A_1030] {strides = array<i32>} : memref<512x64xf32, #tpu.memory_space<vmem>>, vector<16xf32>,
        %mul3A_1032 = vector.broadcast %squeeze3A_1012 : f32 to vector<16xf32>
        %mul3A_1033 = arith.mulf %get3A_1031, %mul3A_1032 : vector<16xf32>
        %swap3A_1034 = arith.index_cast %add3A_1010 : i32 to index
        %swap3A_1035 = arith.constant 32 : index
        %swap3A_1036 = tpu.vector_load %arg7[%swap3A_1034, %swap3A_1035] {strides = array<i32>} : memref<512x64xf32, #tpu.memory_space<vmem>>, vector<16xf32>,
        tpu.vector_store %arg7[%swap3A_1034, %swap3A_1035], %mul3A_1033 {strides = array<i32>} : memref<512x64xf32, #tpu.memory_space<vmem>>, vector<16xf32>,
        %get3A_1037 = arith.index_cast %add3A_1010 : i32 to index
        %get3A_1038 = arith.constant 48 : index
        %get3A_1039 = tpu.vector_load %arg7[%get3A_1037, %get3A_1038] {strides = array<i32>} : memref<512x64xf32, #tpu.memory_space<vmem>>, vector<16xf32>,
        %mul3A_1040 = vector.broadcast %squeeze3A_1012 : f32 to vector<16xf32>
        %mul3A_1041 = arith.mulf %get3A_1039, %mul3A_1040 : vector<16xf32>
        %swap3A_1042 = arith.index_cast %add3A_1010 : i32 to index
        %swap3A_1043 = arith.constant 48 : index
        %swap3A_1044 = tpu.vector_load %arg7[%swap3A_1042, %swap3A_1043] {strides = array<i32>} : memref<512x64xf32, #tpu.memory_space<vmem>>, vector<16xf32>,
        tpu.vector_store %arg7[%swap3A_1042, %swap3A_1043], %mul3A_1041 {strides = array<i32>} : memref<512x64xf32, #tpu.memory_space<vmem>>, vector<16xf32>,
        %mul3A_1045 = arith.constant 16 : i32
        %mul3A_1046 = arith.muli %scan3A_38, %mul3A_1045 : i32
        %add3A_1047 = arith.constant 13 : i32
        %add3A_1048 = arith.addi %mul3A_1046, %add3A_1047 : i32
        %slice3A_1049 = vector.extract_strided_slice %select_n3A {offsets = [13], sizes = [1], strides = [1]} : vector<16xf32> to vector<1xf32>
        %squeeze3A_1050 = vector.extract %slice3A_1049[0] : f32 from vector<1xf32>
        %get3A_1051 = arith.index_cast %add3A_1048 : i32 to index
        %get3A_1052 = arith.constant 0 : index
        %get3A_1053 = tpu.vector_load %arg7[%get3A_1051, %get3A_1052] {strides = array<i32>} : memref<512x64xf32, #tpu.memory_space<vmem>>, vector<16xf32>,
        %mul3A_1054 = vector.broadcast %squeeze3A_1050 : f32 to vector<16xf32>
        %mul3A_1055 = arith.mulf %get3A_1053, %mul3A_1054 : vector<16xf32>
        %swap3A_1056 = arith.index_cast %add3A_1048 : i32 to index
        %swap3A_1057 = arith.constant 0 : index
        %swap3A_1058 = tpu.vector_load %arg7[%swap3A_1056, %swap3A_1057] {strides = array<i32>} : memref<512x64xf32, #tpu.memory_space<vmem>>, vector<16xf32>,
        tpu.vector_store %arg7[%swap3A_1056, %swap3A_1057], %mul3A_1055 {strides = array<i32>} : memref<512x64xf32, #tpu.memory_space<vmem>>, vector<16xf32>,
        %get3A_1059 = arith.index_cast %add3A_1048 : i32 to index
        %get3A_1060 = arith.constant 16 : index
        %get3A_1061 = tpu.vector_load %arg7[%get3A_1059, %get3A_1060] {strides = array<i32>} : memref<512x64xf32, #tpu.memory_space<vmem>>, vector<16xf32>,
        %mul3A_1062 = vector.broadcast %squeeze3A_1050 : f32 to vector<16xf32>
        %mul3A_1063 = arith.mulf %get3A_1061, %mul3A_1062 : vector<16xf32>
        %swap3A_1064 = arith.index_cast %add3A_1048 : i32 to index
        %swap3A_1065 = arith.constant 16 : index
        %swap3A_1066 = tpu.vector_load %arg7[%swap3A_1064, %swap3A_1065] {strides = array<i32>} : memref<512x64xf32, #tpu.memory_space<vmem>>, vector<16xf32>,
        tpu.vector_store %arg7[%swap3A_1064, %swap3A_1065], %mul3A_1063 {strides = array<i32>} : memref<512x64xf32, #tpu.memory_space<vmem>>, vector<16xf32>,
        %get3A_1067 = arith.index_cast %add3A_1048 : i32 to index
        %get3A_1068 = arith.constant 32 : index
        %get3A_1069 = tpu.vector_load %arg7[%get3A_1067, %get3A_1068] {strides = array<i32>} : memref<512x64xf32, #tpu.memory_space<vmem>>, vector<16xf32>,
        %mul3A_1070 = vector.broadcast %squeeze3A_1050 : f32 to vector<16xf32>
        %mul3A_1071 = arith.mulf %get3A_1069, %mul3A_1070 : vector<16xf32>
        %swap3A_1072 = arith.index_cast %add3A_1048 : i32 to index
        %swap3A_1073 = arith.constant 32 : index
        %swap3A_1074 = tpu.vector_load %arg7[%swap3A_1072, %swap3A_1073] {strides = array<i32>} : memref<512x64xf32, #tpu.memory_space<vmem>>, vector<16xf32>,
        tpu.vector_store %arg7[%swap3A_1072, %swap3A_1073], %mul3A_1071 {strides = array<i32>} : memref<512x64xf32, #tpu.memory_space<vmem>>, vector<16xf32>,
        %get3A_1075 = arith.index_cast %add3A_1048 : i32 to index
        %get3A_1076 = arith.constant 48 : index
        %get3A_1077 = tpu.vector_load %arg7[%get3A_1075, %get3A_1076] {strides = array<i32>} : memref<512x64xf32, #tpu.memory_space<vmem>>, vector<16xf32>,
        %mul3A_1078 = vector.broadcast %squeeze3A_1050 : f32 to vector<16xf32>
        %mul3A_1079 = arith.mulf %get3A_1077, %mul3A_1078 : vector<16xf32>
        %swap3A_1080 = arith.index_cast %add3A_1048 : i32 to index
        %swap3A_1081 = arith.constant 48 : index
        %swap3A_1082 = tpu.vector_load %arg7[%swap3A_1080, %swap3A_1081] {strides = array<i32>} : memref<512x64xf32, #tpu.memory_space<vmem>>, vector<16xf32>,
        tpu.vector_store %arg7[%swap3A_1080, %swap3A_1081], %mul3A_1079 {strides = array<i32>} : memref<512x64xf32, #tpu.memory_space<vmem>>, vector<16xf32>,
        %mul3A_1083 = arith.constant 16 : i32
        %mul3A_1084 = arith.muli %scan3A_38, %mul3A_1083 : i32
        %add3A_1085 = arith.constant 14 : i32
        %add3A_1086 = arith.addi %mul3A_1084, %add3A_1085 : i32
        %slice3A_1087 = vector.extract_strided_slice %select_n3A {offsets = [14], sizes = [1], strides = [1]} : vector<16xf32> to vector<1xf32>
        %squeeze3A_1088 = vector.extract %slice3A_1087[0] : f32 from vector<1xf32>
        %get3A_1089 = arith.index_cast %add3A_1086 : i32 to index
        %get3A_1090 = arith.constant 0 : index
        %get3A_1091 = tpu.vector_load %arg7[%get3A_1089, %get3A_1090] {strides = array<i32>} : memref<512x64xf32, #tpu.memory_space<vmem>>, vector<16xf32>,
        %mul3A_1092 = vector.broadcast %squeeze3A_1088 : f32 to vector<16xf32>
        %mul3A_1093 = arith.mulf %get3A_1091, %mul3A_1092 : vector<16xf32>
        %swap3A_1094 = arith.index_cast %add3A_1086 : i32 to index
        %swap3A_1095 = arith.constant 0 : index
        %swap3A_1096 = tpu.vector_load %arg7[%swap3A_1094, %swap3A_1095] {strides = array<i32>} : memref<512x64xf32, #tpu.memory_space<vmem>>, vector<16xf32>,
        tpu.vector_store %arg7[%swap3A_1094, %swap3A_1095], %mul3A_1093 {strides = array<i32>} : memref<512x64xf32, #tpu.memory_space<vmem>>, vector<16xf32>,
        %get3A_1097 = arith.index_cast %add3A_1086 : i32 to index
        %get3A_1098 = arith.constant 16 : index
        %get3A_1099 = tpu.vector_load %arg7[%get3A_1097, %get3A_1098] {strides = array<i32>} : memref<512x64xf32, #tpu.memory_space<vmem>>, vector<16xf32>,
        %mul3A_1100 = vector.broadcast %squeeze3A_1088 : f32 to vector<16xf32>
        %mul3A_1101 = arith.mulf %get3A_1099, %mul3A_1100 : vector<16xf32>
        %swap3A_1102 = arith.index_cast %add3A_1086 : i32 to index
        %swap3A_1103 = arith.constant 16 : index
        %swap3A_1104 = tpu.vector_load %arg7[%swap3A_1102, %swap3A_1103] {strides = array<i32>} : memref<512x64xf32, #tpu.memory_space<vmem>>, vector<16xf32>,
        tpu.vector_store %arg7[%swap3A_1102, %swap3A_1103], %mul3A_1101 {strides = array<i32>} : memref<512x64xf32, #tpu.memory_space<vmem>>, vector<16xf32>,
        %get3A_1105 = arith.index_cast %add3A_1086 : i32 to index
        %get3A_1106 = arith.constant 32 : index
        %get3A_1107 = tpu.vector_load %arg7[%get3A_1105, %get3A_1106] {strides = array<i32>} : memref<512x64xf32, #tpu.memory_space<vmem>>, vector<16xf32>,
        %mul3A_1108 = vector.broadcast %squeeze3A_1088 : f32 to vector<16xf32>
        %mul3A_1109 = arith.mulf %get3A_1107, %mul3A_1108 : vector<16xf32>
        %swap3A_1110 = arith.index_cast %add3A_1086 : i32 to index
        %swap3A_1111 = arith.constant 32 : index
        %swap3A_1112 = tpu.vector_load %arg7[%swap3A_1110, %swap3A_1111] {strides = array<i32>} : memref<512x64xf32, #tpu.memory_space<vmem>>, vector<16xf32>,
        tpu.vector_store %arg7[%swap3A_1110, %swap3A_1111], %mul3A_1109 {strides = array<i32>} : memref<512x64xf32, #tpu.memory_space<vmem>>, vector<16xf32>,
        %get3A_1113 = arith.index_cast %add3A_1086 : i32 to index
        %get3A_1114 = arith.constant 48 : index
        %get3A_1115 = tpu.vector_load %arg7[%get3A_1113, %get3A_1114] {strides = array<i32>} : memref<512x64xf32, #tpu.memory_space<vmem>>, vector<16xf32>,
        %mul3A_1116 = vector.broadcast %squeeze3A_1088 : f32 to vector<16xf32>
        %mul3A_1117 = arith.mulf %get3A_1115, %mul3A_1116 : vector<16xf32>
        %swap3A_1118 = arith.index_cast %add3A_1086 : i32 to index
        %swap3A_1119 = arith.constant 48 : index
        %swap3A_1120 = tpu.vector_load %arg7[%swap3A_1118, %swap3A_1119] {strides = array<i32>} : memref<512x64xf32, #tpu.memory_space<vmem>>, vector<16xf32>,
        tpu.vector_store %arg7[%swap3A_1118, %swap3A_1119], %mul3A_1117 {strides = array<i32>} : memref<512x64xf32, #tpu.memory_space<vmem>>, vector<16xf32>,
        %mul3A_1121 = arith.constant 16 : i32
        %mul3A_1122 = arith.muli %scan3A_38, %mul3A_1121 : i32
        %add3A_1123 = arith.constant 15 : i32
        %add3A_1124 = arith.addi %mul3A_1122, %add3A_1123 : i32
        %slice3A_1125 = vector.extract_strided_slice %select_n3A {offsets = [15], sizes = [1], strides = [1]} : vector<16xf32> to vector<1xf32>
        %squeeze3A_1126 = vector.extract %slice3A_1125[0] : f32 from vector<1xf32>
        %get3A_1127 = arith.index_cast %add3A_1124 : i32 to index
        %get3A_1128 = arith.constant 0 : index
        %get3A_1129 = tpu.vector_load %arg7[%get3A_1127, %get3A_1128] {strides = array<i32>} : memref<512x64xf32, #tpu.memory_space<vmem>>, vector<16xf32>,
        %mul3A_1130 = vector.broadcast %squeeze3A_1126 : f32 to vector<16xf32>
        %mul3A_1131 = arith.mulf %get3A_1129, %mul3A_1130 : vector<16xf32>
        %swap3A_1132 = arith.index_cast %add3A_1124 : i32 to index
        %swap3A_1133 = arith.constant 0 : index
        %swap3A_1134 = tpu.vector_load %arg7[%swap3A_1132, %swap3A_1133] {strides = array<i32>} : memref<512x64xf32, #tpu.memory_space<vmem>>, vector<16xf32>,
        tpu.vector_store %arg7[%swap3A_1132, %swap3A_1133], %mul3A_1131 {strides = array<i32>} : memref<512x64xf32, #tpu.memory_space<vmem>>, vector<16xf32>,
        %get3A_1135 = arith.index_cast %add3A_1124 : i32 to index
        %get3A_1136 = arith.constant 16 : index
        %get3A_1137 = tpu.vector_load %arg7[%get3A_1135, %get3A_1136] {strides = array<i32>} : memref<512x64xf32, #tpu.memory_space<vmem>>, vector<16xf32>,
        %mul3A_1138 = vector.broadcast %squeeze3A_1126 : f32 to vector<16xf32>
        %mul3A_1139 = arith.mulf %get3A_1137, %mul3A_1138 : vector<16xf32>
        %swap3A_1140 = arith.index_cast %add3A_1124 : i32 to index
        %swap3A_1141 = arith.constant 16 : index
        %swap3A_1142 = tpu.vector_load %arg7[%swap3A_1140, %swap3A_1141] {strides = array<i32>} : memref<512x64xf32, #tpu.memory_space<vmem>>, vector<16xf32>,
        tpu.vector_store %arg7[%swap3A_1140, %swap3A_1141], %mul3A_1139 {strides = array<i32>} : memref<512x64xf32, #tpu.memory_space<vmem>>, vector<16xf32>,
        %get3A_1143 = arith.index_cast %add3A_1124 : i32 to index
        %get3A_1144 = arith.constant 32 : index
        %get3A_1145 = tpu.vector_load %arg7[%get3A_1143, %get3A_1144] {strides = array<i32>} : memref<512x64xf32, #tpu.memory_space<vmem>>, vector<16xf32>,
        %mul3A_1146 = vector.broadcast %squeeze3A_1126 : f32 to vector<16xf32>
        %mul3A_1147 = arith.mulf %get3A_1145, %mul3A_1146 : vector<16xf32>
        %swap3A_1148 = arith.index_cast %add3A_1124 : i32 to index
        %swap3A_1149 = arith.constant 32 : index
        %swap3A_1150 = tpu.vector_load %arg7[%swap3A_1148, %swap3A_1149] {strides = array<i32>} : memref<512x64xf32, #tpu.memory_space<vmem>>, vector<16xf32>,
        tpu.vector_store %arg7[%swap3A_1148, %swap3A_1149], %mul3A_1147 {strides = array<i32>} : memref<512x64xf32, #tpu.memory_space<vmem>>, vector<16xf32>,
        %get3A_1151 = arith.index_cast %add3A_1124 : i32 to index
        %get3A_1152 = arith.constant 48 : index
        %get3A_1153 = tpu.vector_load %arg7[%get3A_1151, %get3A_1152] {strides = array<i32>} : memref<512x64xf32, #tpu.memory_space<vmem>>, vector<16xf32>,
        %mul3A_1154 = vector.broadcast %squeeze3A_1126 : f32 to vector<16xf32>
        %mul3A_1155 = arith.mulf %get3A_1153, %mul3A_1154 : vector<16xf32>
        %swap3A_1156 = arith.index_cast %add3A_1124 : i32 to index
        %swap3A_1157 = arith.constant 48 : index
        %swap3A_1158 = tpu.vector_load %arg7[%swap3A_1156, %swap3A_1157] {strides = array<i32>} : memref<512x64xf32, #tpu.memory_space<vmem>>, vector<16xf32>,
        tpu.vector_store %arg7[%swap3A_1156, %swap3A_1157], %mul3A_1155 {strides = array<i32>} : memref<512x64xf32, #tpu.memory_space<vmem>>, vector<16xf32>,
      }
      %scan3A_28 = arith.constant 32 : i32
      "tpu.region"() ({
        %run_scoped3A = tpu.sem_alloc : memref<!tpu.dma_semaphore, #tpu.memory_space<semaphore_mem>>
        %dma_start3A_38 = arith.constant 0 : i32
        %dma_start3A_39 = tpu.memref_slice %arg4[%add3A_13, %dma_start3A_38] : memref<819200x64xf32, #tpu.memory_space<hbm>> -> memref<512x64xf32, #tpu.memory_space<hbm>>
        %dma_start3A_40 = arith.constant 0 : i32
        %dma_start3A_41 = tpu.memref_slice %arg4[%add3A_13, %dma_start3A_40] : memref<819200x64xf32, #tpu.memory_space<hbm>> -> memref<512x64xf32, #tpu.memory_space<hbm>>
        tpu.enqueue_dma source(%arg7 : memref<512x64xf32, #tpu.memory_space<vmem>>) target(%dma_start3A_41 : memref<512x64xf32, #tpu.memory_space<hbm>>) target_semaphore(%run_scoped3A : memref<!tpu.dma_semaphore, #tpu.memory_space<semaphore_mem>>)
        %dma_wait3A_42 = arith.constant 0 : i32
        %dma_wait3A_43 = tpu.memref_slice %arg4[%add3A_13, %dma_wait3A_42] : memref<819200x64xf32, #tpu.memory_space<hbm>> -> memref<512x64xf32, #tpu.memory_space<hbm>>
        %dma_wait3A_44 = arith.constant 0 : i32
        %dma_wait3A_45 = tpu.memref_slice %arg4[%add3A_13, %dma_wait3A_44] : memref<819200x64xf32, #tpu.memory_space<hbm>> -> memref<512x64xf32, #tpu.memory_space<hbm>>
        tpu.wait_dma2 semaphore(%run_scoped3A : memref<!tpu.dma_semaphore, #tpu.memory_space<semaphore_mem>>) src(%arg7 : memref<512x64xf32, #tpu.memory_space<vmem>>) dst(%dma_wait3A_45 : memref<512x64xf32, #tpu.memory_space<hbm>>)
        tpu.yield
      }) : () -> ()
      %dma_wait3A_29 = arith.constant 0 : i32
      %dma_wait3A_30 = arith.constant 0 : i32
      %dma_wait3A_31 = tpu.memref_slice %arg3[%dma_wait3A_29, %dma_wait3A_30] : memref<1000000x64xf32, #tpu.memory_space<hbm>> -> memref<1000000x64xf32, #tpu.memory_space<hbm>>
      tpu.wait_indirect_dma semaphore(%arg11 : memref<!tpu.dma_semaphore, #tpu.memory_space<semaphore_mem>>) src(%dma_wait3A_31 : memref<1000000x64xf32, #tpu.memory_space<hbm>>) dst(%arg8 : memref<512x64xf32, #tpu.memory_space<vmem>>)
      %scan3A_32 = arith.constant 0 : i32
      %scan3A_33 = arith.constant 0 : i32
      %scan3A_34 = arith.constant 32 : i32
      %scan3A_35 = arith.addi %scan3A_33, %scan3A_34 : i32
      %scan3A_36 = arith.constant 1 : i32
      scf.for %scan3A_38 = %scan3A_33 to %scan3A_35 step %scan3A_36  : i32 {
        %mul3A_39 = arith.constant 16 : i32
        %mul3A_40 = arith.muli %scan3A_38, %mul3A_39 : i32
        %add3A_41 = arith.constant 0 : i32
        %add3A_42 = arith.addi %mul3A_40, %add3A_41 : i32
        %get3A = arith.index_cast %add3A_42 : i32 to index
        %get3A_43 = arith.constant 0 : index
        %get3A_44 = tpu.vector_load %arg8[%get3A, %get3A_43] {strides = array<i32>} : memref<512x64xf32, #tpu.memory_space<vmem>>, vector<16xf32>,
        %mul3A_45 = arith.mulf %get3A_44, %get3A_44 : vector<16xf32>
        %get3A_46 = arith.index_cast %add3A_42 : i32 to index
        %get3A_47 = arith.constant 16 : index
        %get3A_48 = tpu.vector_load %arg8[%get3A_46, %get3A_47] {strides = array<i32>} : memref<512x64xf32, #tpu.memory_space<vmem>>, vector<16xf32>,
        %mul3A_49 = arith.mulf %get3A_48, %get3A_48 : vector<16xf32>
        %add3A_50 = arith.addf %mul3A_45, %mul3A_49 : vector<16xf32>
        %get3A_51 = arith.index_cast %add3A_42 : i32 to index
        %get3A_52 = arith.constant 32 : index
        %get3A_53 = tpu.vector_load %arg8[%get3A_51, %get3A_52] {strides = array<i32>} : memref<512x64xf32, #tpu.memory_space<vmem>>, vector<16xf32>,
        %mul3A_54 = arith.mulf %get3A_53, %get3A_53 : vector<16xf32>
        %add3A_55 = arith.addf %add3A_50, %mul3A_54 : vector<16xf32>
        %get3A_56 = arith.index_cast %add3A_42 : i32 to index
        %get3A_57 = arith.constant 48 : index
        %get3A_58 = tpu.vector_load %arg8[%get3A_56, %get3A_57] {strides = array<i32>} : memref<512x64xf32, #tpu.memory_space<vmem>>, vector<16xf32>,
        %mul3A_59 = arith.mulf %get3A_58, %get3A_58 : vector<16xf32>
        %add3A_60 = arith.addf %add3A_55, %mul3A_59 : vector<16xf32>
        %broadcast_in_dim3A = arith.constant 0 : i32
        %broadcast_in_dim3A_61 = vector.broadcast %broadcast_in_dim3A : i32 to vector<16xi32>
        tpu.vector_store_idx %arg9[%iota3A, %broadcast_in_dim3A_61], %add3A_60 : memref<16x16xf32, #tpu.memory_space<vmem>>[vector<16xi32>, vector<16xi32>], vector<16xf32>,
        %mul3A_62 = arith.constant 16 : i32
        %mul3A_63 = arith.muli %scan3A_38, %mul3A_62 : i32
        %add3A_64 = arith.constant 1 : i32
        %add3A_65 = arith.addi %mul3A_63, %add3A_64 : i32
        %get3A_66 = arith.index_cast %add3A_65 : i32 to index
        %get3A_67 = arith.constant 0 : index
        %get3A_68 = tpu.vector_load %arg8[%get3A_66, %get3A_67] {strides = array<i32>} : memref<512x64xf32, #tpu.memory_space<vmem>>, vector<16xf32>,
        %mul3A_69 = arith.mulf %get3A_68, %get3A_68 : vector<16xf32>
        %get3A_70 = arith.index_cast %add3A_65 : i32 to index
        %get3A_71 = arith.constant 16 : index
        %get3A_72 = tpu.vector_load %arg8[%get3A_70, %get3A_71] {strides = array<i32>} : memref<512x64xf32, #tpu.memory_space<vmem>>, vector<16xf32>,
        %mul3A_73 = arith.mulf %get3A_72, %get3A_72 : vector<16xf32>
        %add3A_74 = arith.addf %mul3A_69, %mul3A_73 : vector<16xf32>
        %get3A_75 = arith.index_cast %add3A_65 : i32 to index
        %get3A_76 = arith.constant 32 : index
        %get3A_77 = tpu.vector_load %arg8[%get3A_75, %get3A_76] {strides = array<i32>} : memref<512x64xf32, #tpu.memory_space<vmem>>, vector<16xf32>,
        %mul3A_78 = arith.mulf %get3A_77, %get3A_77 : vector<16xf32>
        %add3A_79 = arith.addf %add3A_74, %mul3A_78 : vector<16xf32>
        %get3A_80 = arith.index_cast %add3A_65 : i32 to index
        %get3A_81 = arith.constant 48 : index
        %get3A_82 = tpu.vector_load %arg8[%get3A_80, %get3A_81] {strides = array<i32>} : memref<512x64xf32, #tpu.memory_space<vmem>>, vector<16xf32>,
        %mul3A_83 = arith.mulf %get3A_82, %get3A_82 : vector<16xf32>
        %add3A_84 = arith.addf %add3A_79, %mul3A_83 : vector<16xf32>
        %broadcast_in_dim3A_85 = arith.constant 1 : i32
        %broadcast_in_dim3A_86 = vector.broadcast %broadcast_in_dim3A_85 : i32 to vector<16xi32>
        tpu.vector_store_idx %arg9[%iota3A, %broadcast_in_dim3A_86], %add3A_84 : memref<16x16xf32, #tpu.memory_space<vmem>>[vector<16xi32>, vector<16xi32>], vector<16xf32>,
        %mul3A_87 = arith.constant 16 : i32
        %mul3A_88 = arith.muli %scan3A_38, %mul3A_87 : i32
        %add3A_89 = arith.constant 2 : i32
        %add3A_90 = arith.addi %mul3A_88, %add3A_89 : i32
        %get3A_91 = arith.index_cast %add3A_90 : i32 to index
        %get3A_92 = arith.constant 0 : index
        %get3A_93 = tpu.vector_load %arg8[%get3A_91, %get3A_92] {strides = array<i32>} : memref<512x64xf32, #tpu.memory_space<vmem>>, vector<16xf32>,
        %mul3A_94 = arith.mulf %get3A_93, %get3A_93 : vector<16xf32>
        %get3A_95 = arith.index_cast %add3A_90 : i32 to index
        %get3A_96 = arith.constant 16 : index
        %get3A_97 = tpu.vector_load %arg8[%get3A_95, %get3A_96] {strides = array<i32>} : memref<512x64xf32, #tpu.memory_space<vmem>>, vector<16xf32>,
        %mul3A_98 = arith.mulf %get3A_97, %get3A_97 : vector<16xf32>
        %add3A_99 = arith.addf %mul3A_94, %mul3A_98 : vector<16xf32>
        %get3A_100 = arith.index_cast %add3A_90 : i32 to index
        %get3A_101 = arith.constant 32 : index
        %get3A_102 = tpu.vector_load %arg8[%get3A_100, %get3A_101] {strides = array<i32>} : memref<512x64xf32, #tpu.memory_space<vmem>>, vector<16xf32>,
        %mul3A_103 = arith.mulf %get3A_102, %get3A_102 : vector<16xf32>
        %add3A_104 = arith.addf %add3A_99, %mul3A_103 : vector<16xf32>
        %get3A_105 = arith.index_cast %add3A_90 : i32 to index
        %get3A_106 = arith.constant 48 : index
        %get3A_107 = tpu.vector_load %arg8[%get3A_105, %get3A_106] {strides = array<i32>} : memref<512x64xf32, #tpu.memory_space<vmem>>, vector<16xf32>,
        %mul3A_108 = arith.mulf %get3A_107, %get3A_107 : vector<16xf32>
        %add3A_109 = arith.addf %add3A_104, %mul3A_108 : vector<16xf32>
        %broadcast_in_dim3A_110 = arith.constant 2 : i32
        %broadcast_in_dim3A_111 = vector.broadcast %broadcast_in_dim3A_110 : i32 to vector<16xi32>
        tpu.vector_store_idx %arg9[%iota3A, %broadcast_in_dim3A_111], %add3A_109 : memref<16x16xf32, #tpu.memory_space<vmem>>[vector<16xi32>, vector<16xi32>], vector<16xf32>,
        %mul3A_112 = arith.constant 16 : i32
        %mul3A_113 = arith.muli %scan3A_38, %mul3A_112 : i32
        %add3A_114 = arith.constant 3 : i32
        %add3A_115 = arith.addi %mul3A_113, %add3A_114 : i32
        %get3A_116 = arith.index_cast %add3A_115 : i32 to index
        %get3A_117 = arith.constant 0 : index
        %get3A_118 = tpu.vector_load %arg8[%get3A_116, %get3A_117] {strides = array<i32>} : memref<512x64xf32, #tpu.memory_space<vmem>>, vector<16xf32>,
        %mul3A_119 = arith.mulf %get3A_118, %get3A_118 : vector<16xf32>
        %get3A_120 = arith.index_cast %add3A_115 : i32 to index
        %get3A_121 = arith.constant 16 : index
        %get3A_122 = tpu.vector_load %arg8[%get3A_120, %get3A_121] {strides = array<i32>} : memref<512x64xf32, #tpu.memory_space<vmem>>, vector<16xf32>,
        %mul3A_123 = arith.mulf %get3A_122, %get3A_122 : vector<16xf32>
        %add3A_124 = arith.addf %mul3A_119, %mul3A_123 : vector<16xf32>
        %get3A_125 = arith.index_cast %add3A_115 : i32 to index
        %get3A_126 = arith.constant 32 : index
        %get3A_127 = tpu.vector_load %arg8[%get3A_125, %get3A_126] {strides = array<i32>} : memref<512x64xf32, #tpu.memory_space<vmem>>, vector<16xf32>,
        %mul3A_128 = arith.mulf %get3A_127, %get3A_127 : vector<16xf32>
        %add3A_129 = arith.addf %add3A_124, %mul3A_128 : vector<16xf32>
        %get3A_130 = arith.index_cast %add3A_115 : i32 to index
        %get3A_131 = arith.constant 48 : index
        %get3A_132 = tpu.vector_load %arg8[%get3A_130, %get3A_131] {strides = array<i32>} : memref<512x64xf32, #tpu.memory_space<vmem>>, vector<16xf32>,
        %mul3A_133 = arith.mulf %get3A_132, %get3A_132 : vector<16xf32>
        %add3A_134 = arith.addf %add3A_129, %mul3A_133 : vector<16xf32>
        %broadcast_in_dim3A_135 = arith.constant 3 : i32
        %broadcast_in_dim3A_136 = vector.broadcast %broadcast_in_dim3A_135 : i32 to vector<16xi32>
        tpu.vector_store_idx %arg9[%iota3A, %broadcast_in_dim3A_136], %add3A_134 : memref<16x16xf32, #tpu.memory_space<vmem>>[vector<16xi32>, vector<16xi32>], vector<16xf32>,
        %mul3A_137 = arith.constant 16 : i32
        %mul3A_138 = arith.muli %scan3A_38, %mul3A_137 : i32
        %add3A_139 = arith.constant 4 : i32
        %add3A_140 = arith.addi %mul3A_138, %add3A_139 : i32
        %get3A_141 = arith.index_cast %add3A_140 : i32 to index
        %get3A_142 = arith.constant 0 : index
        %get3A_143 = tpu.vector_load %arg8[%get3A_141, %get3A_142] {strides = array<i32>} : memref<512x64xf32, #tpu.memory_space<vmem>>, vector<16xf32>,
        %mul3A_144 = arith.mulf %get3A_143, %get3A_143 : vector<16xf32>
        %get3A_145 = arith.index_cast %add3A_140 : i32 to index
        %get3A_146 = arith.constant 16 : index
        %get3A_147 = tpu.vector_load %arg8[%get3A_145, %get3A_146] {strides = array<i32>} : memref<512x64xf32, #tpu.memory_space<vmem>>, vector<16xf32>,
        %mul3A_148 = arith.mulf %get3A_147, %get3A_147 : vector<16xf32>
        %add3A_149 = arith.addf %mul3A_144, %mul3A_148 : vector<16xf32>
        %get3A_150 = arith.index_cast %add3A_140 : i32 to index
        %get3A_151 = arith.constant 32 : index
        %get3A_152 = tpu.vector_load %arg8[%get3A_150, %get3A_151] {strides = array<i32>} : memref<512x64xf32, #tpu.memory_space<vmem>>, vector<16xf32>,
        %mul3A_153 = arith.mulf %get3A_152, %get3A_152 : vector<16xf32>
        %add3A_154 = arith.addf %add3A_149, %mul3A_153 : vector<16xf32>
        %get3A_155 = arith.index_cast %add3A_140 : i32 to index
        %get3A_156 = arith.constant 48 : index
        %get3A_157 = tpu.vector_load %arg8[%get3A_155, %get3A_156] {strides = array<i32>} : memref<512x64xf32, #tpu.memory_space<vmem>>, vector<16xf32>,
        %mul3A_158 = arith.mulf %get3A_157, %get3A_157 : vector<16xf32>
        %add3A_159 = arith.addf %add3A_154, %mul3A_158 : vector<16xf32>
        %broadcast_in_dim3A_160 = arith.constant 4 : i32
        %broadcast_in_dim3A_161 = vector.broadcast %broadcast_in_dim3A_160 : i32 to vector<16xi32>
        tpu.vector_store_idx %arg9[%iota3A, %broadcast_in_dim3A_161], %add3A_159 : memref<16x16xf32, #tpu.memory_space<vmem>>[vector<16xi32>, vector<16xi32>], vector<16xf32>,
        %mul3A_162 = arith.constant 16 : i32
        %mul3A_163 = arith.muli %scan3A_38, %mul3A_162 : i32
        %add3A_164 = arith.constant 5 : i32
        %add3A_165 = arith.addi %mul3A_163, %add3A_164 : i32
        %get3A_166 = arith.index_cast %add3A_165 : i32 to index
        %get3A_167 = arith.constant 0 : index
        %get3A_168 = tpu.vector_load %arg8[%get3A_166, %get3A_167] {strides = array<i32>} : memref<512x64xf32, #tpu.memory_space<vmem>>, vector<16xf32>,
        %mul3A_169 = arith.mulf %get3A_168, %get3A_168 : vector<16xf32>
        %get3A_170 = arith.index_cast %add3A_165 : i32 to index
        %get3A_171 = arith.constant 16 : index
        %get3A_172 = tpu.vector_load %arg8[%get3A_170, %get3A_171] {strides = array<i32>} : memref<512x64xf32, #tpu.memory_space<vmem>>, vector<16xf32>,
        %mul3A_173 = arith.mulf %get3A_172, %get3A_172 : vector<16xf32>
        %add3A_174 = arith.addf %mul3A_169, %mul3A_173 : vector<16xf32>
        %get3A_175 = arith.index_cast %add3A_165 : i32 to index
        %get3A_176 = arith.constant 32 : index
        %get3A_177 = tpu.vector_load %arg8[%get3A_175, %get3A_176] {strides = array<i32>} : memref<512x64xf32, #tpu.memory_space<vmem>>, vector<16xf32>,
        %mul3A_178 = arith.mulf %get3A_177, %get3A_177 : vector<16xf32>
        %add3A_179 = arith.addf %add3A_174, %mul3A_178 : vector<16xf32>
        %get3A_180 = arith.index_cast %add3A_165 : i32 to index
        %get3A_181 = arith.constant 48 : index
        %get3A_182 = tpu.vector_load %arg8[%get3A_180, %get3A_181] {strides = array<i32>} : memref<512x64xf32, #tpu.memory_space<vmem>>, vector<16xf32>,
        %mul3A_183 = arith.mulf %get3A_182, %get3A_182 : vector<16xf32>
        %add3A_184 = arith.addf %add3A_179, %mul3A_183 : vector<16xf32>
        %broadcast_in_dim3A_185 = arith.constant 5 : i32
        %broadcast_in_dim3A_186 = vector.broadcast %broadcast_in_dim3A_185 : i32 to vector<16xi32>
        tpu.vector_store_idx %arg9[%iota3A, %broadcast_in_dim3A_186], %add3A_184 : memref<16x16xf32, #tpu.memory_space<vmem>>[vector<16xi32>, vector<16xi32>], vector<16xf32>,
        %mul3A_187 = arith.constant 16 : i32
        %mul3A_188 = arith.muli %scan3A_38, %mul3A_187 : i32
        %add3A_189 = arith.constant 6 : i32
        %add3A_190 = arith.addi %mul3A_188, %add3A_189 : i32
        %get3A_191 = arith.index_cast %add3A_190 : i32 to index
        %get3A_192 = arith.constant 0 : index
        %get3A_193 = tpu.vector_load %arg8[%get3A_191, %get3A_192] {strides = array<i32>} : memref<512x64xf32, #tpu.memory_space<vmem>>, vector<16xf32>,
        %mul3A_194 = arith.mulf %get3A_193, %get3A_193 : vector<16xf32>
        %get3A_195 = arith.index_cast %add3A_190 : i32 to index
        %get3A_196 = arith.constant 16 : index
        %get3A_197 = tpu.vector_load %arg8[%get3A_195, %get3A_196] {strides = array<i32>} : memref<512x64xf32, #tpu.memory_space<vmem>>, vector<16xf32>,
        %mul3A_198 = arith.mulf %get3A_197, %get3A_197 : vector<16xf32>
        %add3A_199 = arith.addf %mul3A_194, %mul3A_198 : vector<16xf32>
        %get3A_200 = arith.index_cast %add3A_190 : i32 to index
        %get3A_201 = arith.constant 32 : index
        %get3A_202 = tpu.vector_load %arg8[%get3A_200, %get3A_201] {strides = array<i32>} : memref<512x64xf32, #tpu.memory_space<vmem>>, vector<16xf32>,
        %mul3A_203 = arith.mulf %get3A_202, %get3A_202 : vector<16xf32>
        %add3A_204 = arith.addf %add3A_199, %mul3A_203 : vector<16xf32>
        %get3A_205 = arith.index_cast %add3A_190 : i32 to index
        %get3A_206 = arith.constant 48 : index
        %get3A_207 = tpu.vector_load %arg8[%get3A_205, %get3A_206] {strides = array<i32>} : memref<512x64xf32, #tpu.memory_space<vmem>>, vector<16xf32>,
        %mul3A_208 = arith.mulf %get3A_207, %get3A_207 : vector<16xf32>
        %add3A_209 = arith.addf %add3A_204, %mul3A_208 : vector<16xf32>
        %broadcast_in_dim3A_210 = arith.constant 6 : i32
        %broadcast_in_dim3A_211 = vector.broadcast %broadcast_in_dim3A_210 : i32 to vector<16xi32>
        tpu.vector_store_idx %arg9[%iota3A, %broadcast_in_dim3A_211], %add3A_209 : memref<16x16xf32, #tpu.memory_space<vmem>>[vector<16xi32>, vector<16xi32>], vector<16xf32>,
        %mul3A_212 = arith.constant 16 : i32
        %mul3A_213 = arith.muli %scan3A_38, %mul3A_212 : i32
        %add3A_214 = arith.constant 7 : i32
        %add3A_215 = arith.addi %mul3A_213, %add3A_214 : i32
        %get3A_216 = arith.index_cast %add3A_215 : i32 to index
        %get3A_217 = arith.constant 0 : index
        %get3A_218 = tpu.vector_load %arg8[%get3A_216, %get3A_217] {strides = array<i32>} : memref<512x64xf32, #tpu.memory_space<vmem>>, vector<16xf32>,
        %mul3A_219 = arith.mulf %get3A_218, %get3A_218 : vector<16xf32>
        %get3A_220 = arith.index_cast %add3A_215 : i32 to index
        %get3A_221 = arith.constant 16 : index
        %get3A_222 = tpu.vector_load %arg8[%get3A_220, %get3A_221] {strides = array<i32>} : memref<512x64xf32, #tpu.memory_space<vmem>>, vector<16xf32>,
        %mul3A_223 = arith.mulf %get3A_222, %get3A_222 : vector<16xf32>
        %add3A_224 = arith.addf %mul3A_219, %mul3A_223 : vector<16xf32>
        %get3A_225 = arith.index_cast %add3A_215 : i32 to index
        %get3A_226 = arith.constant 32 : index
        %get3A_227 = tpu.vector_load %arg8[%get3A_225, %get3A_226] {strides = array<i32>} : memref<512x64xf32, #tpu.memory_space<vmem>>, vector<16xf32>,
        %mul3A_228 = arith.mulf %get3A_227, %get3A_227 : vector<16xf32>
        %add3A_229 = arith.addf %add3A_224, %mul3A_228 : vector<16xf32>
        %get3A_230 = arith.index_cast %add3A_215 : i32 to index
        %get3A_231 = arith.constant 48 : index
        %get3A_232 = tpu.vector_load %arg8[%get3A_230, %get3A_231] {strides = array<i32>} : memref<512x64xf32, #tpu.memory_space<vmem>>, vector<16xf32>,
        %mul3A_233 = arith.mulf %get3A_232, %get3A_232 : vector<16xf32>
        %add3A_234 = arith.addf %add3A_229, %mul3A_233 : vector<16xf32>
        %broadcast_in_dim3A_235 = arith.constant 7 : i32
        %broadcast_in_dim3A_236 = vector.broadcast %broadcast_in_dim3A_235 : i32 to vector<16xi32>
        tpu.vector_store_idx %arg9[%iota3A, %broadcast_in_dim3A_236], %add3A_234 : memref<16x16xf32, #tpu.memory_space<vmem>>[vector<16xi32>, vector<16xi32>], vector<16xf32>,
        %mul3A_237 = arith.constant 16 : i32
        %mul3A_238 = arith.muli %scan3A_38, %mul3A_237 : i32
        %add3A_239 = arith.constant 8 : i32
        %add3A_240 = arith.addi %mul3A_238, %add3A_239 : i32
        %get3A_241 = arith.index_cast %add3A_240 : i32 to index
        %get3A_242 = arith.constant 0 : index
        %get3A_243 = tpu.vector_load %arg8[%get3A_241, %get3A_242] {strides = array<i32>} : memref<512x64xf32, #tpu.memory_space<vmem>>, vector<16xf32>,
        %mul3A_244 = arith.mulf %get3A_243, %get3A_243 : vector<16xf32>
        %get3A_245 = arith.index_cast %add3A_240 : i32 to index
        %get3A_246 = arith.constant 16 : index
        %get3A_247 = tpu.vector_load %arg8[%get3A_245, %get3A_246] {strides = array<i32>} : memref<512x64xf32, #tpu.memory_space<vmem>>, vector<16xf32>,
        %mul3A_248 = arith.mulf %get3A_247, %get3A_247 : vector<16xf32>
        %add3A_249 = arith.addf %mul3A_244, %mul3A_248 : vector<16xf32>
        %get3A_250 = arith.index_cast %add3A_240 : i32 to index
        %get3A_251 = arith.constant 32 : index
        %get3A_252 = tpu.vector_load %arg8[%get3A_250, %get3A_251] {strides = array<i32>} : memref<512x64xf32, #tpu.memory_space<vmem>>, vector<16xf32>,
        %mul3A_253 = arith.mulf %get3A_252, %get3A_252 : vector<16xf32>
        %add3A_254 = arith.addf %add3A_249, %mul3A_253 : vector<16xf32>
        %get3A_255 = arith.index_cast %add3A_240 : i32 to index
        %get3A_256 = arith.constant 48 : index
        %get3A_257 = tpu.vector_load %arg8[%get3A_255, %get3A_256] {strides = array<i32>} : memref<512x64xf32, #tpu.memory_space<vmem>>, vector<16xf32>,
        %mul3A_258 = arith.mulf %get3A_257, %get3A_257 : vector<16xf32>
        %add3A_259 = arith.addf %add3A_254, %mul3A_258 : vector<16xf32>
        %broadcast_in_dim3A_260 = arith.constant 8 : i32
        %broadcast_in_dim3A_261 = vector.broadcast %broadcast_in_dim3A_260 : i32 to vector<16xi32>
        tpu.vector_store_idx %arg9[%iota3A, %broadcast_in_dim3A_261], %add3A_259 : memref<16x16xf32, #tpu.memory_space<vmem>>[vector<16xi32>, vector<16xi32>], vector<16xf32>,
        %mul3A_262 = arith.constant 16 : i32
        %mul3A_263 = arith.muli %scan3A_38, %mul3A_262 : i32
        %add3A_264 = arith.constant 9 : i32
        %add3A_265 = arith.addi %mul3A_263, %add3A_264 : i32
        %get3A_266 = arith.index_cast %add3A_265 : i32 to index
        %get3A_267 = arith.constant 0 : index
        %get3A_268 = tpu.vector_load %arg8[%get3A_266, %get3A_267] {strides = array<i32>} : memref<512x64xf32, #tpu.memory_space<vmem>>, vector<16xf32>,
        %mul3A_269 = arith.mulf %get3A_268, %get3A_268 : vector<16xf32>
        %get3A_270 = arith.index_cast %add3A_265 : i32 to index
        %get3A_271 = arith.constant 16 : index
        %get3A_272 = tpu.vector_load %arg8[%get3A_270, %get3A_271] {strides = array<i32>} : memref<512x64xf32, #tpu.memory_space<vmem>>, vector<16xf32>,
        %mul3A_273 = arith.mulf %get3A_272, %get3A_272 : vector<16xf32>
        %add3A_274 = arith.addf %mul3A_269, %mul3A_273 : vector<16xf32>
        %get3A_275 = arith.index_cast %add3A_265 : i32 to index
        %get3A_276 = arith.constant 32 : index
        %get3A_277 = tpu.vector_load %arg8[%get3A_275, %get3A_276] {strides = array<i32>} : memref<512x64xf32, #tpu.memory_space<vmem>>, vector<16xf32>,
        %mul3A_278 = arith.mulf %get3A_277, %get3A_277 : vector<16xf32>
        %add3A_279 = arith.addf %add3A_274, %mul3A_278 : vector<16xf32>
        %get3A_280 = arith.index_cast %add3A_265 : i32 to index
        %get3A_281 = arith.constant 48 : index
        %get3A_282 = tpu.vector_load %arg8[%get3A_280, %get3A_281] {strides = array<i32>} : memref<512x64xf32, #tpu.memory_space<vmem>>, vector<16xf32>,
        %mul3A_283 = arith.mulf %get3A_282, %get3A_282 : vector<16xf32>
        %add3A_284 = arith.addf %add3A_279, %mul3A_283 : vector<16xf32>
        %broadcast_in_dim3A_285 = arith.constant 9 : i32
        %broadcast_in_dim3A_286 = vector.broadcast %broadcast_in_dim3A_285 : i32 to vector<16xi32>
        tpu.vector_store_idx %arg9[%iota3A, %broadcast_in_dim3A_286], %add3A_284 : memref<16x16xf32, #tpu.memory_space<vmem>>[vector<16xi32>, vector<16xi32>], vector<16xf32>,
        %mul3A_287 = arith.constant 16 : i32
        %mul3A_288 = arith.muli %scan3A_38, %mul3A_287 : i32
        %add3A_289 = arith.constant 10 : i32
        %add3A_290 = arith.addi %mul3A_288, %add3A_289 : i32
        %get3A_291 = arith.index_cast %add3A_290 : i32 to index
        %get3A_292 = arith.constant 0 : index
        %get3A_293 = tpu.vector_load %arg8[%get3A_291, %get3A_292] {strides = array<i32>} : memref<512x64xf32, #tpu.memory_space<vmem>>, vector<16xf32>,
        %mul3A_294 = arith.mulf %get3A_293, %get3A_293 : vector<16xf32>
        %get3A_295 = arith.index_cast %add3A_290 : i32 to index
        %get3A_296 = arith.constant 16 : index
        %get3A_297 = tpu.vector_load %arg8[%get3A_295, %get3A_296] {strides = array<i32>} : memref<512x64xf32, #tpu.memory_space<vmem>>, vector<16xf32>,
        %mul3A_298 = arith.mulf %get3A_297, %get3A_297 : vector<16xf32>
        %add3A_299 = arith.addf %mul3A_294, %mul3A_298 : vector<16xf32>
        %get3A_300 = arith.index_cast %add3A_290 : i32 to index
        %get3A_301 = arith.constant 32 : index
        %get3A_302 = tpu.vector_load %arg8[%get3A_300, %get3A_301] {strides = array<i32>} : memref<512x64xf32, #tpu.memory_space<vmem>>, vector<16xf32>,
        %mul3A_303 = arith.mulf %get3A_302, %get3A_302 : vector<16xf32>
        %add3A_304 = arith.addf %add3A_299, %mul3A_303 : vector<16xf32>
        %get3A_305 = arith.index_cast %add3A_290 : i32 to index
        %get3A_306 = arith.constant 48 : index
        %get3A_307 = tpu.vector_load %arg8[%get3A_305, %get3A_306] {strides = array<i32>} : memref<512x64xf32, #tpu.memory_space<vmem>>, vector<16xf32>,
        %mul3A_308 = arith.mulf %get3A_307, %get3A_307 : vector<16xf32>
        %add3A_309 = arith.addf %add3A_304, %mul3A_308 : vector<16xf32>
        %broadcast_in_dim3A_310 = arith.constant 10 : i32
        %broadcast_in_dim3A_311 = vector.broadcast %broadcast_in_dim3A_310 : i32 to vector<16xi32>
        tpu.vector_store_idx %arg9[%iota3A, %broadcast_in_dim3A_311], %add3A_309 : memref<16x16xf32, #tpu.memory_space<vmem>>[vector<16xi32>, vector<16xi32>], vector<16xf32>,
        %mul3A_312 = arith.constant 16 : i32
        %mul3A_313 = arith.muli %scan3A_38, %mul3A_312 : i32
        %add3A_314 = arith.constant 11 : i32
        %add3A_315 = arith.addi %mul3A_313, %add3A_314 : i32
        %get3A_316 = arith.index_cast %add3A_315 : i32 to index
        %get3A_317 = arith.constant 0 : index
        %get3A_318 = tpu.vector_load %arg8[%get3A_316, %get3A_317] {strides = array<i32>} : memref<512x64xf32, #tpu.memory_space<vmem>>, vector<16xf32>,
        %mul3A_319 = arith.mulf %get3A_318, %get3A_318 : vector<16xf32>
        %get3A_320 = arith.index_cast %add3A_315 : i32 to index
        %get3A_321 = arith.constant 16 : index
        %get3A_322 = tpu.vector_load %arg8[%get3A_320, %get3A_321] {strides = array<i32>} : memref<512x64xf32, #tpu.memory_space<vmem>>, vector<16xf32>,
        %mul3A_323 = arith.mulf %get3A_322, %get3A_322 : vector<16xf32>
        %add3A_324 = arith.addf %mul3A_319, %mul3A_323 : vector<16xf32>
        %get3A_325 = arith.index_cast %add3A_315 : i32 to index
        %get3A_326 = arith.constant 32 : index
        %get3A_327 = tpu.vector_load %arg8[%get3A_325, %get3A_326] {strides = array<i32>} : memref<512x64xf32, #tpu.memory_space<vmem>>, vector<16xf32>,
        %mul3A_328 = arith.mulf %get3A_327, %get3A_327 : vector<16xf32>
        %add3A_329 = arith.addf %add3A_324, %mul3A_328 : vector<16xf32>
        %get3A_330 = arith.index_cast %add3A_315 : i32 to index
        %get3A_331 = arith.constant 48 : index
        %get3A_332 = tpu.vector_load %arg8[%get3A_330, %get3A_331] {strides = array<i32>} : memref<512x64xf32, #tpu.memory_space<vmem>>, vector<16xf32>,
        %mul3A_333 = arith.mulf %get3A_332, %get3A_332 : vector<16xf32>
        %add3A_334 = arith.addf %add3A_329, %mul3A_333 : vector<16xf32>
        %broadcast_in_dim3A_335 = arith.constant 11 : i32
        %broadcast_in_dim3A_336 = vector.broadcast %broadcast_in_dim3A_335 : i32 to vector<16xi32>
        tpu.vector_store_idx %arg9[%iota3A, %broadcast_in_dim3A_336], %add3A_334 : memref<16x16xf32, #tpu.memory_space<vmem>>[vector<16xi32>, vector<16xi32>], vector<16xf32>,
        %mul3A_337 = arith.constant 16 : i32
        %mul3A_338 = arith.muli %scan3A_38, %mul3A_337 : i32
        %add3A_339 = arith.constant 12 : i32
        %add3A_340 = arith.addi %mul3A_338, %add3A_339 : i32
        %get3A_341 = arith.index_cast %add3A_340 : i32 to index
        %get3A_342 = arith.constant 0 : index
        %get3A_343 = tpu.vector_load %arg8[%get3A_341, %get3A_342] {strides = array<i32>} : memref<512x64xf32, #tpu.memory_space<vmem>>, vector<16xf32>,
        %mul3A_344 = arith.mulf %get3A_343, %get3A_343 : vector<16xf32>
        %get3A_345 = arith.index_cast %add3A_340 : i32 to index
        %get3A_346 = arith.constant 16 : index
        %get3A_347 = tpu.vector_load %arg8[%get3A_345, %get3A_346] {strides = array<i32>} : memref<512x64xf32, #tpu.memory_space<vmem>>, vector<16xf32>,
        %mul3A_348 = arith.mulf %get3A_347, %get3A_347 : vector<16xf32>
        %add3A_349 = arith.addf %mul3A_344, %mul3A_348 : vector<16xf32>
        %get3A_350 = arith.index_cast %add3A_340 : i32 to index
        %get3A_351 = arith.constant 32 : index
        %get3A_352 = tpu.vector_load %arg8[%get3A_350, %get3A_351] {strides = array<i32>} : memref<512x64xf32, #tpu.memory_space<vmem>>, vector<16xf32>,
        %mul3A_353 = arith.mulf %get3A_352, %get3A_352 : vector<16xf32>
        %add3A_354 = arith.addf %add3A_349, %mul3A_353 : vector<16xf32>
        %get3A_355 = arith.index_cast %add3A_340 : i32 to index
        %get3A_356 = arith.constant 48 : index
        %get3A_357 = tpu.vector_load %arg8[%get3A_355, %get3A_356] {strides = array<i32>} : memref<512x64xf32, #tpu.memory_space<vmem>>, vector<16xf32>,
        %mul3A_358 = arith.mulf %get3A_357, %get3A_357 : vector<16xf32>
        %add3A_359 = arith.addf %add3A_354, %mul3A_358 : vector<16xf32>
        %broadcast_in_dim3A_360 = arith.constant 12 : i32
        %broadcast_in_dim3A_361 = vector.broadcast %broadcast_in_dim3A_360 : i32 to vector<16xi32>
        tpu.vector_store_idx %arg9[%iota3A, %broadcast_in_dim3A_361], %add3A_359 : memref<16x16xf32, #tpu.memory_space<vmem>>[vector<16xi32>, vector<16xi32>], vector<16xf32>,
        %mul3A_362 = arith.constant 16 : i32
        %mul3A_363 = arith.muli %scan3A_38, %mul3A_362 : i32
        %add3A_364 = arith.constant 13 : i32
        %add3A_365 = arith.addi %mul3A_363, %add3A_364 : i32
        %get3A_366 = arith.index_cast %add3A_365 : i32 to index
        %get3A_367 = arith.constant 0 : index
        %get3A_368 = tpu.vector_load %arg8[%get3A_366, %get3A_367] {strides = array<i32>} : memref<512x64xf32, #tpu.memory_space<vmem>>, vector<16xf32>,
        %mul3A_369 = arith.mulf %get3A_368, %get3A_368 : vector<16xf32>
        %get3A_370 = arith.index_cast %add3A_365 : i32 to index
        %get3A_371 = arith.constant 16 : index
        %get3A_372 = tpu.vector_load %arg8[%get3A_370, %get3A_371] {strides = array<i32>} : memref<512x64xf32, #tpu.memory_space<vmem>>, vector<16xf32>,
        %mul3A_373 = arith.mulf %get3A_372, %get3A_372 : vector<16xf32>
        %add3A_374 = arith.addf %mul3A_369, %mul3A_373 : vector<16xf32>
        %get3A_375 = arith.index_cast %add3A_365 : i32 to index
        %get3A_376 = arith.constant 32 : index
        %get3A_377 = tpu.vector_load %arg8[%get3A_375, %get3A_376] {strides = array<i32>} : memref<512x64xf32, #tpu.memory_space<vmem>>, vector<16xf32>,
        %mul3A_378 = arith.mulf %get3A_377, %get3A_377 : vector<16xf32>
        %add3A_379 = arith.addf %add3A_374, %mul3A_378 : vector<16xf32>
        %get3A_380 = arith.index_cast %add3A_365 : i32 to index
        %get3A_381 = arith.constant 48 : index
        %get3A_382 = tpu.vector_load %arg8[%get3A_380, %get3A_381] {strides = array<i32>} : memref<512x64xf32, #tpu.memory_space<vmem>>, vector<16xf32>,
        %mul3A_383 = arith.mulf %get3A_382, %get3A_382 : vector<16xf32>
        %add3A_384 = arith.addf %add3A_379, %mul3A_383 : vector<16xf32>
        %broadcast_in_dim3A_385 = arith.constant 13 : i32
        %broadcast_in_dim3A_386 = vector.broadcast %broadcast_in_dim3A_385 : i32 to vector<16xi32>
        tpu.vector_store_idx %arg9[%iota3A, %broadcast_in_dim3A_386], %add3A_384 : memref<16x16xf32, #tpu.memory_space<vmem>>[vector<16xi32>, vector<16xi32>], vector<16xf32>,
        %mul3A_387 = arith.constant 16 : i32
        %mul3A_388 = arith.muli %scan3A_38, %mul3A_387 : i32
        %add3A_389 = arith.constant 14 : i32
        %add3A_390 = arith.addi %mul3A_388, %add3A_389 : i32
        %get3A_391 = arith.index_cast %add3A_390 : i32 to index
        %get3A_392 = arith.constant 0 : index
        %get3A_393 = tpu.vector_load %arg8[%get3A_391, %get3A_392] {strides = array<i32>} : memref<512x64xf32, #tpu.memory_space<vmem>>, vector<16xf32>,
        %mul3A_394 = arith.mulf %get3A_393, %get3A_393 : vector<16xf32>
        %get3A_395 = arith.index_cast %add3A_390 : i32 to index
        %get3A_396 = arith.constant 16 : index
        %get3A_397 = tpu.vector_load %arg8[%get3A_395, %get3A_396] {strides = array<i32>} : memref<512x64xf32, #tpu.memory_space<vmem>>, vector<16xf32>,
        %mul3A_398 = arith.mulf %get3A_397, %get3A_397 : vector<16xf32>
        %add3A_399 = arith.addf %mul3A_394, %mul3A_398 : vector<16xf32>
        %get3A_400 = arith.index_cast %add3A_390 : i32 to index
        %get3A_401 = arith.constant 32 : index
        %get3A_402 = tpu.vector_load %arg8[%get3A_400, %get3A_401] {strides = array<i32>} : memref<512x64xf32, #tpu.memory_space<vmem>>, vector<16xf32>,
        %mul3A_403 = arith.mulf %get3A_402, %get3A_402 : vector<16xf32>
        %add3A_404 = arith.addf %add3A_399, %mul3A_403 : vector<16xf32>
        %get3A_405 = arith.index_cast %add3A_390 : i32 to index
        %get3A_406 = arith.constant 48 : index
        %get3A_407 = tpu.vector_load %arg8[%get3A_405, %get3A_406] {strides = array<i32>} : memref<512x64xf32, #tpu.memory_space<vmem>>, vector<16xf32>,
        %mul3A_408 = arith.mulf %get3A_407, %get3A_407 : vector<16xf32>
        %add3A_409 = arith.addf %add3A_404, %mul3A_408 : vector<16xf32>
        %broadcast_in_dim3A_410 = arith.constant 14 : i32
        %broadcast_in_dim3A_411 = vector.broadcast %broadcast_in_dim3A_410 : i32 to vector<16xi32>
        tpu.vector_store_idx %arg9[%iota3A, %broadcast_in_dim3A_411], %add3A_409 : memref<16x16xf32, #tpu.memory_space<vmem>>[vector<16xi32>, vector<16xi32>], vector<16xf32>,
        %mul3A_412 = arith.constant 16 : i32
        %mul3A_413 = arith.muli %scan3A_38, %mul3A_412 : i32
        %add3A_414 = arith.constant 15 : i32
        %add3A_415 = arith.addi %mul3A_413, %add3A_414 : i32
        %get3A_416 = arith.index_cast %add3A_415 : i32 to index
        %get3A_417 = arith.constant 0 : index
        %get3A_418 = tpu.vector_load %arg8[%get3A_416, %get3A_417] {strides = array<i32>} : memref<512x64xf32, #tpu.memory_space<vmem>>, vector<16xf32>,
        %mul3A_419 = arith.mulf %get3A_418, %get3A_418 : vector<16xf32>
        %get3A_420 = arith.index_cast %add3A_415 : i32 to index
        %get3A_421 = arith.constant 16 : index
        %get3A_422 = tpu.vector_load %arg8[%get3A_420, %get3A_421] {strides = array<i32>} : memref<512x64xf32, #tpu.memory_space<vmem>>, vector<16xf32>,
        %mul3A_423 = arith.mulf %get3A_422, %get3A_422 : vector<16xf32>
        %add3A_424 = arith.addf %mul3A_419, %mul3A_423 : vector<16xf32>
        %get3A_425 = arith.index_cast %add3A_415 : i32 to index
        %get3A_426 = arith.constant 32 : index
        %get3A_427 = tpu.vector_load %arg8[%get3A_425, %get3A_426] {strides = array<i32>} : memref<512x64xf32, #tpu.memory_space<vmem>>, vector<16xf32>,
        %mul3A_428 = arith.mulf %get3A_427, %get3A_427 : vector<16xf32>
        %add3A_429 = arith.addf %add3A_424, %mul3A_428 : vector<16xf32>
        %get3A_430 = arith.index_cast %add3A_415 : i32 to index
        %get3A_431 = arith.constant 48 : index
        %get3A_432 = tpu.vector_load %arg8[%get3A_430, %get3A_431] {strides = array<i32>} : memref<512x64xf32, #tpu.memory_space<vmem>>, vector<16xf32>,
        %mul3A_433 = arith.mulf %get3A_432, %get3A_432 : vector<16xf32>
        %add3A_434 = arith.addf %add3A_429, %mul3A_433 : vector<16xf32>
        %broadcast_in_dim3A_435 = arith.constant 15 : i32
        %broadcast_in_dim3A_436 = vector.broadcast %broadcast_in_dim3A_435 : i32 to vector<16xi32>
        tpu.vector_store_idx %arg9[%iota3A, %broadcast_in_dim3A_436], %add3A_434 : memref<16x16xf32, #tpu.memory_space<vmem>>[vector<16xi32>, vector<16xi32>], vector<16xf32>,
        %get3A_437 = arith.constant 0 : i32
        %get3A_438 = arith.index_cast %get3A_437 : i32 to index
        %get3A_439 = arith.constant 0 : index
        %get3A_440 = tpu.vector_load %arg9[%get3A_438, %get3A_439] {strides = array<i32>} : memref<16x16xf32, #tpu.memory_space<vmem>>, vector<16xf32>,
        %get3A_441 = arith.constant 1 : i32
        %get3A_442 = arith.index_cast %get3A_441 : i32 to index
        %get3A_443 = arith.constant 0 : index
        %get3A_444 = tpu.vector_load %arg9[%get3A_442, %get3A_443] {strides = array<i32>} : memref<16x16xf32, #tpu.memory_space<vmem>>, vector<16xf32>,
        %add3A_445 = arith.addf %get3A_440, %get3A_444 : vector<16xf32>
        %get3A_446 = arith.constant 2 : i32
        %get3A_447 = arith.index_cast %get3A_446 : i32 to index
        %get3A_448 = arith.constant 0 : index
        %get3A_449 = tpu.vector_load %arg9[%get3A_447, %get3A_448] {strides = array<i32>} : memref<16x16xf32, #tpu.memory_space<vmem>>, vector<16xf32>,
        %add3A_450 = arith.addf %add3A_445, %get3A_449 : vector<16xf32>
        %get3A_451 = arith.constant 3 : i32
        %get3A_452 = arith.index_cast %get3A_451 : i32 to index
        %get3A_453 = arith.constant 0 : index
        %get3A_454 = tpu.vector_load %arg9[%get3A_452, %get3A_453] {strides = array<i32>} : memref<16x16xf32, #tpu.memory_space<vmem>>, vector<16xf32>,
        %add3A_455 = arith.addf %add3A_450, %get3A_454 : vector<16xf32>
        %get3A_456 = arith.constant 4 : i32
        %get3A_457 = arith.index_cast %get3A_456 : i32 to index
        %get3A_458 = arith.constant 0 : index
        %get3A_459 = tpu.vector_load %arg9[%get3A_457, %get3A_458] {strides = array<i32>} : memref<16x16xf32, #tpu.memory_space<vmem>>, vector<16xf32>,
        %add3A_460 = arith.addf %add3A_455, %get3A_459 : vector<16xf32>
        %get3A_461 = arith.constant 5 : i32
        %get3A_462 = arith.index_cast %get3A_461 : i32 to index
        %get3A_463 = arith.constant 0 : index
        %get3A_464 = tpu.vector_load %arg9[%get3A_462, %get3A_463] {strides = array<i32>} : memref<16x16xf32, #tpu.memory_space<vmem>>, vector<16xf32>,
        %add3A_465 = arith.addf %add3A_460, %get3A_464 : vector<16xf32>
        %get3A_466 = arith.constant 6 : i32
        %get3A_467 = arith.index_cast %get3A_466 : i32 to index
        %get3A_468 = arith.constant 0 : index
        %get3A_469 = tpu.vector_load %arg9[%get3A_467, %get3A_468] {strides = array<i32>} : memref<16x16xf32, #tpu.memory_space<vmem>>, vector<16xf32>,
        %add3A_470 = arith.addf %add3A_465, %get3A_469 : vector<16xf32>
        %get3A_471 = arith.constant 7 : i32
        %get3A_472 = arith.index_cast %get3A_471 : i32 to index
        %get3A_473 = arith.constant 0 : index
        %get3A_474 = tpu.vector_load %arg9[%get3A_472, %get3A_473] {strides = array<i32>} : memref<16x16xf32, #tpu.memory_space<vmem>>, vector<16xf32>,
        %add3A_475 = arith.addf %add3A_470, %get3A_474 : vector<16xf32>
        %get3A_476 = arith.constant 8 : i32
        %get3A_477 = arith.index_cast %get3A_476 : i32 to index
        %get3A_478 = arith.constant 0 : index
        %get3A_479 = tpu.vector_load %arg9[%get3A_477, %get3A_478] {strides = array<i32>} : memref<16x16xf32, #tpu.memory_space<vmem>>, vector<16xf32>,
        %add3A_480 = arith.addf %add3A_475, %get3A_479 : vector<16xf32>
        %get3A_481 = arith.constant 9 : i32
        %get3A_482 = arith.index_cast %get3A_481 : i32 to index
        %get3A_483 = arith.constant 0 : index
        %get3A_484 = tpu.vector_load %arg9[%get3A_482, %get3A_483] {strides = array<i32>} : memref<16x16xf32, #tpu.memory_space<vmem>>, vector<16xf32>,
        %add3A_485 = arith.addf %add3A_480, %get3A_484 : vector<16xf32>
        %get3A_486 = arith.constant 10 : i32
        %get3A_487 = arith.index_cast %get3A_486 : i32 to index
        %get3A_488 = arith.constant 0 : index
        %get3A_489 = tpu.vector_load %arg9[%get3A_487, %get3A_488] {strides = array<i32>} : memref<16x16xf32, #tpu.memory_space<vmem>>, vector<16xf32>,
        %add3A_490 = arith.addf %add3A_485, %get3A_489 : vector<16xf32>
        %get3A_491 = arith.constant 11 : i32
        %get3A_492 = arith.index_cast %get3A_491 : i32 to index
        %get3A_493 = arith.constant 0 : index
        %get3A_494 = tpu.vector_load %arg9[%get3A_492, %get3A_493] {strides = array<i32>} : memref<16x16xf32, #tpu.memory_space<vmem>>, vector<16xf32>,
        %add3A_495 = arith.addf %add3A_490, %get3A_494 : vector<16xf32>
        %get3A_496 = arith.constant 12 : i32
        %get3A_497 = arith.index_cast %get3A_496 : i32 to index
        %get3A_498 = arith.constant 0 : index
        %get3A_499 = tpu.vector_load %arg9[%get3A_497, %get3A_498] {strides = array<i32>} : memref<16x16xf32, #tpu.memory_space<vmem>>, vector<16xf32>,
        %add3A_500 = arith.addf %add3A_495, %get3A_499 : vector<16xf32>
        %get3A_501 = arith.constant 13 : i32
        %get3A_502 = arith.index_cast %get3A_501 : i32 to index
        %get3A_503 = arith.constant 0 : index
        %get3A_504 = tpu.vector_load %arg9[%get3A_502, %get3A_503] {strides = array<i32>} : memref<16x16xf32, #tpu.memory_space<vmem>>, vector<16xf32>,
        %add3A_505 = arith.addf %add3A_500, %get3A_504 : vector<16xf32>
        %get3A_506 = arith.constant 14 : i32
        %get3A_507 = arith.index_cast %get3A_506 : i32 to index
        %get3A_508 = arith.constant 0 : index
        %get3A_509 = tpu.vector_load %arg9[%get3A_507, %get3A_508] {strides = array<i32>} : memref<16x16xf32, #tpu.memory_space<vmem>>, vector<16xf32>,
        %add3A_510 = arith.addf %add3A_505, %get3A_509 : vector<16xf32>
        %get3A_511 = arith.constant 15 : i32
        %get3A_512 = arith.index_cast %get3A_511 : i32 to index
        %get3A_513 = arith.constant 0 : index
        %get3A_514 = tpu.vector_load %arg9[%get3A_512, %get3A_513] {strides = array<i32>} : memref<16x16xf32, #tpu.memory_space<vmem>>, vector<16xf32>,
        %add3A_515 = arith.addf %add3A_510, %get3A_514 : vector<16xf32>
        %bitcast3A = vector.bitcast %add3A_515 : vector<16xf32> to vector<16xi32>
        %shift_right_arithmetic3A = arith.constant 1 : i32
        %shift_right_arithmetic3A_516 = vector.broadcast %shift_right_arithmetic3A : i32 to vector<16xi32>
        %shift_right_arithmetic3A_517 = arith.shrsi %bitcast3A, %shift_right_arithmetic3A_516 : vector<16xi32>
        %sub3A = arith.constant 1597463007 : i32
        %sub3A_518 = vector.broadcast %sub3A : i32 to vector<16xi32>
        %sub3A_519 = arith.subi %sub3A_518, %shift_right_arithmetic3A_517 : vector<16xi32>
        %bitcast3A_520 = vector.bitcast %sub3A_519 : vector<16xi32> to vector<16xf32>
        %mul3A_521 = arith.constant 5.000000e-01 : f32
        %mul3A_522 = vector.broadcast %mul3A_521 : f32 to vector<16xf32>
        %mul3A_523 = arith.mulf %mul3A_522, %add3A_515 : vector<16xf32>
        %mul3A_524 = arith.mulf %mul3A_523, %bitcast3A_520 : vector<16xf32>
        %mul3A_525 = arith.mulf %mul3A_524, %bitcast3A_520 : vector<16xf32>
        %sub3A_526 = arith.constant 1.500000e+00 : f32
        %sub3A_527 = vector.broadcast %sub3A_526 : f32 to vector<16xf32>
        %sub3A_528 = arith.subf %sub3A_527, %mul3A_525 : vector<16xf32>
        %mul3A_529 = arith.mulf %bitcast3A_520, %sub3A_528 : vector<16xf32>
        %mul3A_530 = arith.constant 5.000000e-01 : f32
        %mul3A_531 = vector.broadcast %mul3A_530 : f32 to vector<16xf32>
        %mul3A_532 = arith.mulf %mul3A_531, %add3A_515 : vector<16xf32>
        %mul3A_533 = arith.mulf %mul3A_532, %mul3A_529 : vector<16xf32>
        %mul3A_534 = arith.mulf %mul3A_533, %mul3A_529 : vector<16xf32>
        %sub3A_535 = arith.constant 1.500000e+00 : f32
        %sub3A_536 = vector.broadcast %sub3A_535 : f32 to vector<16xf32>
        %sub3A_537 = arith.subf %sub3A_536, %mul3A_534 : vector<16xf32>
        %mul3A_538 = arith.mulf %mul3A_529, %sub3A_537 : vector<16xf32>
        %mul3A_539 = arith.constant 5.000000e-01 : f32
        %mul3A_540 = vector.broadcast %mul3A_539 : f32 to vector<16xf32>
        %mul3A_541 = arith.mulf %mul3A_540, %add3A_515 : vector<16xf32>
        %mul3A_542 = arith.mulf %mul3A_541, %mul3A_538 : vector<16xf32>
        %mul3A_543 = arith.mulf %mul3A_542, %mul3A_538 : vector<16xf32>
        %sub3A_544 = arith.constant 1.500000e+00 : f32
        %sub3A_545 = vector.broadcast %sub3A_544 : f32 to vector<16xf32>
        %sub3A_546 = arith.subf %sub3A_545, %mul3A_543 : vector<16xf32>
        %mul3A_547 = arith.mulf %mul3A_538, %sub3A_546 : vector<16xf32>
        %gt3A = arith.constant 1.000000e+00 : f32
        %gt3A_548 = vector.broadcast %gt3A : f32 to vector<16xf32>
        %gt3A_549 = arith.cmpf ogt, %add3A_515, %gt3A_548 : vector<16xf32>
        %mul3A_550 = arith.constant 1.000000e+00 : f32
        %mul3A_551 = vector.broadcast %mul3A_550 : f32 to vector<16xf32>
        %mul3A_552 = arith.mulf %mul3A_547, %mul3A_551 : vector<16xf32>
        %jit3A = arith.constant 1.000000e+00 : f32
        %broadcast_in_dim3A_553 = vector.broadcast %jit3A : f32 to vector<16xf32>
        %select_n3A = arith.select %gt3A_549, %mul3A_552, %broadcast_in_dim3A_553 : vector<16xi1>, vector<16xf32>
        %mul3A_554 = arith.constant 16 : i32
        %mul3A_555 = arith.muli %scan3A_38, %mul3A_554 : i32
        %add3A_556 = arith.constant 0 : i32
        %add3A_557 = arith.addi %mul3A_555, %add3A_556 : i32
        %slice3A = vector.extract_strided_slice %select_n3A {offsets = [0], sizes = [1], strides = [1]} : vector<16xf32> to vector<1xf32>
        %squeeze3A = vector.extract %slice3A[0] : f32 from vector<1xf32>
        %get3A_558 = arith.index_cast %add3A_557 : i32 to index
        %get3A_559 = arith.constant 0 : index
        %get3A_560 = tpu.vector_load %arg8[%get3A_558, %get3A_559] {strides = array<i32>} : memref<512x64xf32, #tpu.memory_space<vmem>>, vector<16xf32>,
        %mul3A_561 = vector.broadcast %squeeze3A : f32 to vector<16xf32>
        %mul3A_562 = arith.mulf %get3A_560, %mul3A_561 : vector<16xf32>
        %swap3A = arith.index_cast %add3A_557 : i32 to index
        %swap3A_563 = arith.constant 0 : index
        %swap3A_564 = tpu.vector_load %arg8[%swap3A, %swap3A_563] {strides = array<i32>} : memref<512x64xf32, #tpu.memory_space<vmem>>, vector<16xf32>,
        tpu.vector_store %arg8[%swap3A, %swap3A_563], %mul3A_562 {strides = array<i32>} : memref<512x64xf32, #tpu.memory_space<vmem>>, vector<16xf32>,
        %get3A_565 = arith.index_cast %add3A_557 : i32 to index
        %get3A_566 = arith.constant 16 : index
        %get3A_567 = tpu.vector_load %arg8[%get3A_565, %get3A_566] {strides = array<i32>} : memref<512x64xf32, #tpu.memory_space<vmem>>, vector<16xf32>,
        %mul3A_568 = vector.broadcast %squeeze3A : f32 to vector<16xf32>
        %mul3A_569 = arith.mulf %get3A_567, %mul3A_568 : vector<16xf32>
        %swap3A_570 = arith.index_cast %add3A_557 : i32 to index
        %swap3A_571 = arith.constant 16 : index
        %swap3A_572 = tpu.vector_load %arg8[%swap3A_570, %swap3A_571] {strides = array<i32>} : memref<512x64xf32, #tpu.memory_space<vmem>>, vector<16xf32>,
        tpu.vector_store %arg8[%swap3A_570, %swap3A_571], %mul3A_569 {strides = array<i32>} : memref<512x64xf32, #tpu.memory_space<vmem>>, vector<16xf32>,
        %get3A_573 = arith.index_cast %add3A_557 : i32 to index
        %get3A_574 = arith.constant 32 : index
        %get3A_575 = tpu.vector_load %arg8[%get3A_573, %get3A_574] {strides = array<i32>} : memref<512x64xf32, #tpu.memory_space<vmem>>, vector<16xf32>,
        %mul3A_576 = vector.broadcast %squeeze3A : f32 to vector<16xf32>
        %mul3A_577 = arith.mulf %get3A_575, %mul3A_576 : vector<16xf32>
        %swap3A_578 = arith.index_cast %add3A_557 : i32 to index
        %swap3A_579 = arith.constant 32 : index
        %swap3A_580 = tpu.vector_load %arg8[%swap3A_578, %swap3A_579] {strides = array<i32>} : memref<512x64xf32, #tpu.memory_space<vmem>>, vector<16xf32>,
        tpu.vector_store %arg8[%swap3A_578, %swap3A_579], %mul3A_577 {strides = array<i32>} : memref<512x64xf32, #tpu.memory_space<vmem>>, vector<16xf32>,
        %get3A_581 = arith.index_cast %add3A_557 : i32 to index
        %get3A_582 = arith.constant 48 : index
        %get3A_583 = tpu.vector_load %arg8[%get3A_581, %get3A_582] {strides = array<i32>} : memref<512x64xf32, #tpu.memory_space<vmem>>, vector<16xf32>,
        %mul3A_584 = vector.broadcast %squeeze3A : f32 to vector<16xf32>
        %mul3A_585 = arith.mulf %get3A_583, %mul3A_584 : vector<16xf32>
        %swap3A_586 = arith.index_cast %add3A_557 : i32 to index
        %swap3A_587 = arith.constant 48 : index
        %swap3A_588 = tpu.vector_load %arg8[%swap3A_586, %swap3A_587] {strides = array<i32>} : memref<512x64xf32, #tpu.memory_space<vmem>>, vector<16xf32>,
        tpu.vector_store %arg8[%swap3A_586, %swap3A_587], %mul3A_585 {strides = array<i32>} : memref<512x64xf32, #tpu.memory_space<vmem>>, vector<16xf32>,
        %mul3A_589 = arith.constant 16 : i32
        %mul3A_590 = arith.muli %scan3A_38, %mul3A_589 : i32
        %add3A_591 = arith.constant 1 : i32
        %add3A_592 = arith.addi %mul3A_590, %add3A_591 : i32
        %slice3A_593 = vector.extract_strided_slice %select_n3A {offsets = [1], sizes = [1], strides = [1]} : vector<16xf32> to vector<1xf32>
        %squeeze3A_594 = vector.extract %slice3A_593[0] : f32 from vector<1xf32>
        %get3A_595 = arith.index_cast %add3A_592 : i32 to index
        %get3A_596 = arith.constant 0 : index
        %get3A_597 = tpu.vector_load %arg8[%get3A_595, %get3A_596] {strides = array<i32>} : memref<512x64xf32, #tpu.memory_space<vmem>>, vector<16xf32>,
        %mul3A_598 = vector.broadcast %squeeze3A_594 : f32 to vector<16xf32>
        %mul3A_599 = arith.mulf %get3A_597, %mul3A_598 : vector<16xf32>
        %swap3A_600 = arith.index_cast %add3A_592 : i32 to index
        %swap3A_601 = arith.constant 0 : index
        %swap3A_602 = tpu.vector_load %arg8[%swap3A_600, %swap3A_601] {strides = array<i32>} : memref<512x64xf32, #tpu.memory_space<vmem>>, vector<16xf32>,
        tpu.vector_store %arg8[%swap3A_600, %swap3A_601], %mul3A_599 {strides = array<i32>} : memref<512x64xf32, #tpu.memory_space<vmem>>, vector<16xf32>,
        %get3A_603 = arith.index_cast %add3A_592 : i32 to index
        %get3A_604 = arith.constant 16 : index
        %get3A_605 = tpu.vector_load %arg8[%get3A_603, %get3A_604] {strides = array<i32>} : memref<512x64xf32, #tpu.memory_space<vmem>>, vector<16xf32>,
        %mul3A_606 = vector.broadcast %squeeze3A_594 : f32 to vector<16xf32>
        %mul3A_607 = arith.mulf %get3A_605, %mul3A_606 : vector<16xf32>
        %swap3A_608 = arith.index_cast %add3A_592 : i32 to index
        %swap3A_609 = arith.constant 16 : index
        %swap3A_610 = tpu.vector_load %arg8[%swap3A_608, %swap3A_609] {strides = array<i32>} : memref<512x64xf32, #tpu.memory_space<vmem>>, vector<16xf32>,
        tpu.vector_store %arg8[%swap3A_608, %swap3A_609], %mul3A_607 {strides = array<i32>} : memref<512x64xf32, #tpu.memory_space<vmem>>, vector<16xf32>,
        %get3A_611 = arith.index_cast %add3A_592 : i32 to index
        %get3A_612 = arith.constant 32 : index
        %get3A_613 = tpu.vector_load %arg8[%get3A_611, %get3A_612] {strides = array<i32>} : memref<512x64xf32, #tpu.memory_space<vmem>>, vector<16xf32>,
        %mul3A_614 = vector.broadcast %squeeze3A_594 : f32 to vector<16xf32>
        %mul3A_615 = arith.mulf %get3A_613, %mul3A_614 : vector<16xf32>
        %swap3A_616 = arith.index_cast %add3A_592 : i32 to index
        %swap3A_617 = arith.constant 32 : index
        %swap3A_618 = tpu.vector_load %arg8[%swap3A_616, %swap3A_617] {strides = array<i32>} : memref<512x64xf32, #tpu.memory_space<vmem>>, vector<16xf32>,
        tpu.vector_store %arg8[%swap3A_616, %swap3A_617], %mul3A_615 {strides = array<i32>} : memref<512x64xf32, #tpu.memory_space<vmem>>, vector<16xf32>,
        %get3A_619 = arith.index_cast %add3A_592 : i32 to index
        %get3A_620 = arith.constant 48 : index
        %get3A_621 = tpu.vector_load %arg8[%get3A_619, %get3A_620] {strides = array<i32>} : memref<512x64xf32, #tpu.memory_space<vmem>>, vector<16xf32>,
        %mul3A_622 = vector.broadcast %squeeze3A_594 : f32 to vector<16xf32>
        %mul3A_623 = arith.mulf %get3A_621, %mul3A_622 : vector<16xf32>
        %swap3A_624 = arith.index_cast %add3A_592 : i32 to index
        %swap3A_625 = arith.constant 48 : index
        %swap3A_626 = tpu.vector_load %arg8[%swap3A_624, %swap3A_625] {strides = array<i32>} : memref<512x64xf32, #tpu.memory_space<vmem>>, vector<16xf32>,
        tpu.vector_store %arg8[%swap3A_624, %swap3A_625], %mul3A_623 {strides = array<i32>} : memref<512x64xf32, #tpu.memory_space<vmem>>, vector<16xf32>,
        %mul3A_627 = arith.constant 16 : i32
        %mul3A_628 = arith.muli %scan3A_38, %mul3A_627 : i32
        %add3A_629 = arith.constant 2 : i32
        %add3A_630 = arith.addi %mul3A_628, %add3A_629 : i32
        %slice3A_631 = vector.extract_strided_slice %select_n3A {offsets = [2], sizes = [1], strides = [1]} : vector<16xf32> to vector<1xf32>
        %squeeze3A_632 = vector.extract %slice3A_631[0] : f32 from vector<1xf32>
        %get3A_633 = arith.index_cast %add3A_630 : i32 to index
        %get3A_634 = arith.constant 0 : index
        %get3A_635 = tpu.vector_load %arg8[%get3A_633, %get3A_634] {strides = array<i32>} : memref<512x64xf32, #tpu.memory_space<vmem>>, vector<16xf32>,
        %mul3A_636 = vector.broadcast %squeeze3A_632 : f32 to vector<16xf32>
        %mul3A_637 = arith.mulf %get3A_635, %mul3A_636 : vector<16xf32>
        %swap3A_638 = arith.index_cast %add3A_630 : i32 to index
        %swap3A_639 = arith.constant 0 : index
        %swap3A_640 = tpu.vector_load %arg8[%swap3A_638, %swap3A_639] {strides = array<i32>} : memref<512x64xf32, #tpu.memory_space<vmem>>, vector<16xf32>,
        tpu.vector_store %arg8[%swap3A_638, %swap3A_639], %mul3A_637 {strides = array<i32>} : memref<512x64xf32, #tpu.memory_space<vmem>>, vector<16xf32>,
        %get3A_641 = arith.index_cast %add3A_630 : i32 to index
        %get3A_642 = arith.constant 16 : index
        %get3A_643 = tpu.vector_load %arg8[%get3A_641, %get3A_642] {strides = array<i32>} : memref<512x64xf32, #tpu.memory_space<vmem>>, vector<16xf32>,
        %mul3A_644 = vector.broadcast %squeeze3A_632 : f32 to vector<16xf32>
        %mul3A_645 = arith.mulf %get3A_643, %mul3A_644 : vector<16xf32>
        %swap3A_646 = arith.index_cast %add3A_630 : i32 to index
        %swap3A_647 = arith.constant 16 : index
        %swap3A_648 = tpu.vector_load %arg8[%swap3A_646, %swap3A_647] {strides = array<i32>} : memref<512x64xf32, #tpu.memory_space<vmem>>, vector<16xf32>,
        tpu.vector_store %arg8[%swap3A_646, %swap3A_647], %mul3A_645 {strides = array<i32>} : memref<512x64xf32, #tpu.memory_space<vmem>>, vector<16xf32>,
        %get3A_649 = arith.index_cast %add3A_630 : i32 to index
        %get3A_650 = arith.constant 32 : index
        %get3A_651 = tpu.vector_load %arg8[%get3A_649, %get3A_650] {strides = array<i32>} : memref<512x64xf32, #tpu.memory_space<vmem>>, vector<16xf32>,
        %mul3A_652 = vector.broadcast %squeeze3A_632 : f32 to vector<16xf32>
        %mul3A_653 = arith.mulf %get3A_651, %mul3A_652 : vector<16xf32>
        %swap3A_654 = arith.index_cast %add3A_630 : i32 to index
        %swap3A_655 = arith.constant 32 : index
        %swap3A_656 = tpu.vector_load %arg8[%swap3A_654, %swap3A_655] {strides = array<i32>} : memref<512x64xf32, #tpu.memory_space<vmem>>, vector<16xf32>,
        tpu.vector_store %arg8[%swap3A_654, %swap3A_655], %mul3A_653 {strides = array<i32>} : memref<512x64xf32, #tpu.memory_space<vmem>>, vector<16xf32>,
        %get3A_657 = arith.index_cast %add3A_630 : i32 to index
        %get3A_658 = arith.constant 48 : index
        %get3A_659 = tpu.vector_load %arg8[%get3A_657, %get3A_658] {strides = array<i32>} : memref<512x64xf32, #tpu.memory_space<vmem>>, vector<16xf32>,
        %mul3A_660 = vector.broadcast %squeeze3A_632 : f32 to vector<16xf32>
        %mul3A_661 = arith.mulf %get3A_659, %mul3A_660 : vector<16xf32>
        %swap3A_662 = arith.index_cast %add3A_630 : i32 to index
        %swap3A_663 = arith.constant 48 : index
        %swap3A_664 = tpu.vector_load %arg8[%swap3A_662, %swap3A_663] {strides = array<i32>} : memref<512x64xf32, #tpu.memory_space<vmem>>, vector<16xf32>,
        tpu.vector_store %arg8[%swap3A_662, %swap3A_663], %mul3A_661 {strides = array<i32>} : memref<512x64xf32, #tpu.memory_space<vmem>>, vector<16xf32>,
        %mul3A_665 = arith.constant 16 : i32
        %mul3A_666 = arith.muli %scan3A_38, %mul3A_665 : i32
        %add3A_667 = arith.constant 3 : i32
        %add3A_668 = arith.addi %mul3A_666, %add3A_667 : i32
        %slice3A_669 = vector.extract_strided_slice %select_n3A {offsets = [3], sizes = [1], strides = [1]} : vector<16xf32> to vector<1xf32>
        %squeeze3A_670 = vector.extract %slice3A_669[0] : f32 from vector<1xf32>
        %get3A_671 = arith.index_cast %add3A_668 : i32 to index
        %get3A_672 = arith.constant 0 : index
        %get3A_673 = tpu.vector_load %arg8[%get3A_671, %get3A_672] {strides = array<i32>} : memref<512x64xf32, #tpu.memory_space<vmem>>, vector<16xf32>,
        %mul3A_674 = vector.broadcast %squeeze3A_670 : f32 to vector<16xf32>
        %mul3A_675 = arith.mulf %get3A_673, %mul3A_674 : vector<16xf32>
        %swap3A_676 = arith.index_cast %add3A_668 : i32 to index
        %swap3A_677 = arith.constant 0 : index
        %swap3A_678 = tpu.vector_load %arg8[%swap3A_676, %swap3A_677] {strides = array<i32>} : memref<512x64xf32, #tpu.memory_space<vmem>>, vector<16xf32>,
        tpu.vector_store %arg8[%swap3A_676, %swap3A_677], %mul3A_675 {strides = array<i32>} : memref<512x64xf32, #tpu.memory_space<vmem>>, vector<16xf32>,
        %get3A_679 = arith.index_cast %add3A_668 : i32 to index
        %get3A_680 = arith.constant 16 : index
        %get3A_681 = tpu.vector_load %arg8[%get3A_679, %get3A_680] {strides = array<i32>} : memref<512x64xf32, #tpu.memory_space<vmem>>, vector<16xf32>,
        %mul3A_682 = vector.broadcast %squeeze3A_670 : f32 to vector<16xf32>
        %mul3A_683 = arith.mulf %get3A_681, %mul3A_682 : vector<16xf32>
        %swap3A_684 = arith.index_cast %add3A_668 : i32 to index
        %swap3A_685 = arith.constant 16 : index
        %swap3A_686 = tpu.vector_load %arg8[%swap3A_684, %swap3A_685] {strides = array<i32>} : memref<512x64xf32, #tpu.memory_space<vmem>>, vector<16xf32>,
        tpu.vector_store %arg8[%swap3A_684, %swap3A_685], %mul3A_683 {strides = array<i32>} : memref<512x64xf32, #tpu.memory_space<vmem>>, vector<16xf32>,
        %get3A_687 = arith.index_cast %add3A_668 : i32 to index
        %get3A_688 = arith.constant 32 : index
        %get3A_689 = tpu.vector_load %arg8[%get3A_687, %get3A_688] {strides = array<i32>} : memref<512x64xf32, #tpu.memory_space<vmem>>, vector<16xf32>,
        %mul3A_690 = vector.broadcast %squeeze3A_670 : f32 to vector<16xf32>
        %mul3A_691 = arith.mulf %get3A_689, %mul3A_690 : vector<16xf32>
        %swap3A_692 = arith.index_cast %add3A_668 : i32 to index
        %swap3A_693 = arith.constant 32 : index
        %swap3A_694 = tpu.vector_load %arg8[%swap3A_692, %swap3A_693] {strides = array<i32>} : memref<512x64xf32, #tpu.memory_space<vmem>>, vector<16xf32>,
        tpu.vector_store %arg8[%swap3A_692, %swap3A_693], %mul3A_691 {strides = array<i32>} : memref<512x64xf32, #tpu.memory_space<vmem>>, vector<16xf32>,
        %get3A_695 = arith.index_cast %add3A_668 : i32 to index
        %get3A_696 = arith.constant 48 : index
        %get3A_697 = tpu.vector_load %arg8[%get3A_695, %get3A_696] {strides = array<i32>} : memref<512x64xf32, #tpu.memory_space<vmem>>, vector<16xf32>,
        %mul3A_698 = vector.broadcast %squeeze3A_670 : f32 to vector<16xf32>
        %mul3A_699 = arith.mulf %get3A_697, %mul3A_698 : vector<16xf32>
        %swap3A_700 = arith.index_cast %add3A_668 : i32 to index
        %swap3A_701 = arith.constant 48 : index
        %swap3A_702 = tpu.vector_load %arg8[%swap3A_700, %swap3A_701] {strides = array<i32>} : memref<512x64xf32, #tpu.memory_space<vmem>>, vector<16xf32>,
        tpu.vector_store %arg8[%swap3A_700, %swap3A_701], %mul3A_699 {strides = array<i32>} : memref<512x64xf32, #tpu.memory_space<vmem>>, vector<16xf32>,
        %mul3A_703 = arith.constant 16 : i32
        %mul3A_704 = arith.muli %scan3A_38, %mul3A_703 : i32
        %add3A_705 = arith.constant 4 : i32
        %add3A_706 = arith.addi %mul3A_704, %add3A_705 : i32
        %slice3A_707 = vector.extract_strided_slice %select_n3A {offsets = [4], sizes = [1], strides = [1]} : vector<16xf32> to vector<1xf32>
        %squeeze3A_708 = vector.extract %slice3A_707[0] : f32 from vector<1xf32>
        %get3A_709 = arith.index_cast %add3A_706 : i32 to index
        %get3A_710 = arith.constant 0 : index
        %get3A_711 = tpu.vector_load %arg8[%get3A_709, %get3A_710] {strides = array<i32>} : memref<512x64xf32, #tpu.memory_space<vmem>>, vector<16xf32>,
        %mul3A_712 = vector.broadcast %squeeze3A_708 : f32 to vector<16xf32>
        %mul3A_713 = arith.mulf %get3A_711, %mul3A_712 : vector<16xf32>
        %swap3A_714 = arith.index_cast %add3A_706 : i32 to index
        %swap3A_715 = arith.constant 0 : index
        %swap3A_716 = tpu.vector_load %arg8[%swap3A_714, %swap3A_715] {strides = array<i32>} : memref<512x64xf32, #tpu.memory_space<vmem>>, vector<16xf32>,
        tpu.vector_store %arg8[%swap3A_714, %swap3A_715], %mul3A_713 {strides = array<i32>} : memref<512x64xf32, #tpu.memory_space<vmem>>, vector<16xf32>,
        %get3A_717 = arith.index_cast %add3A_706 : i32 to index
        %get3A_718 = arith.constant 16 : index
        %get3A_719 = tpu.vector_load %arg8[%get3A_717, %get3A_718] {strides = array<i32>} : memref<512x64xf32, #tpu.memory_space<vmem>>, vector<16xf32>,
        %mul3A_720 = vector.broadcast %squeeze3A_708 : f32 to vector<16xf32>
        %mul3A_721 = arith.mulf %get3A_719, %mul3A_720 : vector<16xf32>
        %swap3A_722 = arith.index_cast %add3A_706 : i32 to index
        %swap3A_723 = arith.constant 16 : index
        %swap3A_724 = tpu.vector_load %arg8[%swap3A_722, %swap3A_723] {strides = array<i32>} : memref<512x64xf32, #tpu.memory_space<vmem>>, vector<16xf32>,
        tpu.vector_store %arg8[%swap3A_722, %swap3A_723], %mul3A_721 {strides = array<i32>} : memref<512x64xf32, #tpu.memory_space<vmem>>, vector<16xf32>,
        %get3A_725 = arith.index_cast %add3A_706 : i32 to index
        %get3A_726 = arith.constant 32 : index
        %get3A_727 = tpu.vector_load %arg8[%get3A_725, %get3A_726] {strides = array<i32>} : memref<512x64xf32, #tpu.memory_space<vmem>>, vector<16xf32>,
        %mul3A_728 = vector.broadcast %squeeze3A_708 : f32 to vector<16xf32>
        %mul3A_729 = arith.mulf %get3A_727, %mul3A_728 : vector<16xf32>
        %swap3A_730 = arith.index_cast %add3A_706 : i32 to index
        %swap3A_731 = arith.constant 32 : index
        %swap3A_732 = tpu.vector_load %arg8[%swap3A_730, %swap3A_731] {strides = array<i32>} : memref<512x64xf32, #tpu.memory_space<vmem>>, vector<16xf32>,
        tpu.vector_store %arg8[%swap3A_730, %swap3A_731], %mul3A_729 {strides = array<i32>} : memref<512x64xf32, #tpu.memory_space<vmem>>, vector<16xf32>,
        %get3A_733 = arith.index_cast %add3A_706 : i32 to index
        %get3A_734 = arith.constant 48 : index
        %get3A_735 = tpu.vector_load %arg8[%get3A_733, %get3A_734] {strides = array<i32>} : memref<512x64xf32, #tpu.memory_space<vmem>>, vector<16xf32>,
        %mul3A_736 = vector.broadcast %squeeze3A_708 : f32 to vector<16xf32>
        %mul3A_737 = arith.mulf %get3A_735, %mul3A_736 : vector<16xf32>
        %swap3A_738 = arith.index_cast %add3A_706 : i32 to index
        %swap3A_739 = arith.constant 48 : index
        %swap3A_740 = tpu.vector_load %arg8[%swap3A_738, %swap3A_739] {strides = array<i32>} : memref<512x64xf32, #tpu.memory_space<vmem>>, vector<16xf32>,
        tpu.vector_store %arg8[%swap3A_738, %swap3A_739], %mul3A_737 {strides = array<i32>} : memref<512x64xf32, #tpu.memory_space<vmem>>, vector<16xf32>,
        %mul3A_741 = arith.constant 16 : i32
        %mul3A_742 = arith.muli %scan3A_38, %mul3A_741 : i32
        %add3A_743 = arith.constant 5 : i32
        %add3A_744 = arith.addi %mul3A_742, %add3A_743 : i32
        %slice3A_745 = vector.extract_strided_slice %select_n3A {offsets = [5], sizes = [1], strides = [1]} : vector<16xf32> to vector<1xf32>
        %squeeze3A_746 = vector.extract %slice3A_745[0] : f32 from vector<1xf32>
        %get3A_747 = arith.index_cast %add3A_744 : i32 to index
        %get3A_748 = arith.constant 0 : index
        %get3A_749 = tpu.vector_load %arg8[%get3A_747, %get3A_748] {strides = array<i32>} : memref<512x64xf32, #tpu.memory_space<vmem>>, vector<16xf32>,
        %mul3A_750 = vector.broadcast %squeeze3A_746 : f32 to vector<16xf32>
        %mul3A_751 = arith.mulf %get3A_749, %mul3A_750 : vector<16xf32>
        %swap3A_752 = arith.index_cast %add3A_744 : i32 to index
        %swap3A_753 = arith.constant 0 : index
        %swap3A_754 = tpu.vector_load %arg8[%swap3A_752, %swap3A_753] {strides = array<i32>} : memref<512x64xf32, #tpu.memory_space<vmem>>, vector<16xf32>,
        tpu.vector_store %arg8[%swap3A_752, %swap3A_753], %mul3A_751 {strides = array<i32>} : memref<512x64xf32, #tpu.memory_space<vmem>>, vector<16xf32>,
        %get3A_755 = arith.index_cast %add3A_744 : i32 to index
        %get3A_756 = arith.constant 16 : index
        %get3A_757 = tpu.vector_load %arg8[%get3A_755, %get3A_756] {strides = array<i32>} : memref<512x64xf32, #tpu.memory_space<vmem>>, vector<16xf32>,
        %mul3A_758 = vector.broadcast %squeeze3A_746 : f32 to vector<16xf32>
        %mul3A_759 = arith.mulf %get3A_757, %mul3A_758 : vector<16xf32>
        %swap3A_760 = arith.index_cast %add3A_744 : i32 to index
        %swap3A_761 = arith.constant 16 : index
        %swap3A_762 = tpu.vector_load %arg8[%swap3A_760, %swap3A_761] {strides = array<i32>} : memref<512x64xf32, #tpu.memory_space<vmem>>, vector<16xf32>,
        tpu.vector_store %arg8[%swap3A_760, %swap3A_761], %mul3A_759 {strides = array<i32>} : memref<512x64xf32, #tpu.memory_space<vmem>>, vector<16xf32>,
        %get3A_763 = arith.index_cast %add3A_744 : i32 to index
        %get3A_764 = arith.constant 32 : index
        %get3A_765 = tpu.vector_load %arg8[%get3A_763, %get3A_764] {strides = array<i32>} : memref<512x64xf32, #tpu.memory_space<vmem>>, vector<16xf32>,
        %mul3A_766 = vector.broadcast %squeeze3A_746 : f32 to vector<16xf32>
        %mul3A_767 = arith.mulf %get3A_765, %mul3A_766 : vector<16xf32>
        %swap3A_768 = arith.index_cast %add3A_744 : i32 to index
        %swap3A_769 = arith.constant 32 : index
        %swap3A_770 = tpu.vector_load %arg8[%swap3A_768, %swap3A_769] {strides = array<i32>} : memref<512x64xf32, #tpu.memory_space<vmem>>, vector<16xf32>,
        tpu.vector_store %arg8[%swap3A_768, %swap3A_769], %mul3A_767 {strides = array<i32>} : memref<512x64xf32, #tpu.memory_space<vmem>>, vector<16xf32>,
        %get3A_771 = arith.index_cast %add3A_744 : i32 to index
        %get3A_772 = arith.constant 48 : index
        %get3A_773 = tpu.vector_load %arg8[%get3A_771, %get3A_772] {strides = array<i32>} : memref<512x64xf32, #tpu.memory_space<vmem>>, vector<16xf32>,
        %mul3A_774 = vector.broadcast %squeeze3A_746 : f32 to vector<16xf32>
        %mul3A_775 = arith.mulf %get3A_773, %mul3A_774 : vector<16xf32>
        %swap3A_776 = arith.index_cast %add3A_744 : i32 to index
        %swap3A_777 = arith.constant 48 : index
        %swap3A_778 = tpu.vector_load %arg8[%swap3A_776, %swap3A_777] {strides = array<i32>} : memref<512x64xf32, #tpu.memory_space<vmem>>, vector<16xf32>,
        tpu.vector_store %arg8[%swap3A_776, %swap3A_777], %mul3A_775 {strides = array<i32>} : memref<512x64xf32, #tpu.memory_space<vmem>>, vector<16xf32>,
        %mul3A_779 = arith.constant 16 : i32
        %mul3A_780 = arith.muli %scan3A_38, %mul3A_779 : i32
        %add3A_781 = arith.constant 6 : i32
        %add3A_782 = arith.addi %mul3A_780, %add3A_781 : i32
        %slice3A_783 = vector.extract_strided_slice %select_n3A {offsets = [6], sizes = [1], strides = [1]} : vector<16xf32> to vector<1xf32>
        %squeeze3A_784 = vector.extract %slice3A_783[0] : f32 from vector<1xf32>
        %get3A_785 = arith.index_cast %add3A_782 : i32 to index
        %get3A_786 = arith.constant 0 : index
        %get3A_787 = tpu.vector_load %arg8[%get3A_785, %get3A_786] {strides = array<i32>} : memref<512x64xf32, #tpu.memory_space<vmem>>, vector<16xf32>,
        %mul3A_788 = vector.broadcast %squeeze3A_784 : f32 to vector<16xf32>
        %mul3A_789 = arith.mulf %get3A_787, %mul3A_788 : vector<16xf32>
        %swap3A_790 = arith.index_cast %add3A_782 : i32 to index
        %swap3A_791 = arith.constant 0 : index
        %swap3A_792 = tpu.vector_load %arg8[%swap3A_790, %swap3A_791] {strides = array<i32>} : memref<512x64xf32, #tpu.memory_space<vmem>>, vector<16xf32>,
        tpu.vector_store %arg8[%swap3A_790, %swap3A_791], %mul3A_789 {strides = array<i32>} : memref<512x64xf32, #tpu.memory_space<vmem>>, vector<16xf32>,
        %get3A_793 = arith.index_cast %add3A_782 : i32 to index
        %get3A_794 = arith.constant 16 : index
        %get3A_795 = tpu.vector_load %arg8[%get3A_793, %get3A_794] {strides = array<i32>} : memref<512x64xf32, #tpu.memory_space<vmem>>, vector<16xf32>,
        %mul3A_796 = vector.broadcast %squeeze3A_784 : f32 to vector<16xf32>
        %mul3A_797 = arith.mulf %get3A_795, %mul3A_796 : vector<16xf32>
        %swap3A_798 = arith.index_cast %add3A_782 : i32 to index
        %swap3A_799 = arith.constant 16 : index
        %swap3A_800 = tpu.vector_load %arg8[%swap3A_798, %swap3A_799] {strides = array<i32>} : memref<512x64xf32, #tpu.memory_space<vmem>>, vector<16xf32>,
        tpu.vector_store %arg8[%swap3A_798, %swap3A_799], %mul3A_797 {strides = array<i32>} : memref<512x64xf32, #tpu.memory_space<vmem>>, vector<16xf32>,
        %get3A_801 = arith.index_cast %add3A_782 : i32 to index
        %get3A_802 = arith.constant 32 : index
        %get3A_803 = tpu.vector_load %arg8[%get3A_801, %get3A_802] {strides = array<i32>} : memref<512x64xf32, #tpu.memory_space<vmem>>, vector<16xf32>,
        %mul3A_804 = vector.broadcast %squeeze3A_784 : f32 to vector<16xf32>
        %mul3A_805 = arith.mulf %get3A_803, %mul3A_804 : vector<16xf32>
        %swap3A_806 = arith.index_cast %add3A_782 : i32 to index
        %swap3A_807 = arith.constant 32 : index
        %swap3A_808 = tpu.vector_load %arg8[%swap3A_806, %swap3A_807] {strides = array<i32>} : memref<512x64xf32, #tpu.memory_space<vmem>>, vector<16xf32>,
        tpu.vector_store %arg8[%swap3A_806, %swap3A_807], %mul3A_805 {strides = array<i32>} : memref<512x64xf32, #tpu.memory_space<vmem>>, vector<16xf32>,
        %get3A_809 = arith.index_cast %add3A_782 : i32 to index
        %get3A_810 = arith.constant 48 : index
        %get3A_811 = tpu.vector_load %arg8[%get3A_809, %get3A_810] {strides = array<i32>} : memref<512x64xf32, #tpu.memory_space<vmem>>, vector<16xf32>,
        %mul3A_812 = vector.broadcast %squeeze3A_784 : f32 to vector<16xf32>
        %mul3A_813 = arith.mulf %get3A_811, %mul3A_812 : vector<16xf32>
        %swap3A_814 = arith.index_cast %add3A_782 : i32 to index
        %swap3A_815 = arith.constant 48 : index
        %swap3A_816 = tpu.vector_load %arg8[%swap3A_814, %swap3A_815] {strides = array<i32>} : memref<512x64xf32, #tpu.memory_space<vmem>>, vector<16xf32>,
        tpu.vector_store %arg8[%swap3A_814, %swap3A_815], %mul3A_813 {strides = array<i32>} : memref<512x64xf32, #tpu.memory_space<vmem>>, vector<16xf32>,
        %mul3A_817 = arith.constant 16 : i32
        %mul3A_818 = arith.muli %scan3A_38, %mul3A_817 : i32
        %add3A_819 = arith.constant 7 : i32
        %add3A_820 = arith.addi %mul3A_818, %add3A_819 : i32
        %slice3A_821 = vector.extract_strided_slice %select_n3A {offsets = [7], sizes = [1], strides = [1]} : vector<16xf32> to vector<1xf32>
        %squeeze3A_822 = vector.extract %slice3A_821[0] : f32 from vector<1xf32>
        %get3A_823 = arith.index_cast %add3A_820 : i32 to index
        %get3A_824 = arith.constant 0 : index
        %get3A_825 = tpu.vector_load %arg8[%get3A_823, %get3A_824] {strides = array<i32>} : memref<512x64xf32, #tpu.memory_space<vmem>>, vector<16xf32>,
        %mul3A_826 = vector.broadcast %squeeze3A_822 : f32 to vector<16xf32>
        %mul3A_827 = arith.mulf %get3A_825, %mul3A_826 : vector<16xf32>
        %swap3A_828 = arith.index_cast %add3A_820 : i32 to index
        %swap3A_829 = arith.constant 0 : index
        %swap3A_830 = tpu.vector_load %arg8[%swap3A_828, %swap3A_829] {strides = array<i32>} : memref<512x64xf32, #tpu.memory_space<vmem>>, vector<16xf32>,
        tpu.vector_store %arg8[%swap3A_828, %swap3A_829], %mul3A_827 {strides = array<i32>} : memref<512x64xf32, #tpu.memory_space<vmem>>, vector<16xf32>,
        %get3A_831 = arith.index_cast %add3A_820 : i32 to index
        %get3A_832 = arith.constant 16 : index
        %get3A_833 = tpu.vector_load %arg8[%get3A_831, %get3A_832] {strides = array<i32>} : memref<512x64xf32, #tpu.memory_space<vmem>>, vector<16xf32>,
        %mul3A_834 = vector.broadcast %squeeze3A_822 : f32 to vector<16xf32>
        %mul3A_835 = arith.mulf %get3A_833, %mul3A_834 : vector<16xf32>
        %swap3A_836 = arith.index_cast %add3A_820 : i32 to index
        %swap3A_837 = arith.constant 16 : index
        %swap3A_838 = tpu.vector_load %arg8[%swap3A_836, %swap3A_837] {strides = array<i32>} : memref<512x64xf32, #tpu.memory_space<vmem>>, vector<16xf32>,
        tpu.vector_store %arg8[%swap3A_836, %swap3A_837], %mul3A_835 {strides = array<i32>} : memref<512x64xf32, #tpu.memory_space<vmem>>, vector<16xf32>,
        %get3A_839 = arith.index_cast %add3A_820 : i32 to index
        %get3A_840 = arith.constant 32 : index
        %get3A_841 = tpu.vector_load %arg8[%get3A_839, %get3A_840] {strides = array<i32>} : memref<512x64xf32, #tpu.memory_space<vmem>>, vector<16xf32>,
        %mul3A_842 = vector.broadcast %squeeze3A_822 : f32 to vector<16xf32>
        %mul3A_843 = arith.mulf %get3A_841, %mul3A_842 : vector<16xf32>
        %swap3A_844 = arith.index_cast %add3A_820 : i32 to index
        %swap3A_845 = arith.constant 32 : index
        %swap3A_846 = tpu.vector_load %arg8[%swap3A_844, %swap3A_845] {strides = array<i32>} : memref<512x64xf32, #tpu.memory_space<vmem>>, vector<16xf32>,
        tpu.vector_store %arg8[%swap3A_844, %swap3A_845], %mul3A_843 {strides = array<i32>} : memref<512x64xf32, #tpu.memory_space<vmem>>, vector<16xf32>,
        %get3A_847 = arith.index_cast %add3A_820 : i32 to index
        %get3A_848 = arith.constant 48 : index
        %get3A_849 = tpu.vector_load %arg8[%get3A_847, %get3A_848] {strides = array<i32>} : memref<512x64xf32, #tpu.memory_space<vmem>>, vector<16xf32>,
        %mul3A_850 = vector.broadcast %squeeze3A_822 : f32 to vector<16xf32>
        %mul3A_851 = arith.mulf %get3A_849, %mul3A_850 : vector<16xf32>
        %swap3A_852 = arith.index_cast %add3A_820 : i32 to index
        %swap3A_853 = arith.constant 48 : index
        %swap3A_854 = tpu.vector_load %arg8[%swap3A_852, %swap3A_853] {strides = array<i32>} : memref<512x64xf32, #tpu.memory_space<vmem>>, vector<16xf32>,
        tpu.vector_store %arg8[%swap3A_852, %swap3A_853], %mul3A_851 {strides = array<i32>} : memref<512x64xf32, #tpu.memory_space<vmem>>, vector<16xf32>,
        %mul3A_855 = arith.constant 16 : i32
        %mul3A_856 = arith.muli %scan3A_38, %mul3A_855 : i32
        %add3A_857 = arith.constant 8 : i32
        %add3A_858 = arith.addi %mul3A_856, %add3A_857 : i32
        %slice3A_859 = vector.extract_strided_slice %select_n3A {offsets = [8], sizes = [1], strides = [1]} : vector<16xf32> to vector<1xf32>
        %squeeze3A_860 = vector.extract %slice3A_859[0] : f32 from vector<1xf32>
        %get3A_861 = arith.index_cast %add3A_858 : i32 to index
        %get3A_862 = arith.constant 0 : index
        %get3A_863 = tpu.vector_load %arg8[%get3A_861, %get3A_862] {strides = array<i32>} : memref<512x64xf32, #tpu.memory_space<vmem>>, vector<16xf32>,
        %mul3A_864 = vector.broadcast %squeeze3A_860 : f32 to vector<16xf32>
        %mul3A_865 = arith.mulf %get3A_863, %mul3A_864 : vector<16xf32>
        %swap3A_866 = arith.index_cast %add3A_858 : i32 to index
        %swap3A_867 = arith.constant 0 : index
        %swap3A_868 = tpu.vector_load %arg8[%swap3A_866, %swap3A_867] {strides = array<i32>} : memref<512x64xf32, #tpu.memory_space<vmem>>, vector<16xf32>,
        tpu.vector_store %arg8[%swap3A_866, %swap3A_867], %mul3A_865 {strides = array<i32>} : memref<512x64xf32, #tpu.memory_space<vmem>>, vector<16xf32>,
        %get3A_869 = arith.index_cast %add3A_858 : i32 to index
        %get3A_870 = arith.constant 16 : index
        %get3A_871 = tpu.vector_load %arg8[%get3A_869, %get3A_870] {strides = array<i32>} : memref<512x64xf32, #tpu.memory_space<vmem>>, vector<16xf32>,
        %mul3A_872 = vector.broadcast %squeeze3A_860 : f32 to vector<16xf32>
        %mul3A_873 = arith.mulf %get3A_871, %mul3A_872 : vector<16xf32>
        %swap3A_874 = arith.index_cast %add3A_858 : i32 to index
        %swap3A_875 = arith.constant 16 : index
        %swap3A_876 = tpu.vector_load %arg8[%swap3A_874, %swap3A_875] {strides = array<i32>} : memref<512x64xf32, #tpu.memory_space<vmem>>, vector<16xf32>,
        tpu.vector_store %arg8[%swap3A_874, %swap3A_875], %mul3A_873 {strides = array<i32>} : memref<512x64xf32, #tpu.memory_space<vmem>>, vector<16xf32>,
        %get3A_877 = arith.index_cast %add3A_858 : i32 to index
        %get3A_878 = arith.constant 32 : index
        %get3A_879 = tpu.vector_load %arg8[%get3A_877, %get3A_878] {strides = array<i32>} : memref<512x64xf32, #tpu.memory_space<vmem>>, vector<16xf32>,
        %mul3A_880 = vector.broadcast %squeeze3A_860 : f32 to vector<16xf32>
        %mul3A_881 = arith.mulf %get3A_879, %mul3A_880 : vector<16xf32>
        %swap3A_882 = arith.index_cast %add3A_858 : i32 to index
        %swap3A_883 = arith.constant 32 : index
        %swap3A_884 = tpu.vector_load %arg8[%swap3A_882, %swap3A_883] {strides = array<i32>} : memref<512x64xf32, #tpu.memory_space<vmem>>, vector<16xf32>,
        tpu.vector_store %arg8[%swap3A_882, %swap3A_883], %mul3A_881 {strides = array<i32>} : memref<512x64xf32, #tpu.memory_space<vmem>>, vector<16xf32>,
        %get3A_885 = arith.index_cast %add3A_858 : i32 to index
        %get3A_886 = arith.constant 48 : index
        %get3A_887 = tpu.vector_load %arg8[%get3A_885, %get3A_886] {strides = array<i32>} : memref<512x64xf32, #tpu.memory_space<vmem>>, vector<16xf32>,
        %mul3A_888 = vector.broadcast %squeeze3A_860 : f32 to vector<16xf32>
        %mul3A_889 = arith.mulf %get3A_887, %mul3A_888 : vector<16xf32>
        %swap3A_890 = arith.index_cast %add3A_858 : i32 to index
        %swap3A_891 = arith.constant 48 : index
        %swap3A_892 = tpu.vector_load %arg8[%swap3A_890, %swap3A_891] {strides = array<i32>} : memref<512x64xf32, #tpu.memory_space<vmem>>, vector<16xf32>,
        tpu.vector_store %arg8[%swap3A_890, %swap3A_891], %mul3A_889 {strides = array<i32>} : memref<512x64xf32, #tpu.memory_space<vmem>>, vector<16xf32>,
        %mul3A_893 = arith.constant 16 : i32
        %mul3A_894 = arith.muli %scan3A_38, %mul3A_893 : i32
        %add3A_895 = arith.constant 9 : i32
        %add3A_896 = arith.addi %mul3A_894, %add3A_895 : i32
        %slice3A_897 = vector.extract_strided_slice %select_n3A {offsets = [9], sizes = [1], strides = [1]} : vector<16xf32> to vector<1xf32>
        %squeeze3A_898 = vector.extract %slice3A_897[0] : f32 from vector<1xf32>
        %get3A_899 = arith.index_cast %add3A_896 : i32 to index
        %get3A_900 = arith.constant 0 : index
        %get3A_901 = tpu.vector_load %arg8[%get3A_899, %get3A_900] {strides = array<i32>} : memref<512x64xf32, #tpu.memory_space<vmem>>, vector<16xf32>,
        %mul3A_902 = vector.broadcast %squeeze3A_898 : f32 to vector<16xf32>
        %mul3A_903 = arith.mulf %get3A_901, %mul3A_902 : vector<16xf32>
        %swap3A_904 = arith.index_cast %add3A_896 : i32 to index
        %swap3A_905 = arith.constant 0 : index
        %swap3A_906 = tpu.vector_load %arg8[%swap3A_904, %swap3A_905] {strides = array<i32>} : memref<512x64xf32, #tpu.memory_space<vmem>>, vector<16xf32>,
        tpu.vector_store %arg8[%swap3A_904, %swap3A_905], %mul3A_903 {strides = array<i32>} : memref<512x64xf32, #tpu.memory_space<vmem>>, vector<16xf32>,
        %get3A_907 = arith.index_cast %add3A_896 : i32 to index
        %get3A_908 = arith.constant 16 : index
        %get3A_909 = tpu.vector_load %arg8[%get3A_907, %get3A_908] {strides = array<i32>} : memref<512x64xf32, #tpu.memory_space<vmem>>, vector<16xf32>,
        %mul3A_910 = vector.broadcast %squeeze3A_898 : f32 to vector<16xf32>
        %mul3A_911 = arith.mulf %get3A_909, %mul3A_910 : vector<16xf32>
        %swap3A_912 = arith.index_cast %add3A_896 : i32 to index
        %swap3A_913 = arith.constant 16 : index
        %swap3A_914 = tpu.vector_load %arg8[%swap3A_912, %swap3A_913] {strides = array<i32>} : memref<512x64xf32, #tpu.memory_space<vmem>>, vector<16xf32>,
        tpu.vector_store %arg8[%swap3A_912, %swap3A_913], %mul3A_911 {strides = array<i32>} : memref<512x64xf32, #tpu.memory_space<vmem>>, vector<16xf32>,
        %get3A_915 = arith.index_cast %add3A_896 : i32 to index
        %get3A_916 = arith.constant 32 : index
        %get3A_917 = tpu.vector_load %arg8[%get3A_915, %get3A_916] {strides = array<i32>} : memref<512x64xf32, #tpu.memory_space<vmem>>, vector<16xf32>,
        %mul3A_918 = vector.broadcast %squeeze3A_898 : f32 to vector<16xf32>
        %mul3A_919 = arith.mulf %get3A_917, %mul3A_918 : vector<16xf32>
        %swap3A_920 = arith.index_cast %add3A_896 : i32 to index
        %swap3A_921 = arith.constant 32 : index
        %swap3A_922 = tpu.vector_load %arg8[%swap3A_920, %swap3A_921] {strides = array<i32>} : memref<512x64xf32, #tpu.memory_space<vmem>>, vector<16xf32>,
        tpu.vector_store %arg8[%swap3A_920, %swap3A_921], %mul3A_919 {strides = array<i32>} : memref<512x64xf32, #tpu.memory_space<vmem>>, vector<16xf32>,
        %get3A_923 = arith.index_cast %add3A_896 : i32 to index
        %get3A_924 = arith.constant 48 : index
        %get3A_925 = tpu.vector_load %arg8[%get3A_923, %get3A_924] {strides = array<i32>} : memref<512x64xf32, #tpu.memory_space<vmem>>, vector<16xf32>,
        %mul3A_926 = vector.broadcast %squeeze3A_898 : f32 to vector<16xf32>
        %mul3A_927 = arith.mulf %get3A_925, %mul3A_926 : vector<16xf32>
        %swap3A_928 = arith.index_cast %add3A_896 : i32 to index
        %swap3A_929 = arith.constant 48 : index
        %swap3A_930 = tpu.vector_load %arg8[%swap3A_928, %swap3A_929] {strides = array<i32>} : memref<512x64xf32, #tpu.memory_space<vmem>>, vector<16xf32>,
        tpu.vector_store %arg8[%swap3A_928, %swap3A_929], %mul3A_927 {strides = array<i32>} : memref<512x64xf32, #tpu.memory_space<vmem>>, vector<16xf32>,
        %mul3A_931 = arith.constant 16 : i32
        %mul3A_932 = arith.muli %scan3A_38, %mul3A_931 : i32
        %add3A_933 = arith.constant 10 : i32
        %add3A_934 = arith.addi %mul3A_932, %add3A_933 : i32
        %slice3A_935 = vector.extract_strided_slice %select_n3A {offsets = [10], sizes = [1], strides = [1]} : vector<16xf32> to vector<1xf32>
        %squeeze3A_936 = vector.extract %slice3A_935[0] : f32 from vector<1xf32>
        %get3A_937 = arith.index_cast %add3A_934 : i32 to index
        %get3A_938 = arith.constant 0 : index
        %get3A_939 = tpu.vector_load %arg8[%get3A_937, %get3A_938] {strides = array<i32>} : memref<512x64xf32, #tpu.memory_space<vmem>>, vector<16xf32>,
        %mul3A_940 = vector.broadcast %squeeze3A_936 : f32 to vector<16xf32>
        %mul3A_941 = arith.mulf %get3A_939, %mul3A_940 : vector<16xf32>
        %swap3A_942 = arith.index_cast %add3A_934 : i32 to index
        %swap3A_943 = arith.constant 0 : index
        %swap3A_944 = tpu.vector_load %arg8[%swap3A_942, %swap3A_943] {strides = array<i32>} : memref<512x64xf32, #tpu.memory_space<vmem>>, vector<16xf32>,
        tpu.vector_store %arg8[%swap3A_942, %swap3A_943], %mul3A_941 {strides = array<i32>} : memref<512x64xf32, #tpu.memory_space<vmem>>, vector<16xf32>,
        %get3A_945 = arith.index_cast %add3A_934 : i32 to index
        %get3A_946 = arith.constant 16 : index
        %get3A_947 = tpu.vector_load %arg8[%get3A_945, %get3A_946] {strides = array<i32>} : memref<512x64xf32, #tpu.memory_space<vmem>>, vector<16xf32>,
        %mul3A_948 = vector.broadcast %squeeze3A_936 : f32 to vector<16xf32>
        %mul3A_949 = arith.mulf %get3A_947, %mul3A_948 : vector<16xf32>
        %swap3A_950 = arith.index_cast %add3A_934 : i32 to index
        %swap3A_951 = arith.constant 16 : index
        %swap3A_952 = tpu.vector_load %arg8[%swap3A_950, %swap3A_951] {strides = array<i32>} : memref<512x64xf32, #tpu.memory_space<vmem>>, vector<16xf32>,
        tpu.vector_store %arg8[%swap3A_950, %swap3A_951], %mul3A_949 {strides = array<i32>} : memref<512x64xf32, #tpu.memory_space<vmem>>, vector<16xf32>,
        %get3A_953 = arith.index_cast %add3A_934 : i32 to index
        %get3A_954 = arith.constant 32 : index
        %get3A_955 = tpu.vector_load %arg8[%get3A_953, %get3A_954] {strides = array<i32>} : memref<512x64xf32, #tpu.memory_space<vmem>>, vector<16xf32>,
        %mul3A_956 = vector.broadcast %squeeze3A_936 : f32 to vector<16xf32>
        %mul3A_957 = arith.mulf %get3A_955, %mul3A_956 : vector<16xf32>
        %swap3A_958 = arith.index_cast %add3A_934 : i32 to index
        %swap3A_959 = arith.constant 32 : index
        %swap3A_960 = tpu.vector_load %arg8[%swap3A_958, %swap3A_959] {strides = array<i32>} : memref<512x64xf32, #tpu.memory_space<vmem>>, vector<16xf32>,
        tpu.vector_store %arg8[%swap3A_958, %swap3A_959], %mul3A_957 {strides = array<i32>} : memref<512x64xf32, #tpu.memory_space<vmem>>, vector<16xf32>,
        %get3A_961 = arith.index_cast %add3A_934 : i32 to index
        %get3A_962 = arith.constant 48 : index
        %get3A_963 = tpu.vector_load %arg8[%get3A_961, %get3A_962] {strides = array<i32>} : memref<512x64xf32, #tpu.memory_space<vmem>>, vector<16xf32>,
        %mul3A_964 = vector.broadcast %squeeze3A_936 : f32 to vector<16xf32>
        %mul3A_965 = arith.mulf %get3A_963, %mul3A_964 : vector<16xf32>
        %swap3A_966 = arith.index_cast %add3A_934 : i32 to index
        %swap3A_967 = arith.constant 48 : index
        %swap3A_968 = tpu.vector_load %arg8[%swap3A_966, %swap3A_967] {strides = array<i32>} : memref<512x64xf32, #tpu.memory_space<vmem>>, vector<16xf32>,
        tpu.vector_store %arg8[%swap3A_966, %swap3A_967], %mul3A_965 {strides = array<i32>} : memref<512x64xf32, #tpu.memory_space<vmem>>, vector<16xf32>,
        %mul3A_969 = arith.constant 16 : i32
        %mul3A_970 = arith.muli %scan3A_38, %mul3A_969 : i32
        %add3A_971 = arith.constant 11 : i32
        %add3A_972 = arith.addi %mul3A_970, %add3A_971 : i32
        %slice3A_973 = vector.extract_strided_slice %select_n3A {offsets = [11], sizes = [1], strides = [1]} : vector<16xf32> to vector<1xf32>
        %squeeze3A_974 = vector.extract %slice3A_973[0] : f32 from vector<1xf32>
        %get3A_975 = arith.index_cast %add3A_972 : i32 to index
        %get3A_976 = arith.constant 0 : index
        %get3A_977 = tpu.vector_load %arg8[%get3A_975, %get3A_976] {strides = array<i32>} : memref<512x64xf32, #tpu.memory_space<vmem>>, vector<16xf32>,
        %mul3A_978 = vector.broadcast %squeeze3A_974 : f32 to vector<16xf32>
        %mul3A_979 = arith.mulf %get3A_977, %mul3A_978 : vector<16xf32>
        %swap3A_980 = arith.index_cast %add3A_972 : i32 to index
        %swap3A_981 = arith.constant 0 : index
        %swap3A_982 = tpu.vector_load %arg8[%swap3A_980, %swap3A_981] {strides = array<i32>} : memref<512x64xf32, #tpu.memory_space<vmem>>, vector<16xf32>,
        tpu.vector_store %arg8[%swap3A_980, %swap3A_981], %mul3A_979 {strides = array<i32>} : memref<512x64xf32, #tpu.memory_space<vmem>>, vector<16xf32>,
        %get3A_983 = arith.index_cast %add3A_972 : i32 to index
        %get3A_984 = arith.constant 16 : index
        %get3A_985 = tpu.vector_load %arg8[%get3A_983, %get3A_984] {strides = array<i32>} : memref<512x64xf32, #tpu.memory_space<vmem>>, vector<16xf32>,
        %mul3A_986 = vector.broadcast %squeeze3A_974 : f32 to vector<16xf32>
        %mul3A_987 = arith.mulf %get3A_985, %mul3A_986 : vector<16xf32>
        %swap3A_988 = arith.index_cast %add3A_972 : i32 to index
        %swap3A_989 = arith.constant 16 : index
        %swap3A_990 = tpu.vector_load %arg8[%swap3A_988, %swap3A_989] {strides = array<i32>} : memref<512x64xf32, #tpu.memory_space<vmem>>, vector<16xf32>,
        tpu.vector_store %arg8[%swap3A_988, %swap3A_989], %mul3A_987 {strides = array<i32>} : memref<512x64xf32, #tpu.memory_space<vmem>>, vector<16xf32>,
        %get3A_991 = arith.index_cast %add3A_972 : i32 to index
        %get3A_992 = arith.constant 32 : index
        %get3A_993 = tpu.vector_load %arg8[%get3A_991, %get3A_992] {strides = array<i32>} : memref<512x64xf32, #tpu.memory_space<vmem>>, vector<16xf32>,
        %mul3A_994 = vector.broadcast %squeeze3A_974 : f32 to vector<16xf32>
        %mul3A_995 = arith.mulf %get3A_993, %mul3A_994 : vector<16xf32>
        %swap3A_996 = arith.index_cast %add3A_972 : i32 to index
        %swap3A_997 = arith.constant 32 : index
        %swap3A_998 = tpu.vector_load %arg8[%swap3A_996, %swap3A_997] {strides = array<i32>} : memref<512x64xf32, #tpu.memory_space<vmem>>, vector<16xf32>,
        tpu.vector_store %arg8[%swap3A_996, %swap3A_997], %mul3A_995 {strides = array<i32>} : memref<512x64xf32, #tpu.memory_space<vmem>>, vector<16xf32>,
        %get3A_999 = arith.index_cast %add3A_972 : i32 to index
        %get3A_1000 = arith.constant 48 : index
        %get3A_1001 = tpu.vector_load %arg8[%get3A_999, %get3A_1000] {strides = array<i32>} : memref<512x64xf32, #tpu.memory_space<vmem>>, vector<16xf32>,
        %mul3A_1002 = vector.broadcast %squeeze3A_974 : f32 to vector<16xf32>
        %mul3A_1003 = arith.mulf %get3A_1001, %mul3A_1002 : vector<16xf32>
        %swap3A_1004 = arith.index_cast %add3A_972 : i32 to index
        %swap3A_1005 = arith.constant 48 : index
        %swap3A_1006 = tpu.vector_load %arg8[%swap3A_1004, %swap3A_1005] {strides = array<i32>} : memref<512x64xf32, #tpu.memory_space<vmem>>, vector<16xf32>,
        tpu.vector_store %arg8[%swap3A_1004, %swap3A_1005], %mul3A_1003 {strides = array<i32>} : memref<512x64xf32, #tpu.memory_space<vmem>>, vector<16xf32>,
        %mul3A_1007 = arith.constant 16 : i32
        %mul3A_1008 = arith.muli %scan3A_38, %mul3A_1007 : i32
        %add3A_1009 = arith.constant 12 : i32
        %add3A_1010 = arith.addi %mul3A_1008, %add3A_1009 : i32
        %slice3A_1011 = vector.extract_strided_slice %select_n3A {offsets = [12], sizes = [1], strides = [1]} : vector<16xf32> to vector<1xf32>
        %squeeze3A_1012 = vector.extract %slice3A_1011[0] : f32 from vector<1xf32>
        %get3A_1013 = arith.index_cast %add3A_1010 : i32 to index
        %get3A_1014 = arith.constant 0 : index
        %get3A_1015 = tpu.vector_load %arg8[%get3A_1013, %get3A_1014] {strides = array<i32>} : memref<512x64xf32, #tpu.memory_space<vmem>>, vector<16xf32>,
        %mul3A_1016 = vector.broadcast %squeeze3A_1012 : f32 to vector<16xf32>
        %mul3A_1017 = arith.mulf %get3A_1015, %mul3A_1016 : vector<16xf32>
        %swap3A_1018 = arith.index_cast %add3A_1010 : i32 to index
        %swap3A_1019 = arith.constant 0 : index
        %swap3A_1020 = tpu.vector_load %arg8[%swap3A_1018, %swap3A_1019] {strides = array<i32>} : memref<512x64xf32, #tpu.memory_space<vmem>>, vector<16xf32>,
        tpu.vector_store %arg8[%swap3A_1018, %swap3A_1019], %mul3A_1017 {strides = array<i32>} : memref<512x64xf32, #tpu.memory_space<vmem>>, vector<16xf32>,
        %get3A_1021 = arith.index_cast %add3A_1010 : i32 to index
        %get3A_1022 = arith.constant 16 : index
        %get3A_1023 = tpu.vector_load %arg8[%get3A_1021, %get3A_1022] {strides = array<i32>} : memref<512x64xf32, #tpu.memory_space<vmem>>, vector<16xf32>,
        %mul3A_1024 = vector.broadcast %squeeze3A_1012 : f32 to vector<16xf32>
        %mul3A_1025 = arith.mulf %get3A_1023, %mul3A_1024 : vector<16xf32>
        %swap3A_1026 = arith.index_cast %add3A_1010 : i32 to index
        %swap3A_1027 = arith.constant 16 : index
        %swap3A_1028 = tpu.vector_load %arg8[%swap3A_1026, %swap3A_1027] {strides = array<i32>} : memref<512x64xf32, #tpu.memory_space<vmem>>, vector<16xf32>,
        tpu.vector_store %arg8[%swap3A_1026, %swap3A_1027], %mul3A_1025 {strides = array<i32>} : memref<512x64xf32, #tpu.memory_space<vmem>>, vector<16xf32>,
        %get3A_1029 = arith.index_cast %add3A_1010 : i32 to index
        %get3A_1030 = arith.constant 32 : index
        %get3A_1031 = tpu.vector_load %arg8[%get3A_1029, %get3A_1030] {strides = array<i32>} : memref<512x64xf32, #tpu.memory_space<vmem>>, vector<16xf32>,
        %mul3A_1032 = vector.broadcast %squeeze3A_1012 : f32 to vector<16xf32>
        %mul3A_1033 = arith.mulf %get3A_1031, %mul3A_1032 : vector<16xf32>
        %swap3A_1034 = arith.index_cast %add3A_1010 : i32 to index
        %swap3A_1035 = arith.constant 32 : index
        %swap3A_1036 = tpu.vector_load %arg8[%swap3A_1034, %swap3A_1035] {strides = array<i32>} : memref<512x64xf32, #tpu.memory_space<vmem>>, vector<16xf32>,
        tpu.vector_store %arg8[%swap3A_1034, %swap3A_1035], %mul3A_1033 {strides = array<i32>} : memref<512x64xf32, #tpu.memory_space<vmem>>, vector<16xf32>,
        %get3A_1037 = arith.index_cast %add3A_1010 : i32 to index
        %get3A_1038 = arith.constant 48 : index
        %get3A_1039 = tpu.vector_load %arg8[%get3A_1037, %get3A_1038] {strides = array<i32>} : memref<512x64xf32, #tpu.memory_space<vmem>>, vector<16xf32>,
        %mul3A_1040 = vector.broadcast %squeeze3A_1012 : f32 to vector<16xf32>
        %mul3A_1041 = arith.mulf %get3A_1039, %mul3A_1040 : vector<16xf32>
        %swap3A_1042 = arith.index_cast %add3A_1010 : i32 to index
        %swap3A_1043 = arith.constant 48 : index
        %swap3A_1044 = tpu.vector_load %arg8[%swap3A_1042, %swap3A_1043] {strides = array<i32>} : memref<512x64xf32, #tpu.memory_space<vmem>>, vector<16xf32>,
        tpu.vector_store %arg8[%swap3A_1042, %swap3A_1043], %mul3A_1041 {strides = array<i32>} : memref<512x64xf32, #tpu.memory_space<vmem>>, vector<16xf32>,
        %mul3A_1045 = arith.constant 16 : i32
        %mul3A_1046 = arith.muli %scan3A_38, %mul3A_1045 : i32
        %add3A_1047 = arith.constant 13 : i32
        %add3A_1048 = arith.addi %mul3A_1046, %add3A_1047 : i32
        %slice3A_1049 = vector.extract_strided_slice %select_n3A {offsets = [13], sizes = [1], strides = [1]} : vector<16xf32> to vector<1xf32>
        %squeeze3A_1050 = vector.extract %slice3A_1049[0] : f32 from vector<1xf32>
        %get3A_1051 = arith.index_cast %add3A_1048 : i32 to index
        %get3A_1052 = arith.constant 0 : index
        %get3A_1053 = tpu.vector_load %arg8[%get3A_1051, %get3A_1052] {strides = array<i32>} : memref<512x64xf32, #tpu.memory_space<vmem>>, vector<16xf32>,
        %mul3A_1054 = vector.broadcast %squeeze3A_1050 : f32 to vector<16xf32>
        %mul3A_1055 = arith.mulf %get3A_1053, %mul3A_1054 : vector<16xf32>
        %swap3A_1056 = arith.index_cast %add3A_1048 : i32 to index
        %swap3A_1057 = arith.constant 0 : index
        %swap3A_1058 = tpu.vector_load %arg8[%swap3A_1056, %swap3A_1057] {strides = array<i32>} : memref<512x64xf32, #tpu.memory_space<vmem>>, vector<16xf32>,
        tpu.vector_store %arg8[%swap3A_1056, %swap3A_1057], %mul3A_1055 {strides = array<i32>} : memref<512x64xf32, #tpu.memory_space<vmem>>, vector<16xf32>,
        %get3A_1059 = arith.index_cast %add3A_1048 : i32 to index
        %get3A_1060 = arith.constant 16 : index
        %get3A_1061 = tpu.vector_load %arg8[%get3A_1059, %get3A_1060] {strides = array<i32>} : memref<512x64xf32, #tpu.memory_space<vmem>>, vector<16xf32>,
        %mul3A_1062 = vector.broadcast %squeeze3A_1050 : f32 to vector<16xf32>
        %mul3A_1063 = arith.mulf %get3A_1061, %mul3A_1062 : vector<16xf32>
        %swap3A_1064 = arith.index_cast %add3A_1048 : i32 to index
        %swap3A_1065 = arith.constant 16 : index
        %swap3A_1066 = tpu.vector_load %arg8[%swap3A_1064, %swap3A_1065] {strides = array<i32>} : memref<512x64xf32, #tpu.memory_space<vmem>>, vector<16xf32>,
        tpu.vector_store %arg8[%swap3A_1064, %swap3A_1065], %mul3A_1063 {strides = array<i32>} : memref<512x64xf32, #tpu.memory_space<vmem>>, vector<16xf32>,
        %get3A_1067 = arith.index_cast %add3A_1048 : i32 to index
        %get3A_1068 = arith.constant 32 : index
        %get3A_1069 = tpu.vector_load %arg8[%get3A_1067, %get3A_1068] {strides = array<i32>} : memref<512x64xf32, #tpu.memory_space<vmem>>, vector<16xf32>,
        %mul3A_1070 = vector.broadcast %squeeze3A_1050 : f32 to vector<16xf32>
        %mul3A_1071 = arith.mulf %get3A_1069, %mul3A_1070 : vector<16xf32>
        %swap3A_1072 = arith.index_cast %add3A_1048 : i32 to index
        %swap3A_1073 = arith.constant 32 : index
        %swap3A_1074 = tpu.vector_load %arg8[%swap3A_1072, %swap3A_1073] {strides = array<i32>} : memref<512x64xf32, #tpu.memory_space<vmem>>, vector<16xf32>,
        tpu.vector_store %arg8[%swap3A_1072, %swap3A_1073], %mul3A_1071 {strides = array<i32>} : memref<512x64xf32, #tpu.memory_space<vmem>>, vector<16xf32>,
        %get3A_1075 = arith.index_cast %add3A_1048 : i32 to index
        %get3A_1076 = arith.constant 48 : index
        %get3A_1077 = tpu.vector_load %arg8[%get3A_1075, %get3A_1076] {strides = array<i32>} : memref<512x64xf32, #tpu.memory_space<vmem>>, vector<16xf32>,
        %mul3A_1078 = vector.broadcast %squeeze3A_1050 : f32 to vector<16xf32>
        %mul3A_1079 = arith.mulf %get3A_1077, %mul3A_1078 : vector<16xf32>
        %swap3A_1080 = arith.index_cast %add3A_1048 : i32 to index
        %swap3A_1081 = arith.constant 48 : index
        %swap3A_1082 = tpu.vector_load %arg8[%swap3A_1080, %swap3A_1081] {strides = array<i32>} : memref<512x64xf32, #tpu.memory_space<vmem>>, vector<16xf32>,
        tpu.vector_store %arg8[%swap3A_1080, %swap3A_1081], %mul3A_1079 {strides = array<i32>} : memref<512x64xf32, #tpu.memory_space<vmem>>, vector<16xf32>,
        %mul3A_1083 = arith.constant 16 : i32
        %mul3A_1084 = arith.muli %scan3A_38, %mul3A_1083 : i32
        %add3A_1085 = arith.constant 14 : i32
        %add3A_1086 = arith.addi %mul3A_1084, %add3A_1085 : i32
        %slice3A_1087 = vector.extract_strided_slice %select_n3A {offsets = [14], sizes = [1], strides = [1]} : vector<16xf32> to vector<1xf32>
        %squeeze3A_1088 = vector.extract %slice3A_1087[0] : f32 from vector<1xf32>
        %get3A_1089 = arith.index_cast %add3A_1086 : i32 to index
        %get3A_1090 = arith.constant 0 : index
        %get3A_1091 = tpu.vector_load %arg8[%get3A_1089, %get3A_1090] {strides = array<i32>} : memref<512x64xf32, #tpu.memory_space<vmem>>, vector<16xf32>,
        %mul3A_1092 = vector.broadcast %squeeze3A_1088 : f32 to vector<16xf32>
        %mul3A_1093 = arith.mulf %get3A_1091, %mul3A_1092 : vector<16xf32>
        %swap3A_1094 = arith.index_cast %add3A_1086 : i32 to index
        %swap3A_1095 = arith.constant 0 : index
        %swap3A_1096 = tpu.vector_load %arg8[%swap3A_1094, %swap3A_1095] {strides = array<i32>} : memref<512x64xf32, #tpu.memory_space<vmem>>, vector<16xf32>,
        tpu.vector_store %arg8[%swap3A_1094, %swap3A_1095], %mul3A_1093 {strides = array<i32>} : memref<512x64xf32, #tpu.memory_space<vmem>>, vector<16xf32>,
        %get3A_1097 = arith.index_cast %add3A_1086 : i32 to index
        %get3A_1098 = arith.constant 16 : index
        %get3A_1099 = tpu.vector_load %arg8[%get3A_1097, %get3A_1098] {strides = array<i32>} : memref<512x64xf32, #tpu.memory_space<vmem>>, vector<16xf32>,
        %mul3A_1100 = vector.broadcast %squeeze3A_1088 : f32 to vector<16xf32>
        %mul3A_1101 = arith.mulf %get3A_1099, %mul3A_1100 : vector<16xf32>
        %swap3A_1102 = arith.index_cast %add3A_1086 : i32 to index
        %swap3A_1103 = arith.constant 16 : index
        %swap3A_1104 = tpu.vector_load %arg8[%swap3A_1102, %swap3A_1103] {strides = array<i32>} : memref<512x64xf32, #tpu.memory_space<vmem>>, vector<16xf32>,
        tpu.vector_store %arg8[%swap3A_1102, %swap3A_1103], %mul3A_1101 {strides = array<i32>} : memref<512x64xf32, #tpu.memory_space<vmem>>, vector<16xf32>,
        %get3A_1105 = arith.index_cast %add3A_1086 : i32 to index
        %get3A_1106 = arith.constant 32 : index
        %get3A_1107 = tpu.vector_load %arg8[%get3A_1105, %get3A_1106] {strides = array<i32>} : memref<512x64xf32, #tpu.memory_space<vmem>>, vector<16xf32>,
        %mul3A_1108 = vector.broadcast %squeeze3A_1088 : f32 to vector<16xf32>
        %mul3A_1109 = arith.mulf %get3A_1107, %mul3A_1108 : vector<16xf32>
        %swap3A_1110 = arith.index_cast %add3A_1086 : i32 to index
        %swap3A_1111 = arith.constant 32 : index
        %swap3A_1112 = tpu.vector_load %arg8[%swap3A_1110, %swap3A_1111] {strides = array<i32>} : memref<512x64xf32, #tpu.memory_space<vmem>>, vector<16xf32>,
        tpu.vector_store %arg8[%swap3A_1110, %swap3A_1111], %mul3A_1109 {strides = array<i32>} : memref<512x64xf32, #tpu.memory_space<vmem>>, vector<16xf32>,
        %get3A_1113 = arith.index_cast %add3A_1086 : i32 to index
        %get3A_1114 = arith.constant 48 : index
        %get3A_1115 = tpu.vector_load %arg8[%get3A_1113, %get3A_1114] {strides = array<i32>} : memref<512x64xf32, #tpu.memory_space<vmem>>, vector<16xf32>,
        %mul3A_1116 = vector.broadcast %squeeze3A_1088 : f32 to vector<16xf32>
        %mul3A_1117 = arith.mulf %get3A_1115, %mul3A_1116 : vector<16xf32>
        %swap3A_1118 = arith.index_cast %add3A_1086 : i32 to index
        %swap3A_1119 = arith.constant 48 : index
        %swap3A_1120 = tpu.vector_load %arg8[%swap3A_1118, %swap3A_1119] {strides = array<i32>} : memref<512x64xf32, #tpu.memory_space<vmem>>, vector<16xf32>,
        tpu.vector_store %arg8[%swap3A_1118, %swap3A_1119], %mul3A_1117 {strides = array<i32>} : memref<512x64xf32, #tpu.memory_space<vmem>>, vector<16xf32>,
        %mul3A_1121 = arith.constant 16 : i32
        %mul3A_1122 = arith.muli %scan3A_38, %mul3A_1121 : i32
        %add3A_1123 = arith.constant 15 : i32
        %add3A_1124 = arith.addi %mul3A_1122, %add3A_1123 : i32
        %slice3A_1125 = vector.extract_strided_slice %select_n3A {offsets = [15], sizes = [1], strides = [1]} : vector<16xf32> to vector<1xf32>
        %squeeze3A_1126 = vector.extract %slice3A_1125[0] : f32 from vector<1xf32>
        %get3A_1127 = arith.index_cast %add3A_1124 : i32 to index
        %get3A_1128 = arith.constant 0 : index
        %get3A_1129 = tpu.vector_load %arg8[%get3A_1127, %get3A_1128] {strides = array<i32>} : memref<512x64xf32, #tpu.memory_space<vmem>>, vector<16xf32>,
        %mul3A_1130 = vector.broadcast %squeeze3A_1126 : f32 to vector<16xf32>
        %mul3A_1131 = arith.mulf %get3A_1129, %mul3A_1130 : vector<16xf32>
        %swap3A_1132 = arith.index_cast %add3A_1124 : i32 to index
        %swap3A_1133 = arith.constant 0 : index
        %swap3A_1134 = tpu.vector_load %arg8[%swap3A_1132, %swap3A_1133] {strides = array<i32>} : memref<512x64xf32, #tpu.memory_space<vmem>>, vector<16xf32>,
        tpu.vector_store %arg8[%swap3A_1132, %swap3A_1133], %mul3A_1131 {strides = array<i32>} : memref<512x64xf32, #tpu.memory_space<vmem>>, vector<16xf32>,
        %get3A_1135 = arith.index_cast %add3A_1124 : i32 to index
        %get3A_1136 = arith.constant 16 : index
        %get3A_1137 = tpu.vector_load %arg8[%get3A_1135, %get3A_1136] {strides = array<i32>} : memref<512x64xf32, #tpu.memory_space<vmem>>, vector<16xf32>,
        %mul3A_1138 = vector.broadcast %squeeze3A_1126 : f32 to vector<16xf32>
        %mul3A_1139 = arith.mulf %get3A_1137, %mul3A_1138 : vector<16xf32>
        %swap3A_1140 = arith.index_cast %add3A_1124 : i32 to index
        %swap3A_1141 = arith.constant 16 : index
        %swap3A_1142 = tpu.vector_load %arg8[%swap3A_1140, %swap3A_1141] {strides = array<i32>} : memref<512x64xf32, #tpu.memory_space<vmem>>, vector<16xf32>,
        tpu.vector_store %arg8[%swap3A_1140, %swap3A_1141], %mul3A_1139 {strides = array<i32>} : memref<512x64xf32, #tpu.memory_space<vmem>>, vector<16xf32>,
        %get3A_1143 = arith.index_cast %add3A_1124 : i32 to index
        %get3A_1144 = arith.constant 32 : index
        %get3A_1145 = tpu.vector_load %arg8[%get3A_1143, %get3A_1144] {strides = array<i32>} : memref<512x64xf32, #tpu.memory_space<vmem>>, vector<16xf32>,
        %mul3A_1146 = vector.broadcast %squeeze3A_1126 : f32 to vector<16xf32>
        %mul3A_1147 = arith.mulf %get3A_1145, %mul3A_1146 : vector<16xf32>
        %swap3A_1148 = arith.index_cast %add3A_1124 : i32 to index
        %swap3A_1149 = arith.constant 32 : index
        %swap3A_1150 = tpu.vector_load %arg8[%swap3A_1148, %swap3A_1149] {strides = array<i32>} : memref<512x64xf32, #tpu.memory_space<vmem>>, vector<16xf32>,
        tpu.vector_store %arg8[%swap3A_1148, %swap3A_1149], %mul3A_1147 {strides = array<i32>} : memref<512x64xf32, #tpu.memory_space<vmem>>, vector<16xf32>,
        %get3A_1151 = arith.index_cast %add3A_1124 : i32 to index
        %get3A_1152 = arith.constant 48 : index
        %get3A_1153 = tpu.vector_load %arg8[%get3A_1151, %get3A_1152] {strides = array<i32>} : memref<512x64xf32, #tpu.memory_space<vmem>>, vector<16xf32>,
        %mul3A_1154 = vector.broadcast %squeeze3A_1126 : f32 to vector<16xf32>
        %mul3A_1155 = arith.mulf %get3A_1153, %mul3A_1154 : vector<16xf32>
        %swap3A_1156 = arith.index_cast %add3A_1124 : i32 to index
        %swap3A_1157 = arith.constant 48 : index
        %swap3A_1158 = tpu.vector_load %arg8[%swap3A_1156, %swap3A_1157] {strides = array<i32>} : memref<512x64xf32, #tpu.memory_space<vmem>>, vector<16xf32>,
        tpu.vector_store %arg8[%swap3A_1156, %swap3A_1157], %mul3A_1155 {strides = array<i32>} : memref<512x64xf32, #tpu.memory_space<vmem>>, vector<16xf32>,
      }
      %scan3A_37 = arith.constant 32 : i32
      "tpu.region"() ({
        %run_scoped3A = tpu.sem_alloc : memref<!tpu.dma_semaphore, #tpu.memory_space<semaphore_mem>>
        %dma_start3A_38 = arith.constant 0 : i32
        %dma_start3A_39 = tpu.memref_slice %arg4[%add3A_15, %dma_start3A_38] : memref<819200x64xf32, #tpu.memory_space<hbm>> -> memref<512x64xf32, #tpu.memory_space<hbm>>
        %dma_start3A_40 = arith.constant 0 : i32
        %dma_start3A_41 = tpu.memref_slice %arg4[%add3A_15, %dma_start3A_40] : memref<819200x64xf32, #tpu.memory_space<hbm>> -> memref<512x64xf32, #tpu.memory_space<hbm>>
        tpu.enqueue_dma source(%arg8 : memref<512x64xf32, #tpu.memory_space<vmem>>) target(%dma_start3A_41 : memref<512x64xf32, #tpu.memory_space<hbm>>) target_semaphore(%run_scoped3A : memref<!tpu.dma_semaphore, #tpu.memory_space<semaphore_mem>>)
        %dma_wait3A_42 = arith.constant 0 : i32
        %dma_wait3A_43 = tpu.memref_slice %arg4[%add3A_15, %dma_wait3A_42] : memref<819200x64xf32, #tpu.memory_space<hbm>> -> memref<512x64xf32, #tpu.memory_space<hbm>>
        %dma_wait3A_44 = arith.constant 0 : i32
        %dma_wait3A_45 = tpu.memref_slice %arg4[%add3A_15, %dma_wait3A_44] : memref<819200x64xf32, #tpu.memory_space<hbm>> -> memref<512x64xf32, #tpu.memory_space<hbm>>
        tpu.wait_dma2 semaphore(%run_scoped3A : memref<!tpu.dma_semaphore, #tpu.memory_space<semaphore_mem>>) src(%arg8 : memref<512x64xf32, #tpu.memory_space<vmem>>) dst(%dma_wait3A_45 : memref<512x64xf32, #tpu.memory_space<hbm>>)
        tpu.yield
      }) : () -> ()
    }
    %scan3A_7 = arith.constant 25 : i32
    return
  }
}

</mosaic_0001>

<sc_bundles>
// kernel: kernel.3.cloned.1.call-start
scs
__scs_entry_jumppad:
0x0: {  	(pc) =	sbr.rel $0x88, $3  }
0x1: {  	(tag) =	ssettag $0x0;
	lr =	simm.s32 $0x1  }
0x2: {  	[smem:$0x3F9F] =	sst lr;
	_ =	strace $0xD0000000  }
0x3: {  	_ = 	snop  }
0x4: {  	_ = 	snop  }
0x5: {  	_ = 	snop  }
0x6: {  	_ = 	snop  }
0x7: {  	_ = 	snop  }
__scs_overlays_trampoline_lowered:
0x8: {  	[smem:$0x3FAE] =	sst s0  }
0x9: {  	[smem:$0x3FAF] =	sst s1  }
0xa: {  	[smem:$0x3FB0] =	sst s2  }
0xb: {  	[smem:$0x3FB1] =	sst s3  }
0xc: {  	[smem:$0x3FB2] =	sst s4  }
0xd: {  	[smem:$0x3FB3] =	sst s5  }
0xe: {  	[smem:$0x3FB4] =	sst s6  }
0xf: {  	[smem:$0x3FB5] =	sst s7  }
0x10: {  	[smem:$0x3FB6] =	sst s8  }
0x11: {  	[smem:$0x3FB7] =	sst s9;
	s0 =	simm.s32 @!p0 $0x0  }
0x12: {  	s1 =	sld [smem:$0x3F9D];
	s0 =	simm.s32 @p0 $0x1  }
0x13: {  	[smem:$0x3FB8] =	sst s0;
	s0 =	simm.s32 @!p1 $0x0  }
0x14: {  	s2 =	sld [smem:$0x3F9C];
	s0 =	simm.s32 @p1 $0x1  }
0x15: {  	[smem:$0x3FB9] =	sst s0;
	s0 =	simm.s32 @!p2 $0x0  }
0x16: {  	s3 =	sld [smem:$0x3FDB];
	s0 =	simm.s32 @p2 $0x1  }
0x17: {  	s4 =	simm.s32 $0x1BF5;
	[smem:$0x3FBB] =	sst s0  }
0x18: {  	s0 =	sld [smem:$0x3F9E];
	_ =	swait.ge [sflag:s4], $0x0  }
0x19: {  	s7 =	sld [smem:$0x3F9F]  }
0x1a: {  	s8 =	sadd.s32 $0xFFFFE003, lr  }
0x1b: {  	s9 =	sadd.s32 $0xFFFFFEF7, lr;
	s5 =	simm.s32 $0xFFFFFFFF;
	p2 =	slt.u32 s8, $0xFFFFF086  }
0x1c: {  	p1 =	slt.u32 s9, $0xF7A;
	s5 =	simm.s32 @!p2 $0x0  }
0x1d: {  	s5 =	simm.s32 @p1 $0x1;
	p0 =	seq.s32 s7, s2  }
0x1e: {  	s7 =	smul.u32 @!p0 $0xF7A, s2;
	p2 =	seq.s32 @!p0 s5, $0x0  }
0x1f: {  	s9 =	smul.u32 $0xF7A, s1;
	s8 =	simm.s32 @!p0 $0x1BF5;
	p2 =	por !p2, p0  }
0x20: {  	[sflag:s8] =	ssyncset.s32 @!p0 $0xFFFFF086;
	s6 =	sadd.s32 @!p0 s3, s7;
	s7 =	simm.s32 @!p0 $0x108  }
0x21: {  	s3 =	sadd.s32 s3, s9;
	s6 =	sadd.s32 @!p0 $0x88, s6;
	s7 =	simm.s32 @p2 $0x1082  }
0x22: {  	[simem:s7], [sflag:s8] =	dma.local @!p0 [hbm:s6], $0xF7A  }
0x23: {  	s9 =	sor.u32 $0xD0000000, s2;
	s6 =	simm.s32 $0x108;
	_ =	swait.ge @!p0 [sflag:s8], $0x0  }
0x24: {  	s3 =	sadd.s32 $0x88, s3;
	s6 =	simm.s32 @!p1 $0x1082;
	[sflag:s4] =	ssyncset.s32 $0xFFFFF086  }
0x25: {  	[simem:s6], [sflag:s4] =	dma.local [hbm:s3], $0xF7A  }
0x26: {  	[smem:$0x3F9F] =	sst s1;
	(tag) =	ssettag s2;
	_ =	strace s9  }
0x27: {  	s1 =	sld [smem:$0x3FAF]  }
0x28: {  	s2 =	sld [smem:$0x3FB0]  }
0x29: {  	s4 =	sld [smem:$0x3FB2]  }
0x2a: {  	p0 =	seq.s32 s5, $0x0;
	s5 =	sld [smem:$0x3FB3]  }
0x2b: {  	s6 =	sld [smem:$0x3FB4]  }
0x2c: {  	s7 =	sld [smem:$0x3FB5]  }
0x2d: {  	s3 =	simm.s32 $0x108;
	s8 =	sld [smem:$0x3FB6]  }
0x2e: {  	s3 =	simm.s32 @!p0 $0x1082;
	s9 =	sld [smem:$0x3FB7]  }
0x2f: {  	lr =	sadd.s32 s0, s3;
	s0 =	sld [smem:$0x3FAE]  }
0x30: {  	s3 =	sld [smem:$0x3FB1]  }
0x31: {  	[smem:$0x3FBA] =	sst s10  }
0x32: {  	s10 =	sld [smem:$0x3FB8];
	_ =	sdelay $0x3  }
0x33: {  	p0 =	seq.s32 s10, $0x1;
	s10 =	sld [smem:$0x3FBA];
	_ =	sdelay $0x3  }
0x34: {  	[smem:$0x3FBA] =	sst s10  }
0x35: {  	s10 =	sld [smem:$0x3FB9];
	_ =	sdelay $0x3  }
0x36: {  	p1 =	seq.s32 s10, $0x1;
	s10 =	sld [smem:$0x3FBA];
	_ =	sdelay $0x3  }
0x37: {  	[smem:$0x3FBA] =	sst s10  }
0x38: {  	s10 =	sld [smem:$0x3FBB]  }
0x39: {  	_ = 	snop;
	(pc) =	sbr.ind lr, $3  }
0x3a: {  	_ = 	snop  }
0x3b: {  	_ = 	snop  }
0x3c: {  	p2 =	seq.s32 s10, $0x1;
	s10 =	sld [smem:$0x3FBA]  }
0x3d: {  	_ =	shalt  }
0x3e: {  	_ =	shalt  }
0x3f: {  	_ =	shalt  }
0x40: {  	_ =	shalt  }
0x41: {  	_ =	shalt  }
0x42: {  	_ =	shalt  }
0x43: {  	_ =	shalt  }
0x44: {  	_ =	shalt  }
0x45: {  	_ =	shalt  }
0x46: {  	_ =	shalt  }
0x47: {  	_ =	shalt  }
0x48: {  	_ =	shalt  }
0x49: {  	_ =	shalt  }
0x4a: {  	_ =	shalt  }
0x4b: {  	_ =	shalt  }
0x4c: {  	_ =	shalt  }
0x4d: {  	_ =	shalt  }
0x4e: {  	_ =	shalt  }
0x4f: {  	_ =	shalt  }
0x50: {  	_ =	shalt  }
0x51: {  	_ =	shalt  }
0x52: {  	_ =	shalt  }
0x53: {  	_ =	shalt  }
0x54: {  	_ =	shalt  }
0x55: {  	_ =	shalt  }
0x56: {  	_ =	shalt  }
0x57: {  	_ =	shalt  }
0x58: {  	_ =	shalt  }
0x59: {  	_ =	shalt  }
0x5a: {  	_ =	shalt  }
0x5b: {  	_ =	shalt  }
0x5c: {  	_ =	shalt  }
0x5d: {  	_ =	shalt  }
0x5e: {  	_ =	shalt  }
0x5f: {  	_ =	shalt  }
0x60: {  	_ =	shalt  }
0x61: {  	_ =	shalt  }
0x62: {  	_ =	shalt  }
0x63: {  	_ =	shalt  }
0x64: {  	_ =	shalt  }
0x65: {  	_ =	shalt  }
0x66: {  	_ =	shalt  }
0x67: {  	_ =	shalt  }
0x68: {  	_ =	shalt  }
0x69: {  	_ =	shalt  }
0x6a: {  	_ =	shalt  }
0x6b: {  	_ =	shalt  }
0x6c: {  	_ =	shalt  }
0x6d: {  	_ =	shalt  }
0x6e: {  	_ =	shalt  }
0x6f: {  	_ =	shalt  }
0x70: {  	_ =	shalt  }
0x71: {  	_ =	shalt  }
0x72: {  	_ =	shalt  }
0x73: {  	_ =	shalt  }
0x74: {  	_ =	shalt  }
0x75: {  	_ =	shalt  }
0x76: {  	_ =	shalt  }
0x77: {  	_ =	shalt  }
0x78: {  	_ =	shalt  }
0x79: {  	_ =	shalt  }
0x7a: {  	_ =	shalt  }
0x7b: {  	_ =	shalt  }
0x7c: {  	_ =	shalt  }
0x7d: {  	_ =	shalt  }
0x7e: {  	_ =	shalt  }
0x7f: {  	_ =	shalt  }
0x80: {  	_ =	shalt  }
0x81: {  	_ =	shalt  }
0x82: {  	_ =	shalt  }
0x83: {  	_ =	shalt  }
0x84: {  	_ =	shalt  }
0x85: {  	_ =	shalt  }
0x86: {  	_ =	shalt  }
0x87: {  	_ =	shalt  }
.Lfunc_end0:
.L_simem_size_0:
called_computation.1_lowered:
.L_overlay_start_0:
0x88: {  	s2 =	sld [smem:$0x3FD9]  }
0x89: {  	s3 =	sld [smem:$0x3FFE];
	_ =	sdelay $0x1  }
0x8a: {  	s1 =	srdreg.scid  }
0x8b: {  	s0 =	sand.u32 $0x1, s1  }
0x8c: {  	s17 =	sshll.u32 s0, $0xA;
	s2 =	sadd.s32 s3, s2  }
0x8d: {  	s2 =	sadd.s32 s2, s17  }
0x8e: {  	[smem:$0x3FC6] =	sst s2  }
0x8f: {  	_ = 	snop  }
0x90: {  	s2 =	sld [smem:$0x3FD0];
	(tm) =	ssettm $0x1  }
0x91: {  	s18 =	sld [smem:$0x3FFB];
	_ =	sdelay $0x3  }
0x92: {  	_ =	strace s18  }
0x93: {  	s3 =	sld [smem:$0x3FFC];
	_ =	sdelay $0x3  }
0x94: {  	_ =	strace s3  }
0x95: {  	s3 =	sld [smem:$0x3FFD];
	_ =	sdelay $0x3  }
0x96: {  	_ =	strace s3  }
0x97: {  	_ =	strace $0x8FFFFFFF  }
0x98: {  	s19 =	sld [smem:$0x3FDB];
	_ =	sdelay $0x1  }
0x99: {  	s4 =	simm.s32 $_scs_section_size  }
0x9a: {  	s5 =	simm.s32 $_size__tile_overlayer_lowered;
	s6 =	simm.s32 $_tile_overlayer_lowered  }
0x9b: {  	s22 =	simm.s32 $0x1BFF;
	s21 =	sshll.u32 s6, $0x1;
	s3 =	sadd.s32 s4, s19  }
0x9c: {  	s7 =	simm.s32 $0x0;
	s20 =	sshll.u32 s5, $0x1;
	s5 =	sadd.s32 s21, s3  }
0x9d: {  	[timem:s7], [sflag:s22] =	dma.local [hbm:s5], s20  }
0x9e: {  	_ =	swait.ge [sflag:s22], s20  }
0x9f: {  	s4 =	ssub.s32 $0x0, s20;
	[sflag:s22] =	ssyncset.done $0x0  }
0xa0: {  	[sflag:s22] =	ssyncadd.s32 s4;
	_ =	sdelay $0x1  }
0xa1: {  	s23 =	simm.s32 $0x1B8B  }
0xa2: {  	_ =	swait.ge [sflag:s23], $0x1  }
0xa3: {  	[sflag:s23] =	ssyncset.done $0x0  }
0xa4: {  	s25 =	simm.s32 $0x1B8E;
	s24 =	sld [smem:$0x3FFE];
	[sflag:s23] =	ssyncadd.s32 $0xFFFFFFFF  }
0xa5: {  	s26 =	simm.s32 $execute0_lowered;
	[smem:$0x3FD2] =	sst s25  }
0xa6: {  	s5 =	sshll.u32 s26, $0x1;
	_ =	strace $0x80000046;
	[dreg:$0x1] =	wrdreg $0xFFFFFFFF  }
0xa7: {  	s28 =	simm.s32 $_size_execute0_lowered;
	s3 =	sadd.s32 s3, s5;
	[dreg:$0x0] =	wrdreg $0x0  }
0xa8: {  	s5 =	sshll.u32 s28, $0x1;
	[dreg:$0x2] =	wrdreg s3  }
0xa9: {  	[dreg:$0x3] =	wrdreg s5  }
0xaa: {  	[dreg:$0x4] =	wrdreg $0xC0  }
0xab: {  	_ =	task [dreg:s7], $0x5FFFF  }
0xac: {  	[dreg:$0x1] =	wrdreg $0xFFFFFFFF  }
0xad: {  	[dreg:$0x0] =	wrdreg $0x60  }
0xae: {  	[dreg:$0x2] =	wrdreg s24  }
0xaf: {  	[dreg:$0x3] =	wrdreg s2  }
0xb0: {  	[dreg:$0x4] =	wrdreg $0x9  }
0xb1: {  	_ =	task.clear_ibuf [dreg:s7], $0x5FFFF;
	_ =	strace $0x90000046  }
0xb2: {  	s29 =	simm.s32 $0x9;
	_ =	strace $0x80000048  }
0xb3: {  	_ =	swait.ge [sflag:s29], $0x1  }
0xb4: {  	[sflag:s29] =	ssyncadd.s32 $0xFFFFFFFF  }
0xb5: {  	_ =	strace $0x90000048  }
0xb6: {  	_ =	sfence  }
0xb7: {  	s30 =	sld [smem:$0x0];
	_ =	sdelay $0x2  }
0xb8: {  	s31 =	sshll.u32 s1, $0xD;
	s1 =	sshrl.u32 s1, $0x2  }
0xb9: {  	s3 =	sand.u32 $0x4000, s31;
	s1 =	sadd.s32 s1, s30  }
0xba: {  	s0 =	sor.u32 s3, s0;
	s1 =	sshll.u32 s1, $0x11  }
0xbb: {  	s0 =	sor.u32 s1, s0  }
0xbc: {  	s0 =	sadd.s32 $0x8F2B, s0  }
0xbd: {  	[sflag:s0] =	ssyncadd.remote.s32 $0x1  }
0xbe: {  	_ =	sfence.sel $0xFFFF  }
0xbf: {  	[dreg:$0x0] =	wrdreg $0xFFFFFFFF;
	(pc) =	sbr.abs _section_cstart, $3  }
0xc0: {  	[dreg:$0x1] =	wrdreg $0xFFFFFFFF  }
0xc1: {  	_ =	task.clear_ibuf [dreg:s7], $0x2FFFF;
	_ =	strace $0x9FFFFFFF  }
0xc2: {  	(tm) =	ssettm $0x7FFFFFFF  }
0xc3: {  	_ =	shalt  }
tec
execute0_lowered:
.L_overlay_start_1:
0x0: {  	(tag) =	ssettag $0x1  }
0x1: {  	s5 =	rddreg [dreg:$0x0]  }
0x2: {  	s1 =	rddreg [dreg:$0x1]  }
0x3: {  	s0 =	rddreg [dreg:$0x2];
	s3 =	simm.s32 $0x0;
	s4 =	srdreg.scid;
	v0 =	vlaneseq.u32  }
0x4: {  	s2 =	stileid.u32;
	s10 =	simm.s32 $0x400;
	s11 =	simm.s32 $0x8400;
	v0 =	vmul.u32 $0x10, v0  }
0x5: {  	s12 =	simm.s32 $0x1;
	s13 =	simm.s32 $0x10400;
	s14 =	simm.s32 $0x2  }
0x6: {  	s15 =	simm.s32 $0x0;
	[smem:$0x7FF] =	sst s3;
	s6 =	sand.u32 $0x1, s4;
	v1 =	vor.u32 $0x1, v0;
	v2 =	vor.u32 $0x2, v0;
	v3 =	vor.u32 $0x3, v0  }
0x7: {  	s8 =	sshll.u32 s2, $0x1;
	s4 =	sadd.s32 $0xA00, s5;
	s7 =	ssub.s32 $0x2, s6;
	v4 =	vor.u32 $0x4, v0;
	v5 =	vor.u32 $0x5, v0;
	v6 =	vor.u32 $0x6, v0  }
0x8: {  	s5 =	sadd.s32 $0xF42E00, s5;
	_ =	strace $0x80000047;
	s9 =	sshrl.u32 s7, $0x1;
	v7 =	vor.u32 $0x7, v0;
	v8 =	vor.u32 $0x8, v0;
	v9 =	vor.u32 $0x9, v0  }
0x9: {  	s6 =	sor.u32 s6, s8;
	s8 =	simm.s32 $0x3;
	v10 =	vor.u32 $0xA, v0;
	v11 =	vor.u32 $0xB, v0;
	v12 =	vor.u32 $0xC, v0;
	s7 =	ssub.s32 s7, s9  }
0xa: {  	s6 =	smul.u32 $0x6400, s6;
	v13 =	vor.u32 $0xD, v0;
	v14 =	vor.u32 $0xE, v0;
	v15 =	vor.u32 $0xF, v0;
	s9 =	simm.s32 $0x200;
	s7 =	smax.u32 s7, $0x1  }
.LBB2_1:
0xb: {  	s16 =	simm.s32 $0x0  }
.LBB2_2:
0xc: {  	s17 =	sshll.u32 s16, $0xA  }
0xd: {  	s18 =	sadd.s32 s6, s17  }
0xe: {  	s17 =	sshrl.u32 s18, $0x3  }
0xf: {  	s19 =	simm.s32 $0x0;
	s17 =	sadd.s32 s4, s17  }
0x10: {  	[tilespmem:s19], [sflag:$0x3] =	stream.linear.gather [hbm4b:s17+s19], $0x200, $0x38;
	[tilespmem:$0x10500] =	vst v63  }
0x11: {  	s17 =	sor.u32 $0x200, s18;
	_ =	swait.ge [sflag:s8], $0x200  }
0x12: {  	s20 =	sshrl.u32 s17, $0x3;
	[sflag:s8] =	ssyncset.done $0x0  }
0x13: {  	s20 =	sadd.s32 s4, s20;
	[sflag:s8] =	ssyncadd.s32 $0xFFFFFE00  }
0x14: {  	[tilespmem:s9], [sflag:$0x3] =	stream.linear.gather [hbm4b:s20+s19], $0x200, $0x38;
	[tilespmem:$0x10500] =	vst v63  }
0x15: {  	_ =	swait.ge [sflag:s8], $0x200  }
0x16: {  	[sflag:s8] =	ssyncset.done $0x0  }
0x17: {  	[sflag:s8] =	ssyncadd.s32 $0xFFFFFE00  }
0x18: {  	[tilespmem:s10], [sflag:$0x1] =	stream.indirect.gather [hbm4b:s5+s9], $0x40, s19, s9, $0xb8;
	[tilespmem:$0x10500] =	vst v63  }
0x19: {  	_ = 	snop  }
0x1a: {  	[tilespmem:s11], [sflag:$0x2] =	stream.indirect.gather [hbm4b:s5+s9], $0x40, s9, s9, $0xb8;
	[tilespmem:$0x10500] =	vst v63  }
0x1b: {  	_ =	swait.ge [sflag:s12], $0x8000  }
0x1c: {  	[sflag:s12] =	ssyncset.done $0x0  }
0x1d: {  	[sflag:s12] =	ssyncadd.s32 $0xFFFF8000  }
.LBB2_3:
0x1e: {  	s20 =	sshra.s32 s19, $0x2  }
0x1f: {  	v16 =	vld [tilespmem:s20+$0x400]  }
0x20: {  	v17 =	vld [tilespmem:s20+$0x410];
	_ =	sdelay $0x1  }
0x21: {  	v18 =	vld [tilespmem:s20+$0x420];
	_ =	sdelay $0x1  }
0x22: {  	v19 =	vld [tilespmem:s20+$0x430]  }
0x23: {  	v16 =	vmul.f32 v16, v16;
	v17 =	vmul.f32 v17, v17;
	_ =	sdelay $0x1  }
0x24: {  	v16 =	vadd.f32 v17, v16;
	v17 =	vmul.f32 v18, v18;
	_ =	sdelay $0x1  }
0x25: {  	v16 =	vadd.f32 v17, v16;
	v17 =	vmul.f32 v19, v19;
	_ =	sdelay $0x1  }
0x26: {  	v16 =	vadd.f32 v17, v16;
	_ =	sdelay $0x1  }
0x27: {  	[tilespmem:v0+s13+$0x0] =	vst.idx.msk $0xffff, v16  }
0x28: {  	v16 =	vld [tilespmem:s20+$0x440]  }
0x29: {  	v17 =	vld [tilespmem:s20+$0x450];
	_ =	sdelay $0x1  }
0x2a: {  	v36 =	vld [tilespmem:s20+$0x460];
	_ =	sdelay $0x1  }
0x2b: {  	v37 =	vld [tilespmem:s20+$0x470]  }
0x2c: {  	v16 =	vmul.f32 v16, v16;
	v17 =	vmul.f32 v17, v17;
	_ =	sdelay $0x1  }
0x2d: {  	v16 =	vadd.f32 v17, v16;
	v17 =	vmul.f32 v36, v36;
	_ =	sdelay $0x1  }
0x2e: {  	v16 =	vadd.f32 v17, v16;
	v17 =	vmul.f32 v37, v37;
	_ =	sdelay $0x1  }
0x2f: {  	v16 =	vadd.f32 v17, v16;
	_ =	sdelay $0x1  }
0x30: {  	[tilespmem:v1+s13+$0x0] =	vst.idx.msk $0xffff, v16  }
0x31: {  	v16 =	vld [tilespmem:s20+$0x480]  }
0x32: {  	v17 =	vld [tilespmem:s20+$0x490];
	_ =	sdelay $0x1  }
0x33: {  	v38 =	vld [tilespmem:s20+$0x4A0];
	_ =	sdelay $0x1  }
0x34: {  	v39 =	vld [tilespmem:s20+$0x4B0]  }
0x35: {  	v16 =	vmul.f32 v16, v16;
	v17 =	vmul.f32 v17, v17;
	_ =	sdelay $0x1  }
0x36: {  	v16 =	vadd.f32 v17, v16;
	v17 =	vmul.f32 v38, v38;
	_ =	sdelay $0x1  }
0x37: {  	v16 =	vadd.f32 v17, v16;
	v17 =	vmul.f32 v39, v39;
	_ =	sdelay $0x1  }
0x38: {  	v16 =	vadd.f32 v17, v16;
	_ =	sdelay $0x1  }
0x39: {  	[tilespmem:v2+s13+$0x0] =	vst.idx.msk $0xffff, v16  }
0x3a: {  	v16 =	vld [tilespmem:s20+$0x4C0]  }
0x3b: {  	v17 =	vld [tilespmem:s20+$0x4D0];
	_ =	sdelay $0x1  }
0x3c: {  	v40 =	vld [tilespmem:s20+$0x4E0];
	_ =	sdelay $0x1  }
0x3d: {  	v41 =	vld [tilespmem:s20+$0x4F0]  }
0x3e: {  	v16 =	vmul.f32 v16, v16;
	v17 =	vmul.f32 v17, v17;
	_ =	sdelay $0x1  }
0x3f: {  	v16 =	vadd.f32 v17, v16;
	v17 =	vmul.f32 v40, v40;
	_ =	sdelay $0x1  }
0x40: {  	v16 =	vadd.f32 v17, v16;
	v17 =	vmul.f32 v41, v41;
	_ =	sdelay $0x1  }
0x41: {  	v16 =	vadd.f32 v17, v16;
	_ =	sdelay $0x1  }
0x42: {  	[tilespmem:v3+s13+$0x0] =	vst.idx.msk $0xffff, v16  }
0x43: {  	v16 =	vld [tilespmem:s20+$0x500]  }
0x44: {  	v17 =	vld [tilespmem:s20+$0x510];
	_ =	sdelay $0x1  }
0x45: {  	v42 =	vld [tilespmem:s20+$0x520];
	_ =	sdelay $0x1  }
0x46: {  	v43 =	vld [tilespmem:s20+$0x530]  }
0x47: {  	v16 =	vmul.f32 v16, v16;
	v17 =	vmul.f32 v17, v17;
	_ =	sdelay $0x1  }
0x48: {  	v16 =	vadd.f32 v17, v16;
	v17 =	vmul.f32 v42, v42;
	_ =	sdelay $0x1  }
0x49: {  	v16 =	vadd.f32 v17, v16;
	v17 =	vmul.f32 v43, v43;
	_ =	sdelay $0x1  }
0x4a: {  	v16 =	vadd.f32 v17, v16;
	_ =	sdelay $0x1  }
0x4b: {  	[tilespmem:v4+s13+$0x0] =	vst.idx.msk $0xffff, v16  }
0x4c: {  	v16 =	vld [tilespmem:s20+$0x540]  }
0x4d: {  	v17 =	vld [tilespmem:s20+$0x550];
	_ =	sdelay $0x1  }
0x4e: {  	v44 =	vld [tilespmem:s20+$0x560];
	_ =	sdelay $0x1  }
0x4f: {  	v45 =	vld [tilespmem:s20+$0x570]  }
0x50: {  	v16 =	vmul.f32 v16, v16;
	v17 =	vmul.f32 v17, v17;
	_ =	sdelay $0x1  }
0x51: {  	v16 =	vadd.f32 v17, v16;
	v17 =	vmul.f32 v44, v44;
	_ =	sdelay $0x1  }
0x52: {  	v16 =	vadd.f32 v17, v16;
	v17 =	vmul.f32 v45, v45;
	_ =	sdelay $0x1  }
0x53: {  	v16 =	vadd.f32 v17, v16;
	_ =	sdelay $0x1  }
0x54: {  	[tilespmem:v5+s13+$0x0] =	vst.idx.msk $0xffff, v16  }
0x55: {  	v16 =	vld [tilespmem:s20+$0x580]  }
0x56: {  	v17 =	vld [tilespmem:s20+$0x590];
	_ =	sdelay $0x1  }
0x57: {  	v46 =	vld [tilespmem:s20+$0x5A0];
	_ =	sdelay $0x1  }
0x58: {  	v47 =	vld [tilespmem:s20+$0x5B0]  }
0x59: {  	v16 =	vmul.f32 v16, v16;
	v17 =	vmul.f32 v17, v17;
	_ =	sdelay $0x1  }
0x5a: {  	v16 =	vadd.f32 v17, v16;
	v17 =	vmul.f32 v46, v46;
	_ =	sdelay $0x1  }
0x5b: {  	v16 =	vadd.f32 v17, v16;
	v17 =	vmul.f32 v47, v47;
	_ =	sdelay $0x1  }
0x5c: {  	v16 =	vadd.f32 v17, v16;
	_ =	sdelay $0x1  }
0x5d: {  	[tilespmem:v6+s13+$0x0] =	vst.idx.msk $0xffff, v16  }
0x5e: {  	v16 =	vld [tilespmem:s20+$0x5C0]  }
0x5f: {  	v17 =	vld [tilespmem:s20+$0x5D0];
	_ =	sdelay $0x1  }
0x60: {  	v48 =	vld [tilespmem:s20+$0x5E0];
	_ =	sdelay $0x1  }
0x61: {  	v49 =	vld [tilespmem:s20+$0x5F0]  }
0x62: {  	v16 =	vmul.f32 v16, v16;
	v17 =	vmul.f32 v17, v17;
	_ =	sdelay $0x1  }
0x63: {  	v16 =	vadd.f32 v17, v16;
	v17 =	vmul.f32 v48, v48;
	_ =	sdelay $0x1  }
0x64: {  	v16 =	vadd.f32 v17, v16;
	v17 =	vmul.f32 v49, v49;
	_ =	sdelay $0x1  }
0x65: {  	v16 =	vadd.f32 v17, v16;
	_ =	sdelay $0x1  }
0x66: {  	[tilespmem:v7+s13+$0x0] =	vst.idx.msk $0xffff, v16  }
0x67: {  	v16 =	vld [tilespmem:s20+$0x600]  }
0x68: {  	v17 =	vld [tilespmem:s20+$0x610];
	_ =	sdelay $0x1  }
0x69: {  	v50 =	vld [tilespmem:s20+$0x620];
	_ =	sdelay $0x1  }
0x6a: {  	v51 =	vld [tilespmem:s20+$0x630]  }
0x6b: {  	v16 =	vmul.f32 v16, v16;
	v17 =	vmul.f32 v17, v17;
	_ =	sdelay $0x1  }
0x6c: {  	v16 =	vadd.f32 v17, v16;
	v17 =	vmul.f32 v50, v50;
	_ =	sdelay $0x1  }
0x6d: {  	v16 =	vadd.f32 v17, v16;
	v17 =	vmul.f32 v51, v51;
	_ =	sdelay $0x1  }
0x6e: {  	v16 =	vadd.f32 v17, v16;
	_ =	sdelay $0x1  }
0x6f: {  	[tilespmem:v8+s13+$0x0] =	vst.idx.msk $0xffff, v16  }
0x70: {  	v16 =	vld [tilespmem:s20+$0x640]  }
0x71: {  	v17 =	vld [tilespmem:s20+$0x650];
	_ =	sdelay $0x1  }
0x72: {  	v52 =	vld [tilespmem:s20+$0x660];
	_ =	sdelay $0x1  }
0x73: {  	v53 =	vld [tilespmem:s20+$0x670]  }
0x74: {  	v16 =	vmul.f32 v16, v16;
	v17 =	vmul.f32 v17, v17;
	_ =	sdelay $0x1  }
0x75: {  	v16 =	vadd.f32 v17, v16;
	v17 =	vmul.f32 v52, v52;
	_ =	sdelay $0x1  }
0x76: {  	v16 =	vadd.f32 v17, v16;
	v17 =	vmul.f32 v53, v53;
	_ =	sdelay $0x1  }
0x77: {  	v16 =	vadd.f32 v17, v16;
	_ =	sdelay $0x1  }
0x78: {  	[tilespmem:v9+s13+$0x0] =	vst.idx.msk $0xffff, v16  }
0x79: {  	v16 =	vld [tilespmem:s20+$0x680]  }
0x7a: {  	v17 =	vld [tilespmem:s20+$0x690];
	_ =	sdelay $0x1  }
0x7b: {  	v54 =	vld [tilespmem:s20+$0x6A0];
	_ =	sdelay $0x1  }
0x7c: {  	v55 =	vld [tilespmem:s20+$0x6B0]  }
0x7d: {  	v16 =	vmul.f32 v16, v16;
	v17 =	vmul.f32 v17, v17;
	_ =	sdelay $0x1  }
0x7e: {  	v16 =	vadd.f32 v17, v16;
	v17 =	vmul.f32 v54, v54;
	_ =	sdelay $0x1  }
0x7f: {  	v16 =	vadd.f32 v17, v16;
	v17 =	vmul.f32 v55, v55;
	_ =	sdelay $0x1  }
0x80: {  	v16 =	vadd.f32 v17, v16;
	_ =	sdelay $0x1  }
0x81: {  	[tilespmem:v10+s13+$0x0] =	vst.idx.msk $0xffff, v16  }
0x82: {  	v16 =	vld [tilespmem:s20+$0x6C0]  }
0x83: {  	v17 =	vld [tilespmem:s20+$0x6D0];
	_ =	sdelay $0x1  }
0x84: {  	v56 =	vld [tilespmem:s20+$0x6E0];
	_ =	sdelay $0x1  }
0x85: {  	v57 =	vld [tilespmem:s20+$0x6F0]  }
0x86: {  	v16 =	vmul.f32 v16, v16;
	v17 =	vmul.f32 v17, v17;
	_ =	sdelay $0x1  }
0x87: {  	v16 =	vadd.f32 v17, v16;
	v17 =	vmul.f32 v56, v56;
	_ =	sdelay $0x1  }
0x88: {  	v16 =	vadd.f32 v17, v16;
	v17 =	vmul.f32 v57, v57;
	_ =	sdelay $0x1  }
0x89: {  	v16 =	vadd.f32 v17, v16;
	_ =	sdelay $0x1  }
0x8a: {  	[tilespmem:v11+s13+$0x0] =	vst.idx.msk $0xffff, v16  }
0x8b: {  	v16 =	vld [tilespmem:s20+$0x700]  }
0x8c: {  	v17 =	vld [tilespmem:s20+$0x710];
	_ =	sdelay $0x1  }
0x8d: {  	v58 =	vld [tilespmem:s20+$0x720];
	_ =	sdelay $0x1  }
0x8e: {  	v59 =	vld [tilespmem:s20+$0x730]  }
0x8f: {  	v16 =	vmul.f32 v16, v16;
	v17 =	vmul.f32 v17, v17;
	_ =	sdelay $0x1  }
0x90: {  	v16 =	vadd.f32 v17, v16;
	v17 =	vmul.f32 v58, v58;
	_ =	sdelay $0x1  }
0x91: {  	v16 =	vadd.f32 v17, v16;
	v17 =	vmul.f32 v59, v59;
	_ =	sdelay $0x1  }
0x92: {  	v16 =	vadd.f32 v17, v16;
	_ =	sdelay $0x1  }
0x93: {  	[tilespmem:v12+s13+$0x0] =	vst.idx.msk $0xffff, v16  }
0x94: {  	v16 =	vld [tilespmem:s20+$0x740]  }
0x95: {  	v17 =	vld [tilespmem:s20+$0x750];
	_ =	sdelay $0x1  }
0x96: {  	v60 =	vld [tilespmem:s20+$0x760];
	_ =	sdelay $0x1  }
0x97: {  	v61 =	vld [tilespmem:s20+$0x770]  }
0x98: {  	v16 =	vmul.f32 v16, v16;
	v17 =	vmul.f32 v17, v17;
	_ =	sdelay $0x1  }
0x99: {  	v16 =	vadd.f32 v17, v16;
	v17 =	vmul.f32 v60, v60;
	_ =	sdelay $0x1  }
0x9a: {  	v16 =	vadd.f32 v17, v16;
	v17 =	vmul.f32 v61, v61;
	_ =	sdelay $0x1  }
0x9b: {  	v16 =	vadd.f32 v17, v16;
	_ =	sdelay $0x1  }
0x9c: {  	[tilespmem:v13+s13+$0x0] =	vst.idx.msk $0xffff, v16  }
0x9d: {  	v16 =	vld [tilespmem:s20+$0x780]  }
0x9e: {  	v17 =	vld [tilespmem:s20+$0x790];
	_ =	sdelay $0x1  }
0x9f: {  	v62 =	vld [tilespmem:s20+$0x7A0];
	_ =	sdelay $0x1  }
0xa0: {  	v63 =	vld [tilespmem:s20+$0x7B0]  }
0xa1: {  	v16 =	vmul.f32 v16, v16;
	v17 =	vmul.f32 v17, v17;
	_ =	sdelay $0x1  }
0xa2: {  	v16 =	vadd.f32 v17, v16;
	v17 =	vmul.f32 v62, v62;
	_ =	sdelay $0x1  }
0xa3: {  	v16 =	vadd.f32 v17, v16;
	v17 =	vmul.f32 v63, v63;
	_ =	sdelay $0x1  }
0xa4: {  	v16 =	vadd.f32 v17, v16;
	_ =	sdelay $0x1  }
0xa5: {  	[tilespmem:v14+s13+$0x0] =	vst.idx.msk $0xffff, v16  }
0xa6: {  	v16 =	vld [tilespmem:s20+$0x7C0]  }
0xa7: {  	v17 =	vld [tilespmem:s20+$0x7D0];
	_ =	sdelay $0x1  }
0xa8: {  	v21 =	vld [tilespmem:s20+$0x7E0];
	_ =	sdelay $0x1  }
0xa9: {  	v22 =	vld [tilespmem:s20+$0x7F0]  }
0xaa: {  	v16 =	vmul.f32 v16, v16;
	v17 =	vmul.f32 v17, v17;
	_ =	sdelay $0x1  }
0xab: {  	v16 =	vadd.f32 v17, v16;
	v17 =	vmul.f32 v21, v21;
	_ =	sdelay $0x1  }
0xac: {  	v16 =	vadd.f32 v17, v16;
	v17 =	vmul.f32 v22, v22;
	_ =	sdelay $0x1  }
0xad: {  	v16 =	vadd.f32 v17, v16;
	_ =	sdelay $0x1  }
0xae: {  	[tilespmem:v15+s13+$0x0] =	vst.idx.msk $0xffff, v16  }
0xaf: {  	v16 =	vld [tilespmem:$0x10400]  }
0xb0: {  	v17 =	vld [tilespmem:$0x10410];
	_ =	sdelay $0x1  }
0xb1: {  	v23 =	vld [tilespmem:$0x10420];
	_ =	sdelay $0x1  }
0xb2: {  	v24 =	vld [tilespmem:$0x10430]  }
0xb3: {  	v16 =	vadd.f32 v17, v16  }
0xb4: {  	v17 =	vld [tilespmem:$0x10440]  }
0xb5: {  	v16 =	vadd.f32 v23, v16  }
0xb6: {  	v25 =	vld [tilespmem:$0x10450]  }
0xb7: {  	v16 =	vadd.f32 v24, v16  }
0xb8: {  	v26 =	vld [tilespmem:$0x10460]  }
0xb9: {  	v16 =	vadd.f32 v17, v16  }
0xba: {  	v17 =	vld [tilespmem:$0x10470]  }
0xbb: {  	v16 =	vadd.f32 v25, v16  }
0xbc: {  	v27 =	vld [tilespmem:$0x10480]  }
0xbd: {  	v16 =	vadd.f32 v26, v16  }
0xbe: {  	v28 =	vld [tilespmem:$0x10490]  }
0xbf: {  	v16 =	vadd.f32 v17, v16  }
0xc0: {  	v17 =	vld [tilespmem:$0x104A0]  }
0xc1: {  	v16 =	vadd.f32 v27, v16  }
0xc2: {  	v29 =	vld [tilespmem:$0x104B0]  }
0xc3: {  	v16 =	vadd.f32 v28, v16  }
0xc4: {  	v30 =	vld [tilespmem:$0x104C0]  }
0xc5: {  	v16 =	vadd.f32 v17, v16  }
0xc6: {  	v17 =	vld [tilespmem:$0x104D0]  }
0xc7: {  	v16 =	vadd.f32 v29, v16  }
0xc8: {  	v31 =	vld [tilespmem:$0x104E0]  }
0xc9: {  	v16 =	vadd.f32 v30, v16  }
0xca: {  	v32 =	vld [tilespmem:$0x104F0]  }
0xcb: {  	v16 =	vadd.f32 v17, v16;
	_ =	sdelay $0x1  }
0xcc: {  	v16 =	vadd.f32 v31, v16;
	_ =	sdelay $0x1  }
0xcd: {  	v16 =	vadd.f32 v32, v16;
	_ =	sdelay $0x1  }
0xce: {  	v17 =	vshra.s32 v16, $0x1;
	v33 =	vmul.f32 $5.000000000e-01, v16  }
0xcf: {  	v17 =	vsub.s32 $0x5F3759DF, v17  }
0xd0: {  	v34 =	vmul.f32 v17, v33;
	_ =	sdelay $0x1  }
0xd1: {  	v19 =	vmul.f32 v17, v34;
	_ =	sdelay $0x1  }
0xd2: {  	v19 =	vsub.f32 $1.500000000e+00, v19;
	_ =	sdelay $0x1  }
0xd3: {  	v17 =	vmul.f32 v17, v19;
	_ =	sdelay $0x1  }
0xd4: {  	v19 =	vmul.f32 v17, v33;
	_ =	sdelay $0x1  }
0xd5: {  	v19 =	vmul.f32 v19, v17;
	_ =	sdelay $0x1  }
0xd6: {  	v19 =	vsub.f32 $1.500000000e+00, v19;
	_ =	sdelay $0x1  }
0xd7: {  	v17 =	vmul.f32 v19, v17;
	_ =	sdelay $0x1  }
0xd8: {  	v18 =	vmul.f32 v17, v33;
	_ =	sdelay $0x1  }
0xd9: {  	v18 =	vmul.f32 v18, v17;
	_ =	sdelay $0x1  }
0xda: {  	v18 =	vsub.f32 $1.500000000e+00, v18;
	_ =	sdelay $0x1  }
0xdb: {  	v35 =	vld [tilespmem:s20+$0x400];
	v17 =	vmul.f32 v18, v17  }
0xdc: {  	v36 =	vld [tilespmem:s20+$0x410];
	vm0 =	vgt.f32 v16, $1.000000000e+00  }
0xdd: {  	v16 =	vnsel vm0, $0x3F800000, v17;
	v17 =	vld [tilespmem:s20+$0x420]  }
0xde: {  	v21 =	vld [tilespmem:s20+$0x430];
	v20 =	vbroadcast v16, $0x0  }
0xdf: {  	v22 =	vld [tilespmem:s20+$0x440]  }
0xe0: {  	v23 =	vld [tilespmem:s20+$0x450];
	v18 =	vmul.f32 v20, v35  }
0xe1: {  	v24 =	vld [tilespmem:s20+$0x460];
	v19 =	vmul.f32 v20, v36  }
0xe2: {  	v40 =	vld [tilespmem:s20+$0x490];
	v37 =	vbroadcast v16, $0x1;
	[tilespmem:s20+$0x400] =	vst v18;
	v17 =	vmul.f32 v20, v17  }
0xe3: {  	v39 =	vld [tilespmem:s20+$0x480];
	v38 =	vmul.f32 v20, v21;
	[tilespmem:s20+$0x410] =	vst v19  }
0xe4: {  	v44 =	vld [tilespmem:s20+$0x4B0];
	[tilespmem:s20+$0x420] =	vst v17;
	v17 =	vmul.f32 v37, v22  }
0xe5: {  	v42 =	vld [tilespmem:s20+$0x4A0];
	v43 =	vbroadcast v16, $0x2;
	v41 =	vmul.f32 v37, v23;
	[tilespmem:s20+$0x430] =	vst v38  }
0xe6: {  	v46 =	vld [tilespmem:s20+$0x4D0];
	[tilespmem:s20+$0x440] =	vst v17;
	v17 =	vmul.f32 v37, v24  }
0xe7: {  	v45 =	vld [tilespmem:s20+$0x4C0];
	v47 =	vmul.f32 v43, v40;
	[tilespmem:s20+$0x450] =	vst v41  }
0xe8: {  	v50 =	vld [tilespmem:s20+$0x4F0];
	[tilespmem:s20+$0x460] =	vst v17;
	v17 =	vmul.f32 v43, v39  }
0xe9: {  	v48 =	vld [tilespmem:s20+$0x4E0];
	v49 =	vbroadcast v16, $0x3;
	v51 =	vmul.f32 v44, v43;
	[tilespmem:s20+$0x490] =	vst v47  }
0xea: {  	v53 =	vld [tilespmem:s20+$0x510];
	[tilespmem:s20+$0x480] =	vst v17;
	v17 =	vmul.f32 v42, v43  }
0xeb: {  	v52 =	vld [tilespmem:s20+$0x500];
	v54 =	vmul.f32 v46, v49;
	[tilespmem:s20+$0x4B0] =	vst v51  }
0xec: {  	v57 =	vld [tilespmem:s20+$0x530];
	[tilespmem:s20+$0x4A0] =	vst v17;
	v17 =	vmul.f32 v45, v49  }
0xed: {  	v55 =	vld [tilespmem:s20+$0x520];
	v56 =	vbroadcast v16, $0x4;
	v58 =	vmul.f32 v50, v49;
	[tilespmem:s20+$0x4D0] =	vst v54  }
0xee: {  	v60 =	vld [tilespmem:s20+$0x550];
	[tilespmem:s20+$0x4C0] =	vst v17;
	v17 =	vmul.f32 v48, v49  }
0xef: {  	v59 =	vld [tilespmem:s20+$0x540];
	v61 =	vmul.f32 v53, v56;
	[tilespmem:s20+$0x4F0] =	vst v58  }
0xf0: {  	v28 =	vld [tilespmem:s20+$0x570];
	[tilespmem:s20+$0x4E0] =	vst v17;
	v17 =	vmul.f32 v52, v56  }
0xf1: {  	v62 =	vld [tilespmem:s20+$0x560];
	v63 =	vbroadcast v16, $0x5;
	v29 =	vmul.f32 v57, v56;
	[tilespmem:s20+$0x510] =	vst v61  }
0xf2: {  	v25 =	vld [tilespmem:s20+$0x470];
	[tilespmem:s20+$0x500] =	vst v17;
	v17 =	vmul.f32 v55, v56  }
0xf3: {  	v30 =	vld [tilespmem:s20+$0x580];
	v32 =	vmul.f32 v60, v63;
	[tilespmem:s20+$0x530] =	vst v29  }
0xf4: {  	v38 =	vld [tilespmem:s20+$0x5D0];
	[tilespmem:s20+$0x520] =	vst v17;
	v17 =	vmul.f32 v59, v63  }
0xf5: {  	v33 =	vld [tilespmem:s20+$0x5A0];
	v36 =	vmul.f32 v28, v63;
	[tilespmem:s20+$0x550] =	vst v32  }
0xf6: {  	v31 =	vld [tilespmem:s20+$0x590];
	v34 =	vbroadcast v16, $0x6;
	[tilespmem:s20+$0x540] =	vst v17;
	v17 =	vmul.f32 v62, v63  }
0xf7: {  	v18 =	vmul.f32 v37, v25;
	[tilespmem:s20+$0x570] =	vst v36;
	v41 =	vbroadcast v16, $0x7;
	v37 =	vld [tilespmem:s20+$0x5C0]  }
0xf8: {  	v35 =	vld [tilespmem:s20+$0x5B0];
	[tilespmem:s20+$0x560] =	vst v17;
	v17 =	vmul.f32 v30, v34  }
0xf9: {  	v40 =	vld [tilespmem:s20+$0x5E0];
	[tilespmem:s20+$0x470] =	vst v18;
	v46 =	vmul.f32 v38, v41  }
0xfa: {  	v42 =	vld [tilespmem:s20+$0x5F0];
	[tilespmem:s20+$0x580] =	vst v17;
	v17 =	vmul.f32 v33, v34  }
0xfb: {  	v44 =	vld [tilespmem:s20+$0x600];
	v39 =	vmul.f32 v31, v34;
	[tilespmem:s20+$0x5D0] =	vst v46  }
0xfc: {  	v45 =	vld [tilespmem:s20+$0x610];
	[tilespmem:s20+$0x5A0] =	vst v17;
	v17 =	vmul.f32 v37, v41  }
0xfd: {  	v47 =	vld [tilespmem:s20+$0x620];
	[tilespmem:s20+$0x590] =	vst v39;
	v43 =	vmul.f32 v35, v34  }
0xfe: {  	v48 =	vbroadcast v16, $0x8;
	v49 =	vld [tilespmem:s20+$0x630];
	[tilespmem:s20+$0x5C0] =	vst v17;
	v17 =	vmul.f32 v40, v41  }
0xff: {  	v51 =	vld [tilespmem:s20+$0x640];
	[tilespmem:s20+$0x5B0] =	vst v43;
	v50 =	vmul.f32 v42, v41  }
0x100: {  	v52 =	vld [tilespmem:s20+$0x650];
	[tilespmem:s20+$0x5E0] =	vst v17;
	v17 =	vmul.f32 v44, v48  }
0x101: {  	v54 =	vld [tilespmem:s20+$0x660];
	[tilespmem:s20+$0x5F0] =	vst v50;
	v53 =	vmul.f32 v45, v48  }
0x102: {  	v55 =	vbroadcast v16, $0x9;
	v56 =	vld [tilespmem:s20+$0x670];
	[tilespmem:s20+$0x600] =	vst v17;
	v17 =	vmul.f32 v47, v48  }
0x103: {  	v58 =	vld [tilespmem:s20+$0x680];
	[tilespmem:s20+$0x610] =	vst v53;
	v57 =	vmul.f32 v49, v48  }
0x104: {  	v59 =	vld [tilespmem:s20+$0x690];
	[tilespmem:s20+$0x620] =	vst v17;
	v17 =	vmul.f32 v51, v55  }
0x105: {  	v61 =	vld [tilespmem:s20+$0x6A0];
	[tilespmem:s20+$0x630] =	vst v57;
	v60 =	vmul.f32 v52, v55  }
0x106: {  	v62 =	vbroadcast v16, $0xA;
	v63 =	vld [tilespmem:s20+$0x6B0];
	[tilespmem:s20+$0x640] =	vst v17;
	v17 =	vmul.f32 v54, v55  }
0x107: {  	v29 =	vld [tilespmem:s20+$0x6C0];
	[tilespmem:s20+$0x650] =	vst v60;
	v28 =	vmul.f32 v56, v55  }
0x108: {  	v30 =	vld [tilespmem:s20+$0x6D0];
	[tilespmem:s20+$0x660] =	vst v17;
	v17 =	vmul.f32 v58, v62  }
0x109: {  	v32 =	vld [tilespmem:s20+$0x6E0];
	[tilespmem:s20+$0x670] =	vst v28;
	v31 =	vmul.f32 v59, v62  }
0x10a: {  	v33 =	vbroadcast v16, $0xB;
	v34 =	vld [tilespmem:s20+$0x6F0];
	[tilespmem:s20+$0x680] =	vst v17;
	v17 =	vmul.f32 v61, v62  }
0x10b: {  	v36 =	vld [tilespmem:s20+$0x700];
	[tilespmem:s20+$0x690] =	vst v31;
	v35 =	vmul.f32 v63, v62  }
0x10c: {  	v37 =	vld [tilespmem:s20+$0x710];
	[tilespmem:s20+$0x6A0] =	vst v17;
	v17 =	vmul.f32 v29, v33  }
0x10d: {  	v39 =	vld [tilespmem:s20+$0x720];
	[tilespmem:s20+$0x6B0] =	vst v35;
	v38 =	vmul.f32 v30, v33  }
0x10e: {  	v40 =	vbroadcast v16, $0xC;
	v41 =	vld [tilespmem:s20+$0x730];
	[tilespmem:s20+$0x6C0] =	vst v17;
	v17 =	vmul.f32 v32, v33  }
0x10f: {  	v43 =	vld [tilespmem:s20+$0x740];
	[tilespmem:s20+$0x6D0] =	vst v38;
	v42 =	vmul.f32 v34, v33  }
0x110: {  	v44 =	vld [tilespmem:s20+$0x750];
	[tilespmem:s20+$0x6E0] =	vst v17;
	v17 =	vmul.f32 v36, v40  }
0x111: {  	v46 =	vld [tilespmem:s20+$0x760];
	[tilespmem:s20+$0x6F0] =	vst v42;
	v45 =	vmul.f32 v37, v40  }
0x112: {  	v47 =	vbroadcast v16, $0xD;
	v48 =	vld [tilespmem:s20+$0x770];
	[tilespmem:s20+$0x700] =	vst v17;
	v17 =	vmul.f32 v39, v40  }
0x113: {  	v50 =	vld [tilespmem:s20+$0x780];
	[tilespmem:s20+$0x710] =	vst v45;
	v49 =	vmul.f32 v41, v40  }
0x114: {  	v51 =	vld [tilespmem:s20+$0x790];
	[tilespmem:s20+$0x720] =	vst v17;
	v17 =	vmul.f32 v43, v47  }
0x115: {  	v53 =	vld [tilespmem:s20+$0x7A0];
	[tilespmem:s20+$0x730] =	vst v49;
	v52 =	vmul.f32 v44, v47  }
0x116: {  	v54 =	vbroadcast v16, $0xE;
	v55 =	vld [tilespmem:s20+$0x7B0];
	[tilespmem:s20+$0x740] =	vst v17;
	v17 =	vmul.f32 v46, v47  }
0x117: {  	v57 =	vld [tilespmem:s20+$0x7C0];
	[tilespmem:s20+$0x750] =	vst v52;
	v56 =	vmul.f32 v48, v47  }
0x118: {  	v58 =	vld [tilespmem:s20+$0x7D0];
	[tilespmem:s20+$0x760] =	vst v17;
	v17 =	vmul.f32 v50, v54  }
0x119: {  	v60 =	vld [tilespmem:s20+$0x7E0];
	[tilespmem:s20+$0x770] =	vst v56;
	v59 =	vmul.f32 v51, v54  }
0x11a: {  	v16 =	vbroadcast v16, $0xF;
	v61 =	vld [tilespmem:s20+$0x7F0];
	[tilespmem:s20+$0x780] =	vst v17;
	v17 =	vmul.f32 v53, v54  }
0x11b: {  	[tilespmem:s20+$0x790] =	vst v59;
	v62 =	vmul.f32 v55, v54  }
0x11c: {  	p0 =	sne.s32 s19, $0x1F000;
	[tilespmem:s20+$0x7A0] =	vst v17;
	v17 =	vmul.f32 v57, v16  }
.Ltmp0:
0x11d: {  	[tilespmem:s20+$0x7B0] =	vst v62;
	v63 =	vmul.f32 v58, v16;
	(pc) =	sbr.rel @p0 .LBB2_3-.Ltmp0, $4  }
0x11e: {  	[tilespmem:s20+$0x7C0] =	vst v17;
	v17 =	vmul.f32 v60, v16  }
0x11f: {  	[tilespmem:s20+$0x7D0] =	vst v63;
	v16 =	vmul.f32 v61, v16  }
0x120: {  	[tilespmem:s20+$0x7E0] =	vst v17  }
0x121: {  	s19 =	sadd.s32 $0x1000, s19;
	[tilespmem:s20+$0x7F0] =	vst v16  }
0x122: {  	s18 =	sshll.u32 s18, $0x3  }
0x123: {  	s19 =	sadd.s32 s1, s18;
	s18 =	simm.s32 $0x0  }
0x124: {  	[hbm4b:s19+s18] =	stream.linear.scatter [tilespmem:s10], [sflag:$0x3], $0x8000, $0x38;
	[tilespmem:$0x10500] =	vst v63  }
0x125: {  	_ =	swait.ge [sflag:s8], $0x8000  }
0x126: {  	[sflag:s8] =	ssyncset.done $0x0  }
0x127: {  	[sflag:s8] =	ssyncadd.s32 $0xFFFF8000  }
0x128: {  	_ =	swait.ge [sflag:s14], $0x8000  }
0x129: {  	[sflag:s14] =	ssyncset.done $0x0  }
0x12a: {  	[sflag:s14] =	ssyncadd.s32 $0xFFFF8000  }
.LBB2_5:
0x12b: {  	s19 =	sshra.s32 s18, $0x2  }
0x12c: {  	v16 =	vld [tilespmem:s19+$0x8400]  }
0x12d: {  	v17 =	vld [tilespmem:s19+$0x8410];
	_ =	sdelay $0x1  }
0x12e: {  	v18 =	vld [tilespmem:s19+$0x8420];
	_ =	sdelay $0x1  }
0x12f: {  	v19 =	vld [tilespmem:s19+$0x8430]  }
0x130: {  	v16 =	vmul.f32 v16, v16;
	v17 =	vmul.f32 v17, v17;
	_ =	sdelay $0x1  }
0x131: {  	v16 =	vadd.f32 v17, v16;
	v17 =	vmul.f32 v18, v18;
	_ =	sdelay $0x1  }
0x132: {  	v16 =	vadd.f32 v17, v16;
	v17 =	vmul.f32 v19, v19;
	_ =	sdelay $0x1  }
0x133: {  	v16 =	vadd.f32 v17, v16;
	_ =	sdelay $0x1  }
0x134: {  	[tilespmem:v0+s13+$0x0] =	vst.idx.msk $0xffff, v16  }
0x135: {  	v16 =	vld [tilespmem:s19+$0x8440]  }
0x136: {  	v17 =	vld [tilespmem:s19+$0x8450];
	_ =	sdelay $0x1  }
0x137: {  	v36 =	vld [tilespmem:s19+$0x8460];
	_ =	sdelay $0x1  }
0x138: {  	v37 =	vld [tilespmem:s19+$0x8470]  }
0x139: {  	v16 =	vmul.f32 v16, v16;
	v17 =	vmul.f32 v17, v17;
	_ =	sdelay $0x1  }
0x13a: {  	v16 =	vadd.f32 v17, v16;
	v17 =	vmul.f32 v36, v36;
	_ =	sdelay $0x1  }
0x13b: {  	v16 =	vadd.f32 v17, v16;
	v17 =	vmul.f32 v37, v37;
	_ =	sdelay $0x1  }
0x13c: {  	v16 =	vadd.f32 v17, v16;
	_ =	sdelay $0x1  }
0x13d: {  	[tilespmem:v1+s13+$0x0] =	vst.idx.msk $0xffff, v16  }
0x13e: {  	v16 =	vld [tilespmem:s19+$0x8480]  }
0x13f: {  	v17 =	vld [tilespmem:s19+$0x8490];
	_ =	sdelay $0x1  }
0x140: {  	v38 =	vld [tilespmem:s19+$0x84A0];
	_ =	sdelay $0x1  }
0x141: {  	v39 =	vld [tilespmem:s19+$0x84B0]  }
0x142: {  	v16 =	vmul.f32 v16, v16;
	v17 =	vmul.f32 v17, v17;
	_ =	sdelay $0x1  }
0x143: {  	v16 =	vadd.f32 v17, v16;
	v17 =	vmul.f32 v38, v38;
	_ =	sdelay $0x1  }
0x144: {  	v16 =	vadd.f32 v17, v16;
	v17 =	vmul.f32 v39, v39;
	_ =	sdelay $0x1  }
0x145: {  	v16 =	vadd.f32 v17, v16;
	_ =	sdelay $0x1  }
0x146: {  	[tilespmem:v2+s13+$0x0] =	vst.idx.msk $0xffff, v16  }
0x147: {  	v16 =	vld [tilespmem:s19+$0x84C0]  }
0x148: {  	v17 =	vld [tilespmem:s19+$0x84D0];
	_ =	sdelay $0x1  }
0x149: {  	v40 =	vld [tilespmem:s19+$0x84E0];
	_ =	sdelay $0x1  }
0x14a: {  	v41 =	vld [tilespmem:s19+$0x84F0]  }
0x14b: {  	v16 =	vmul.f32 v16, v16;
	v17 =	vmul.f32 v17, v17;
	_ =	sdelay $0x1  }
0x14c: {  	v16 =	vadd.f32 v17, v16;
	v17 =	vmul.f32 v40, v40;
	_ =	sdelay $0x1  }
0x14d: {  	v16 =	vadd.f32 v17, v16;
	v17 =	vmul.f32 v41, v41;
	_ =	sdelay $0x1  }
0x14e: {  	v16 =	vadd.f32 v17, v16;
	_ =	sdelay $0x1  }
0x14f: {  	[tilespmem:v3+s13+$0x0] =	vst.idx.msk $0xffff, v16  }
0x150: {  	v16 =	vld [tilespmem:s19+$0x8500]  }
0x151: {  	v17 =	vld [tilespmem:s19+$0x8510];
	_ =	sdelay $0x1  }
0x152: {  	v42 =	vld [tilespmem:s19+$0x8520];
	_ =	sdelay $0x1  }
0x153: {  	v43 =	vld [tilespmem:s19+$0x8530]  }
0x154: {  	v16 =	vmul.f32 v16, v16;
	v17 =	vmul.f32 v17, v17;
	_ =	sdelay $0x1  }
0x155: {  	v16 =	vadd.f32 v17, v16;
	v17 =	vmul.f32 v42, v42;
	_ =	sdelay $0x1  }
0x156: {  	v16 =	vadd.f32 v17, v16;
	v17 =	vmul.f32 v43, v43;
	_ =	sdelay $0x1  }
0x157: {  	v16 =	vadd.f32 v17, v16;
	_ =	sdelay $0x1  }
0x158: {  	[tilespmem:v4+s13+$0x0] =	vst.idx.msk $0xffff, v16  }
0x159: {  	v16 =	vld [tilespmem:s19+$0x8540]  }
0x15a: {  	v17 =	vld [tilespmem:s19+$0x8550];
	_ =	sdelay $0x1  }
0x15b: {  	v44 =	vld [tilespmem:s19+$0x8560];
	_ =	sdelay $0x1  }
0x15c: {  	v45 =	vld [tilespmem:s19+$0x8570]  }
0x15d: {  	v16 =	vmul.f32 v16, v16;
	v17 =	vmul.f32 v17, v17;
	_ =	sdelay $0x1  }
0x15e: {  	v16 =	vadd.f32 v17, v16;
	v17 =	vmul.f32 v44, v44;
	_ =	sdelay $0x1  }
0x15f: {  	v16 =	vadd.f32 v17, v16;
	v17 =	vmul.f32 v45, v45;
	_ =	sdelay $0x1  }
0x160: {  	v16 =	vadd.f32 v17, v16;
	_ =	sdelay $0x1  }
0x161: {  	[tilespmem:v5+s13+$0x0] =	vst.idx.msk $0xffff, v16  }
0x162: {  	v16 =	vld [tilespmem:s19+$0x8580]  }
0x163: {  	v17 =	vld [tilespmem:s19+$0x8590];
	_ =	sdelay $0x1  }
0x164: {  	v46 =	vld [tilespmem:s19+$0x85A0];
	_ =	sdelay $0x1  }
0x165: {  	v47 =	vld [tilespmem:s19+$0x85B0]  }
0x166: {  	v16 =	vmul.f32 v16, v16;
	v17 =	vmul.f32 v17, v17;
	_ =	sdelay $0x1  }
0x167: {  	v16 =	vadd.f32 v17, v16;
	v17 =	vmul.f32 v46, v46;
	_ =	sdelay $0x1  }
0x168: {  	v16 =	vadd.f32 v17, v16;
	v17 =	vmul.f32 v47, v47;
	_ =	sdelay $0x1  }
0x169: {  	v16 =	vadd.f32 v17, v16;
	_ =	sdelay $0x1  }
0x16a: {  	[tilespmem:v6+s13+$0x0] =	vst.idx.msk $0xffff, v16  }
0x16b: {  	v16 =	vld [tilespmem:s19+$0x85C0]  }
0x16c: {  	v17 =	vld [tilespmem:s19+$0x85D0];
	_ =	sdelay $0x1  }
0x16d: {  	v48 =	vld [tilespmem:s19+$0x85E0];
	_ =	sdelay $0x1  }
0x16e: {  	v49 =	vld [tilespmem:s19+$0x85F0]  }
0x16f: {  	v16 =	vmul.f32 v16, v16;
	v17 =	vmul.f32 v17, v17;
	_ =	sdelay $0x1  }
0x170: {  	v16 =	vadd.f32 v17, v16;
	v17 =	vmul.f32 v48, v48;
	_ =	sdelay $0x1  }
0x171: {  	v16 =	vadd.f32 v17, v16;
	v17 =	vmul.f32 v49, v49;
	_ =	sdelay $0x1  }
0x172: {  	v16 =	vadd.f32 v17, v16;
	_ =	sdelay $0x1  }
0x173: {  	[tilespmem:v7+s13+$0x0] =	vst.idx.msk $0xffff, v16  }
0x174: {  	v16 =	vld [tilespmem:s19+$0x8600]  }
0x175: {  	v17 =	vld [tilespmem:s19+$0x8610];
	_ =	sdelay $0x1  }
0x176: {  	v50 =	vld [tilespmem:s19+$0x8620];
	_ =	sdelay $0x1  }
0x177: {  	v51 =	vld [tilespmem:s19+$0x8630]  }
0x178: {  	v16 =	vmul.f32 v16, v16;
	v17 =	vmul.f32 v17, v17;
	_ =	sdelay $0x1  }
0x179: {  	v16 =	vadd.f32 v17, v16;
	v17 =	vmul.f32 v50, v50;
	_ =	sdelay $0x1  }
0x17a: {  	v16 =	vadd.f32 v17, v16;
	v17 =	vmul.f32 v51, v51;
	_ =	sdelay $0x1  }
0x17b: {  	v16 =	vadd.f32 v17, v16;
	_ =	sdelay $0x1  }
0x17c: {  	[tilespmem:v8+s13+$0x0] =	vst.idx.msk $0xffff, v16  }
0x17d: {  	v16 =	vld [tilespmem:s19+$0x8640]  }
0x17e: {  	v17 =	vld [tilespmem:s19+$0x8650];
	_ =	sdelay $0x1  }
0x17f: {  	v52 =	vld [tilespmem:s19+$0x8660];
	_ =	sdelay $0x1  }
0x180: {  	v53 =	vld [tilespmem:s19+$0x8670]  }
0x181: {  	v16 =	vmul.f32 v16, v16;
	v17 =	vmul.f32 v17, v17;
	_ =	sdelay $0x1  }
0x182: {  	v16 =	vadd.f32 v17, v16;
	v17 =	vmul.f32 v52, v52;
	_ =	sdelay $0x1  }
0x183: {  	v16 =	vadd.f32 v17, v16;
	v17 =	vmul.f32 v53, v53;
	_ =	sdelay $0x1  }
0x184: {  	v16 =	vadd.f32 v17, v16;
	_ =	sdelay $0x1  }
0x185: {  	[tilespmem:v9+s13+$0x0] =	vst.idx.msk $0xffff, v16  }
0x186: {  	v16 =	vld [tilespmem:s19+$0x8680]  }
0x187: {  	v17 =	vld [tilespmem:s19+$0x8690];
	_ =	sdelay $0x1  }
0x188: {  	v54 =	vld [tilespmem:s19+$0x86A0];
	_ =	sdelay $0x1  }
0x189: {  	v55 =	vld [tilespmem:s19+$0x86B0]  }
0x18a: {  	v16 =	vmul.f32 v16, v16;
	v17 =	vmul.f32 v17, v17;
	_ =	sdelay $0x1  }
0x18b: {  	v16 =	vadd.f32 v17, v16;
	v17 =	vmul.f32 v54, v54;
	_ =	sdelay $0x1  }
0x18c: {  	v16 =	vadd.f32 v17, v16;
	v17 =	vmul.f32 v55, v55;
	_ =	sdelay $0x1  }
0x18d: {  	v16 =	vadd.f32 v17, v16;
	_ =	sdelay $0x1  }
0x18e: {  	[tilespmem:v10+s13+$0x0] =	vst.idx.msk $0xffff, v16  }
0x18f: {  	v16 =	vld [tilespmem:s19+$0x86C0]  }
0x190: {  	v17 =	vld [tilespmem:s19+$0x86D0];
	_ =	sdelay $0x1  }
0x191: {  	v56 =	vld [tilespmem:s19+$0x86E0];
	_ =	sdelay $0x1  }
0x192: {  	v57 =	vld [tilespmem:s19+$0x86F0]  }
0x193: {  	v16 =	vmul.f32 v16, v16;
	v17 =	vmul.f32 v17, v17;
	_ =	sdelay $0x1  }
0x194: {  	v16 =	vadd.f32 v17, v16;
	v17 =	vmul.f32 v56, v56;
	_ =	sdelay $0x1  }
0x195: {  	v16 =	vadd.f32 v17, v16;
	v17 =	vmul.f32 v57, v57;
	_ =	sdelay $0x1  }
0x196: {  	v16 =	vadd.f32 v17, v16;
	_ =	sdelay $0x1  }
0x197: {  	[tilespmem:v11+s13+$0x0] =	vst.idx.msk $0xffff, v16  }
0x198: {  	v16 =	vld [tilespmem:s19+$0x8700]  }
0x199: {  	v17 =	vld [tilespmem:s19+$0x8710];
	_ =	sdelay $0x1  }
0x19a: {  	v58 =	vld [tilespmem:s19+$0x8720];
	_ =	sdelay $0x1  }
0x19b: {  	v59 =	vld [tilespmem:s19+$0x8730]  }
0x19c: {  	v16 =	vmul.f32 v16, v16;
	v17 =	vmul.f32 v17, v17;
	_ =	sdelay $0x1  }
0x19d: {  	v16 =	vadd.f32 v17, v16;
	v17 =	vmul.f32 v58, v58;
	_ =	sdelay $0x1  }
0x19e: {  	v16 =	vadd.f32 v17, v16;
	v17 =	vmul.f32 v59, v59;
	_ =	sdelay $0x1  }
0x19f: {  	v16 =	vadd.f32 v17, v16;
	_ =	sdelay $0x1  }
0x1a0: {  	[tilespmem:v12+s13+$0x0] =	vst.idx.msk $0xffff, v16  }
0x1a1: {  	v16 =	vld [tilespmem:s19+$0x8740]  }
0x1a2: {  	v17 =	vld [tilespmem:s19+$0x8750];
	_ =	sdelay $0x1  }
0x1a3: {  	v60 =	vld [tilespmem:s19+$0x8760];
	_ =	sdelay $0x1  }
0x1a4: {  	v61 =	vld [tilespmem:s19+$0x8770]  }
0x1a5: {  	v16 =	vmul.f32 v16, v16;
	v17 =	vmul.f32 v17, v17;
	_ =	sdelay $0x1  }
0x1a6: {  	v16 =	vadd.f32 v17, v16;
	v17 =	vmul.f32 v60, v60;
	_ =	sdelay $0x1  }
0x1a7: {  	v16 =	vadd.f32 v17, v16;
	v17 =	vmul.f32 v61, v61;
	_ =	sdelay $0x1  }
0x1a8: {  	v16 =	vadd.f32 v17, v16;
	_ =	sdelay $0x1  }
0x1a9: {  	[tilespmem:v13+s13+$0x0] =	vst.idx.msk $0xffff, v16  }
0x1aa: {  	v16 =	vld [tilespmem:s19+$0x8780]  }
0x1ab: {  	v17 =	vld [tilespmem:s19+$0x8790];
	_ =	sdelay $0x1  }
0x1ac: {  	v62 =	vld [tilespmem:s19+$0x87A0];
	_ =	sdelay $0x1  }
0x1ad: {  	v63 =	vld [tilespmem:s19+$0x87B0]  }
0x1ae: {  	v16 =	vmul.f32 v16, v16;
	v17 =	vmul.f32 v17, v17;
	_ =	sdelay $0x1  }
0x1af: {  	v16 =	vadd.f32 v17, v16;
	v17 =	vmul.f32 v62, v62;
	_ =	sdelay $0x1  }
0x1b0: {  	v16 =	vadd.f32 v17, v16;
	v17 =	vmul.f32 v63, v63;
	_ =	sdelay $0x1  }
0x1b1: {  	v16 =	vadd.f32 v17, v16;
	_ =	sdelay $0x1  }
0x1b2: {  	[tilespmem:v14+s13+$0x0] =	vst.idx.msk $0xffff, v16  }
0x1b3: {  	v16 =	vld [tilespmem:s19+$0x87C0]  }
0x1b4: {  	v17 =	vld [tilespmem:s19+$0x87D0];
	_ =	sdelay $0x1  }
0x1b5: {  	v21 =	vld [tilespmem:s19+$0x87E0];
	_ =	sdelay $0x1  }
0x1b6: {  	v22 =	vld [tilespmem:s19+$0x87F0]  }
0x1b7: {  	v16 =	vmul.f32 v16, v16;
	v17 =	vmul.f32 v17, v17;
	_ =	sdelay $0x1  }
0x1b8: {  	v16 =	vadd.f32 v17, v16;
	v17 =	vmul.f32 v21, v21;
	_ =	sdelay $0x1  }
0x1b9: {  	v16 =	vadd.f32 v17, v16;
	v17 =	vmul.f32 v22, v22;
	_ =	sdelay $0x1  }
0x1ba: {  	v16 =	vadd.f32 v17, v16;
	_ =	sdelay $0x1  }
0x1bb: {  	[tilespmem:v15+s13+$0x0] =	vst.idx.msk $0xffff, v16  }
0x1bc: {  	v16 =	vld [tilespmem:$0x10400]  }
0x1bd: {  	v17 =	vld [tilespmem:$0x10410];
	_ =	sdelay $0x1  }
0x1be: {  	v23 =	vld [tilespmem:$0x10420];
	_ =	sdelay $0x1  }
0x1bf: {  	v24 =	vld [tilespmem:$0x10430]  }
0x1c0: {  	v16 =	vadd.f32 v17, v16  }
0x1c1: {  	v17 =	vld [tilespmem:$0x10440]  }
0x1c2: {  	v16 =	vadd.f32 v23, v16  }
0x1c3: {  	v25 =	vld [tilespmem:$0x10450]  }
0x1c4: {  	v16 =	vadd.f32 v24, v16  }
0x1c5: {  	v26 =	vld [tilespmem:$0x10460]  }
0x1c6: {  	v16 =	vadd.f32 v17, v16  }
0x1c7: {  	v17 =	vld [tilespmem:$0x10470]  }
0x1c8: {  	v16 =	vadd.f32 v25, v16  }
0x1c9: {  	v27 =	vld [tilespmem:$0x10480]  }
0x1ca: {  	v16 =	vadd.f32 v26, v16  }
0x1cb: {  	v28 =	vld [tilespmem:$0x10490]  }
0x1cc: {  	v16 =	vadd.f32 v17, v16  }
0x1cd: {  	v17 =	vld [tilespmem:$0x104A0]  }
0x1ce: {  	v16 =	vadd.f32 v27, v16  }
0x1cf: {  	v29 =	vld [tilespmem:$0x104B0]  }
0x1d0: {  	v16 =	vadd.f32 v28, v16  }
0x1d1: {  	v30 =	vld [tilespmem:$0x104C0]  }
0x1d2: {  	v16 =	vadd.f32 v17, v16  }
0x1d3: {  	v17 =	vld [tilespmem:$0x104D0]  }
0x1d4: {  	v16 =	vadd.f32 v29, v16  }
0x1d5: {  	v31 =	vld [tilespmem:$0x104E0]  }
0x1d6: {  	v16 =	vadd.f32 v30, v16  }
0x1d7: {  	v32 =	vld [tilespmem:$0x104F0]  }
0x1d8: {  	v16 =	vadd.f32 v17, v16;
	_ =	sdelay $0x1  }
0x1d9: {  	v16 =	vadd.f32 v31, v16;
	_ =	sdelay $0x1  }
0x1da: {  	v16 =	vadd.f32 v32, v16;
	_ =	sdelay $0x1  }
0x1db: {  	v17 =	vshra.s32 v16, $0x1;
	v33 =	vmul.f32 $5.000000000e-01, v16  }
0x1dc: {  	v17 =	vsub.s32 $0x5F3759DF, v17  }
0x1dd: {  	v34 =	vmul.f32 v17, v33;
	_ =	sdelay $0x1  }
0x1de: {  	v19 =	vmul.f32 v17, v34;
	_ =	sdelay $0x1  }
0x1df: {  	v19 =	vsub.f32 $1.500000000e+00, v19;
	_ =	sdelay $0x1  }
0x1e0: {  	v17 =	vmul.f32 v17, v19;
	_ =	sdelay $0x1  }
0x1e1: {  	v19 =	vmul.f32 v17, v33;
	_ =	sdelay $0x1  }
0x1e2: {  	v19 =	vmul.f32 v19, v17;
	_ =	sdelay $0x1  }
0x1e3: {  	v19 =	vsub.f32 $1.500000000e+00, v19;
	_ =	sdelay $0x1  }
0x1e4: {  	v17 =	vmul.f32 v19, v17;
	_ =	sdelay $0x1  }
0x1e5: {  	v18 =	vmul.f32 v17, v33;
	_ =	sdelay $0x1  }
0x1e6: {  	v18 =	vmul.f32 v18, v17;
	_ =	sdelay $0x1  }
0x1e7: {  	v18 =	vsub.f32 $1.500000000e+00, v18;
	_ =	sdelay $0x1  }
0x1e8: {  	v35 =	vld [tilespmem:s19+$0x8400];
	v17 =	vmul.f32 v18, v17  }
0x1e9: {  	v36 =	vld [tilespmem:s19+$0x8410];
	vm0 =	vgt.f32 v16, $1.000000000e+00  }
0x1ea: {  	v16 =	vnsel vm0, $0x3F800000, v17;
	v17 =	vld [tilespmem:s19+$0x8420]  }
0x1eb: {  	v21 =	vld [tilespmem:s19+$0x8430];
	v20 =	vbroadcast v16, $0x0  }
0x1ec: {  	v22 =	vld [tilespmem:s19+$0x8440]  }
0x1ed: {  	v23 =	vld [tilespmem:s19+$0x8450];
	v18 =	vmul.f32 v20, v35  }
0x1ee: {  	v24 =	vld [tilespmem:s19+$0x8460];
	v19 =	vmul.f32 v20, v36  }
0x1ef: {  	v40 =	vld [tilespmem:s19+$0x8490];
	v37 =	vbroadcast v16, $0x1;
	[tilespmem:s19+$0x8400] =	vst v18;
	v17 =	vmul.f32 v20, v17  }
0x1f0: {  	v39 =	vld [tilespmem:s19+$0x8480];
	v38 =	vmul.f32 v20, v21;
	[tilespmem:s19+$0x8410] =	vst v19  }
0x1f1: {  	v44 =	vld [tilespmem:s19+$0x84B0];
	[tilespmem:s19+$0x8420] =	vst v17;
	v17 =	vmul.f32 v37, v22  }
0x1f2: {  	v42 =	vld [tilespmem:s19+$0x84A0];
	v43 =	vbroadcast v16, $0x2;
	v41 =	vmul.f32 v37, v23;
	[tilespmem:s19+$0x8430] =	vst v38  }
0x1f3: {  	v46 =	vld [tilespmem:s19+$0x84D0];
	[tilespmem:s19+$0x8440] =	vst v17;
	v17 =	vmul.f32 v37, v24  }
0x1f4: {  	v45 =	vld [tilespmem:s19+$0x84C0];
	v47 =	vmul.f32 v43, v40;
	[tilespmem:s19+$0x8450] =	vst v41  }
0x1f5: {  	v50 =	vld [tilespmem:s19+$0x84F0];
	[tilespmem:s19+$0x8460] =	vst v17;
	v17 =	vmul.f32 v43, v39  }
0x1f6: {  	v48 =	vld [tilespmem:s19+$0x84E0];
	v49 =	vbroadcast v16, $0x3;
	v51 =	vmul.f32 v44, v43;
	[tilespmem:s19+$0x8490] =	vst v47  }
0x1f7: {  	v53 =	vld [tilespmem:s19+$0x8510];
	[tilespmem:s19+$0x8480] =	vst v17;
	v17 =	vmul.f32 v42, v43  }
0x1f8: {  	v52 =	vld [tilespmem:s19+$0x8500];
	v54 =	vmul.f32 v46, v49;
	[tilespmem:s19+$0x84B0] =	vst v51  }
0x1f9: {  	v57 =	vld [tilespmem:s19+$0x8530];
	[tilespmem:s19+$0x84A0] =	vst v17;
	v17 =	vmul.f32 v45, v49  }
0x1fa: {  	v55 =	vld [tilespmem:s19+$0x8520];
	v56 =	vbroadcast v16, $0x4;
	v58 =	vmul.f32 v50, v49;
	[tilespmem:s19+$0x84D0] =	vst v54  }
0x1fb: {  	v60 =	vld [tilespmem:s19+$0x8550];
	[tilespmem:s19+$0x84C0] =	vst v17;
	v17 =	vmul.f32 v48, v49  }
0x1fc: {  	v59 =	vld [tilespmem:s19+$0x8540];
	v61 =	vmul.f32 v53, v56;
	[tilespmem:s19+$0x84F0] =	vst v58  }
0x1fd: {  	v28 =	vld [tilespmem:s19+$0x8570];
	[tilespmem:s19+$0x84E0] =	vst v17;
	v17 =	vmul.f32 v52, v56  }
0x1fe: {  	v62 =	vld [tilespmem:s19+$0x8560];
	v63 =	vbroadcast v16, $0x5;
	v29 =	vmul.f32 v57, v56;
	[tilespmem:s19+$0x8510] =	vst v61  }
0x1ff: {  	v25 =	vld [tilespmem:s19+$0x8470];
	[tilespmem:s19+$0x8500] =	vst v17;
	v17 =	vmul.f32 v55, v56  }
0x200: {  	v30 =	vld [tilespmem:s19+$0x8580];
	v32 =	vmul.f32 v60, v63;
	[tilespmem:s19+$0x8530] =	vst v29  }
0x201: {  	v38 =	vld [tilespmem:s19+$0x85D0];
	[tilespmem:s19+$0x8520] =	vst v17;
	v17 =	vmul.f32 v59, v63  }
0x202: {  	v33 =	vld [tilespmem:s19+$0x85A0];
	v36 =	vmul.f32 v28, v63;
	[tilespmem:s19+$0x8550] =	vst v32  }
0x203: {  	v31 =	vld [tilespmem:s19+$0x8590];
	v34 =	vbroadcast v16, $0x6;
	[tilespmem:s19+$0x8540] =	vst v17;
	v17 =	vmul.f32 v62, v63  }
0x204: {  	v18 =	vmul.f32 v37, v25;
	[tilespmem:s19+$0x8570] =	vst v36;
	v41 =	vbroadcast v16, $0x7;
	v37 =	vld [tilespmem:s19+$0x85C0]  }
0x205: {  	v35 =	vld [tilespmem:s19+$0x85B0];
	[tilespmem:s19+$0x8560] =	vst v17;
	v17 =	vmul.f32 v30, v34  }
0x206: {  	v40 =	vld [tilespmem:s19+$0x85E0];
	[tilespmem:s19+$0x8470] =	vst v18;
	v46 =	vmul.f32 v38, v41  }
0x207: {  	v42 =	vld [tilespmem:s19+$0x85F0];
	[tilespmem:s19+$0x8580] =	vst v17;
	v17 =	vmul.f32 v33, v34  }
0x208: {  	v44 =	vld [tilespmem:s19+$0x8600];
	v39 =	vmul.f32 v31, v34;
	[tilespmem:s19+$0x85D0] =	vst v46  }
0x209: {  	v45 =	vld [tilespmem:s19+$0x8610];
	[tilespmem:s19+$0x85A0] =	vst v17;
	v17 =	vmul.f32 v37, v41  }
0x20a: {  	v47 =	vld [tilespmem:s19+$0x8620];
	[tilespmem:s19+$0x8590] =	vst v39;
	v43 =	vmul.f32 v35, v34  }
0x20b: {  	v48 =	vbroadcast v16, $0x8;
	v49 =	vld [tilespmem:s19+$0x8630];
	[tilespmem:s19+$0x85C0] =	vst v17;
	v17 =	vmul.f32 v40, v41  }
0x20c: {  	v51 =	vld [tilespmem:s19+$0x8640];
	[tilespmem:s19+$0x85B0] =	vst v43;
	v50 =	vmul.f32 v42, v41  }
0x20d: {  	v52 =	vld [tilespmem:s19+$0x8650];
	[tilespmem:s19+$0x85E0] =	vst v17;
	v17 =	vmul.f32 v44, v48  }
0x20e: {  	v54 =	vld [tilespmem:s19+$0x8660];
	[tilespmem:s19+$0x85F0] =	vst v50;
	v53 =	vmul.f32 v45, v48  }
0x20f: {  	v55 =	vbroadcast v16, $0x9;
	v56 =	vld [tilespmem:s19+$0x8670];
	[tilespmem:s19+$0x8600] =	vst v17;
	v17 =	vmul.f32 v47, v48  }
0x210: {  	v58 =	vld [tilespmem:s19+$0x8680];
	[tilespmem:s19+$0x8610] =	vst v53;
	v57 =	vmul.f32 v49, v48  }
0x211: {  	v59 =	vld [tilespmem:s19+$0x8690];
	[tilespmem:s19+$0x8620] =	vst v17;
	v17 =	vmul.f32 v51, v55  }
0x212: {  	v61 =	vld [tilespmem:s19+$0x86A0];
	[tilespmem:s19+$0x8630] =	vst v57;
	v60 =	vmul.f32 v52, v55  }
0x213: {  	v62 =	vbroadcast v16, $0xA;
	v63 =	vld [tilespmem:s19+$0x86B0];
	[tilespmem:s19+$0x8640] =	vst v17;
	v17 =	vmul.f32 v54, v55  }
0x214: {  	v29 =	vld [tilespmem:s19+$0x86C0];
	[tilespmem:s19+$0x8650] =	vst v60;
	v28 =	vmul.f32 v56, v55  }
0x215: {  	v30 =	vld [tilespmem:s19+$0x86D0];
	[tilespmem:s19+$0x8660] =	vst v17;
	v17 =	vmul.f32 v58, v62  }
0x216: {  	v32 =	vld [tilespmem:s19+$0x86E0];
	[tilespmem:s19+$0x8670] =	vst v28;
	v31 =	vmul.f32 v59, v62  }
0x217: {  	v33 =	vbroadcast v16, $0xB;
	v34 =	vld [tilespmem:s19+$0x86F0];
	[tilespmem:s19+$0x8680] =	vst v17;
	v17 =	vmul.f32 v61, v62  }
0x218: {  	v36 =	vld [tilespmem:s19+$0x8700];
	[tilespmem:s19+$0x8690] =	vst v31;
	v35 =	vmul.f32 v63, v62  }
0x219: {  	v37 =	vld [tilespmem:s19+$0x8710];
	[tilespmem:s19+$0x86A0] =	vst v17;
	v17 =	vmul.f32 v29, v33  }
0x21a: {  	v39 =	vld [tilespmem:s19+$0x8720];
	[tilespmem:s19+$0x86B0] =	vst v35;
	v38 =	vmul.f32 v30, v33  }
0x21b: {  	v40 =	vbroadcast v16, $0xC;
	v41 =	vld [tilespmem:s19+$0x8730];
	[tilespmem:s19+$0x86C0] =	vst v17;
	v17 =	vmul.f32 v32, v33  }
0x21c: {  	v43 =	vld [tilespmem:s19+$0x8740];
	[tilespmem:s19+$0x86D0] =	vst v38;
	v42 =	vmul.f32 v34, v33  }
0x21d: {  	v44 =	vld [tilespmem:s19+$0x8750];
	[tilespmem:s19+$0x86E0] =	vst v17;
	v17 =	vmul.f32 v36, v40  }
0x21e: {  	v46 =	vld [tilespmem:s19+$0x8760];
	[tilespmem:s19+$0x86F0] =	vst v42;
	v45 =	vmul.f32 v37, v40  }
0x21f: {  	v47 =	vbroadcast v16, $0xD;
	v48 =	vld [tilespmem:s19+$0x8770];
	[tilespmem:s19+$0x8700] =	vst v17;
	v17 =	vmul.f32 v39, v40  }
0x220: {  	v50 =	vld [tilespmem:s19+$0x8780];
	[tilespmem:s19+$0x8710] =	vst v45;
	v49 =	vmul.f32 v41, v40  }
0x221: {  	v51 =	vld [tilespmem:s19+$0x8790];
	[tilespmem:s19+$0x8720] =	vst v17;
	v17 =	vmul.f32 v43, v47  }
0x222: {  	v53 =	vld [tilespmem:s19+$0x87A0];
	[tilespmem:s19+$0x8730] =	vst v49;
	v52 =	vmul.f32 v44, v47  }
0x223: {  	v54 =	vbroadcast v16, $0xE;
	v55 =	vld [tilespmem:s19+$0x87B0];
	[tilespmem:s19+$0x8740] =	vst v17;
	v17 =	vmul.f32 v46, v47  }
0x224: {  	v57 =	vld [tilespmem:s19+$0x87C0];
	[tilespmem:s19+$0x8750] =	vst v52;
	v56 =	vmul.f32 v48, v47  }
0x225: {  	v58 =	vld [tilespmem:s19+$0x87D0];
	[tilespmem:s19+$0x8760] =	vst v17;
	v17 =	vmul.f32 v50, v54  }
0x226: {  	v60 =	vld [tilespmem:s19+$0x87E0];
	[tilespmem:s19+$0x8770] =	vst v56;
	v59 =	vmul.f32 v51, v54  }
0x227: {  	v16 =	vbroadcast v16, $0xF;
	v61 =	vld [tilespmem:s19+$0x87F0];
	[tilespmem:s19+$0x8780] =	vst v17;
	v17 =	vmul.f32 v53, v54  }
0x228: {  	[tilespmem:s19+$0x8790] =	vst v59;
	v62 =	vmul.f32 v55, v54  }
0x229: {  	p0 =	sne.s32 s18, $0x1F000;
	[tilespmem:s19+$0x87A0] =	vst v17;
	v17 =	vmul.f32 v57, v16  }
.Ltmp1:
0x22a: {  	[tilespmem:s19+$0x87B0] =	vst v62;
	v63 =	vmul.f32 v58, v16;
	(pc) =	sbr.rel @p0 .LBB2_5-.Ltmp1, $4  }
0x22b: {  	[tilespmem:s19+$0x87C0] =	vst v17;
	v17 =	vmul.f32 v60, v16  }
0x22c: {  	[tilespmem:s19+$0x87D0] =	vst v63;
	v16 =	vmul.f32 v61, v16  }
0x22d: {  	[tilespmem:s19+$0x87E0] =	vst v17  }
0x22e: {  	s18 =	sadd.s32 $0x1000, s18;
	[tilespmem:s19+$0x87F0] =	vst v16  }
0x22f: {  	s17 =	sshll.u32 s17, $0x3;
	s16 =	sadd.s32 $0x1, s16  }
0x230: {  	s17 =	sand.u32 $0x1FFFF000, s17;
	p0 =	sne.s32 s16, $0x19  }
.Ltmp2:
0x231: {  	s17 =	sadd.s32 s1, s17;
	(pc) =	sbr.rel @p0 .LBB2_2-.Ltmp2, $4  }
0x232: {  	[hbm4b:s17+s3] =	stream.linear.scatter [tilespmem:s11], [sflag:$0x3], $0x8000, $0x38;
	[tilespmem:$0x10500] =	vst v63  }
0x233: {  	_ =	swait.ge [sflag:s8], $0x8000  }
0x234: {  	[sflag:s8] =	ssyncset.done $0x0  }
0x235: {  	[sflag:s8] =	ssyncadd.s32 $0xFFFF8000  }
0x236: {  	s15 =	sadd.s32 $0x1, s15  }
0x237: {  	p0 =	sne.s32 s15, s7  }
.Ltmp3:
0x238: {  	_ = 	snop;
	(pc) =	sbr.rel @p0 .LBB2_1-.Ltmp3, $1  }
0x239: {  	_ =	sdelay $0x3  }
0x23a: {  	_ =	sfence.sel $0x180000  }
0x23b: {  	[bflag:$0x0] =	sbarrier.arrive $0xFFFF  }
0x23c: {  	p0 =	sne.s32 s2, $0x0;
	_ =	strace $0x90000047  }
0x23d: {  	s0 =	sadd.s32 @!p0 $0x100000, s0;
	[bflag:$0x2] =	sbarrier.arrive $0xFFFF  }
0x23e: {  	[sflag:s0] =	ssyncadd.tile.s32 @!p0 $0x1;
	_ =	shalt  }
.Lfunc_end2:
_tile_overlayer_lowered:
.L_overlay_start_2:
0x23f: {  	(tag) =	ssettag $0x2  }
0x240: {  	s0 =	rddreg [dreg:$0x0];
	s2 =	stileid.u32  }
0x241: {  	s1 =	rddreg [dreg:$0x1];
	p0 =	sne.s32 s2, $0x0  }
0x242: {  	s3 =	rddreg [dreg:$0x2];
	[bflag:$0x3] =	sbarrier.arrive $0xFFFF;
	s2 =	simm.s32 @!p0 $0x1C03  }
0x243: {  	[timem:s3], [sflag:s2] =	dma.local @!p0 [hbm:s0], s1  }
0x244: {  	s0 =	simm.s32 @!p0 $0x3  }
0x245: {  	_ =	swait.ge @!p0 [sflag:s0], s1  }
0x246: {  	s1 =	ssub.s32 @!p0 $0x0, s1;
	[sflag:s0] =	ssyncset.done @!p0 $0x0  }
0x247: {  	[sflag:s0] =	ssyncadd.s32 @!p0 s1  }
0x248: {  	[bflag:$0x3] =	sbarrier.arrive $0xFFFF  }
0x249: {  	_ =	shalt  }

// kernel: sparse-core-data-format-call.cloned.1.call-start
scs
called_computation_lowered:
.L_overlay_start_0:
0x0: {  	s2 =	sld [smem:$0x3FD9]  }
0x1: {  	s3 =	sld [smem:$0x3FFE];
	_ =	sdelay $0x1  }
0x2: {  	s1 =	srdreg.scid  }
0x3: {  	s0 =	sand.u32 $0x1, s1  }
0x4: {  	s18 =	sshll.u32 s0, $0xA;
	s2 =	sadd.s32 s3, s2  }
0x5: {  	s2 =	sadd.s32 s2, s18  }
0x6: {  	[smem:$0x3FC6] =	sst s2  }
0x7: {  	_ = 	snop  }
0x8: {  	s2 =	sld [smem:$0x3FD0];
	(tm) =	ssettm $0x1  }
0x9: {  	s19 =	sld [smem:$0x3FFB];
	_ =	sdelay $0x3  }
0xa: {  	_ =	strace s19  }
0xb: {  	s3 =	sld [smem:$0x3FFC];
	_ =	sdelay $0x3  }
0xc: {  	_ =	strace s3  }
0xd: {  	s3 =	sld [smem:$0x3FFD];
	_ =	sdelay $0x3  }
0xe: {  	_ =	strace s3  }
0xf: {  	_ =	strace $0x8FFFFFFF  }
0x10: {  	s20 =	sld [smem:$0x3FDB];
	_ =	sdelay $0x1  }
0x11: {  	s4 =	simm.s32 $_scs_section_size  }
0x12: {  	s5 =	simm.s32 $_size__tile_overlayer_lowered;
	s6 =	simm.s32 $_tile_overlayer_lowered  }
0x13: {  	s23 =	simm.s32 $0x1BFF;
	s22 =	sshll.u32 s6, $0x1;
	s3 =	sadd.s32 s4, s20  }
0x14: {  	s7 =	simm.s32 $0x0;
	s21 =	sshll.u32 s5, $0x1;
	s5 =	sadd.s32 s22, s3  }
0x15: {  	[timem:s7], [sflag:s23] =	dma.local [hbm:s5], s21  }
0x16: {  	_ =	swait.ge [sflag:s23], s21  }
0x17: {  	s4 =	ssub.s32 $0x0, s21;
	[sflag:s23] =	ssyncset.done $0x0  }
0x18: {  	[sflag:s23] =	ssyncadd.s32 s4;
	_ =	sdelay $0x1  }
0x19: {  	s24 =	simm.s32 $0x1B8B  }
0x1a: {  	_ =	swait.ge [sflag:s24], $0x1  }
0x1b: {  	[sflag:s24] =	ssyncset.done $0x0  }
0x1c: {  	s26 =	simm.s32 $0x1B8E;
	s25 =	sld [smem:$0x3FFE];
	[sflag:s24] =	ssyncadd.s32 $0xFFFFFFFF  }
0x1d: {  	s27 =	simm.s32 $execute0_lowered;
	[smem:$0x3FD2] =	sst s26  }
0x1e: {  	s5 =	sshll.u32 s27, $0x1;
	_ =	strace $0x80000049;
	[dreg:$0x1] =	wrdreg $0xFFFFFFFF  }
0x1f: {  	s28 =	simm.s32 $_size_execute0_lowered;
	s3 =	sadd.s32 s3, s5;
	[dreg:$0x0] =	wrdreg $0x0  }
0x20: {  	s5 =	sshll.u32 s28, $0x1;
	[dreg:$0x2] =	wrdreg s3  }
0x21: {  	[dreg:$0x3] =	wrdreg s5  }
0x22: {  	[dreg:$0x4] =	wrdreg $0xC0  }
0x23: {  	_ =	task [dreg:s7], $0x5FFFF  }
0x24: {  	[dreg:$0x1] =	wrdreg $0xFFFFFFFF  }
0x25: {  	[dreg:$0x0] =	wrdreg $0x60  }
0x26: {  	[dreg:$0x2] =	wrdreg s25  }
0x27: {  	[dreg:$0x3] =	wrdreg s2  }
0x28: {  	[dreg:$0x4] =	wrdreg $0x9  }
0x29: {  	_ =	task.clear_ibuf [dreg:s7], $0x5FFFF;
	_ =	strace $0x90000049  }
0x2a: {  	s29 =	simm.s32 $0x9;
	_ =	strace $0x8000004B  }
0x2b: {  	_ =	swait.ge [sflag:s29], $0x1  }
0x2c: {  	[sflag:s29] =	ssyncadd.s32 $0xFFFFFFFF  }
0x2d: {  	_ =	strace $0x9000004B  }
0x2e: {  	_ =	sfence  }
0x2f: {  	s30 =	sld [smem:$0x0];
	_ =	sdelay $0x2  }
0x30: {  	s31 =	sshll.u32 s1, $0xD;
	s1 =	sshrl.u32 s1, $0x2  }
0x31: {  	s3 =	sand.u32 $0x4000, s31;
	s1 =	sadd.s32 s1, s30  }
0x32: {  	s0 =	sor.u32 s3, s0;
	s1 =	sshll.u32 s1, $0x11  }
0x33: {  	s0 =	sor.u32 s1, s0  }
0x34: {  	s0 =	sadd.s32 $0x8F2B, s0  }
0x35: {  	[sflag:s0] =	ssyncadd.remote.s32 $0x1  }
0x36: {  	_ =	sfence.sel $0xFFFF  }
0x37: {  	[dreg:$0x0] =	wrdreg $0xFFFFFFFF;
	(pc) =	sbr.abs _section_cstart, $3  }
0x38: {  	[dreg:$0x1] =	wrdreg $0xFFFFFFFF  }
0x39: {  	_ =	task.clear_ibuf [dreg:s7], $0x2FFFF;
	_ =	strace $0x9FFFFFFF  }
0x3a: {  	(tm) =	ssettm $0x7FFFFFFF  }
0x3b: {  	_ =	shalt  }
tec
execute0_lowered:
.L_overlay_start_1:
0x0: {  	(tag) =	ssettag $0x1  }
0x1: {  	s0 =	srdreg.scid  }
0x2: {  	s1 =	sshll.u32 s0, $0x4  }
0x3: {  	s0 =	stileid.u32;
	s1 =	sand.u32 $0x10, s1  }
0x4: {  	s1 =	sor.u32 s0, s1  }
0x5: {  	s6 =	rddreg [dreg:$0x0];
	s4 =	simm.s32 $0x1;
	s2 =	sshll.u32 s1, $0x7  }
0x6: {  	s7 =	simm.s32 $0x2;
	s12 =	simm.s32 $0x0;
	s1 =	ssub.s32 $0x1000, s2  }
0x7: {  	s8 =	simm.s32 $0x8000;
	s13 =	simm.s32 $0x0;
	s3 =	sand.u32 $0xF80, s1  }
0x8: {  	s9 =	simm.s32 $0x0;
	s5 =	sshrl.u32 s1, $0xC;
	p0 =	sne.s32 s3, $0x0  }
.Ltmp0:
0x9: {  	s1 =	rddreg [dreg:$0x2];
	s4 =	simm.s32 @!p0 $0x0;
	(pc) =	sbr.rel .LBB1_1-.Ltmp0, $4  }
0xa: {  	s11 =	simm.s32 $0x0;
	s3 =	rddreg [dreg:$0x1];
	s5 =	sadd.s32 s4, s5  }
0xb: {  	_ =	strace $0x8000004A;
	s4 =	simm.s32 $0x1;
	s5 =	smul.u32 $0xC8, s5  }
0xc: {  	s6 =	sadd.s32 $0xA00, s6;
	s10 =	smov.u32 s2;
	[sflag:s4] =	ssyncpa.u1 $0x0  }
0xd: {  	p0 =	por $0x0, $0x0;
	[sflag:s7] =	ssyncpa.u1 $0x0;
	s7 =	sor.u32 $0x1, s5  }
.LBB1_4:
0xe: {  	s16 =	sshll.u32 s13, $0x3;
	s17 =	sand.u32 $0x78, s13  }
0xf: {  	s30 =	sand.u32 $0x7E00, s13;
	s12 =	sshll.u32 s12, $0xF;
	s16 =	sand.u32 $0xC00, s16  }
0x10: {  	[tilespmem:s15+$0x810 ss:$0x81] =	vst.msk $0xffff, v2;
	s31 =	sand.u32 $0x7, s13;
	s16 =	sor.u32 s17, s16;
	s17 =	sadd.s32 s3, s30  }
0x11: {  	[tilespmem:s15+$0x1020 ss:$0x81] =	vst.msk $0xffff, v0;
	s13 =	sshll.u32 s31, $0x12;
	s12 =	sadd.s32 s12, s17;
	s16 =	sshrl.u32 s16, $0x3  }
0x12: {  	[tilespmem:s15+$0x0 ss:$0x81] =	vst.msk $0xffff, v1;
	s13 =	sor.u32 $0x400, s13;
	s12 =	sadd.s32 s16, s12  }
0x13: {  	[hbm4b:s12+s13] =	stream.strided.scatter [tilespmem:s14], [sflag:$0x2], $0x2000, s8, s13, $0x20;
	[tilespmem:$0x8080] =	vst v63  }
.LBB1_5:
0x14: {  	s14 =	sadd.s32 $0x1, s9  }
0x15: {  	s12 =	sadd.s32 $0x1000, s10;
	s16 =	smov.u32 s10;
	p2 =	sgt.s32 s14, $0xC7  }
0x16: {  	s16 =	smov.u32 @p2 s12  }
0x17: {  	s14 =	simm.s32 @p2 $0x0;
	p2 =	sgt.s32 s16, $0xFFF  }
0x18: {  	s16 =	smov.u32 @p2 s2;
	p2 =	sne.s32 s11, s7  }
.Ltmp1:
0x19: {  	p1 =	slt.u32 s11, $0x2;
	(pc) =	sbr.rel @!p2 .LBB1_6-.Ltmp1, $4  }
0x1a: {  	s15 =	simm.s32 @!p1 $0x2  }
0x1b: {  	s13 =	smov.u32 s10;
	p0 =	por !p0, !p0;
	_ =	swait.ge @!p1 [sflag:s15], $0x2000  }
0x1c: {  	s12 =	smov.u32 s9;
	[sflag:s15] =	ssyncset.done @!p1 $0x0;
	s9 =	smov.u32 s14  }
0x1d: {  	s11 =	sadd.s32 $0x1, s11;
	[sflag:s15] =	ssyncadd.s32 @!p1 $0xFFFFE000;
	s10 =	smov.u32 s16  }
.LBB1_1:
0x1e: {  	p1 =	sge.u32 s11, s5  }
0x1f: {  	s14 =	sand.u32 @!p1 $0x1FFFFFF, s9  }
0x20: {  	s15 =	smulhi.u32 @!p1 $0x147AE15, s14;
	_ =	sdelay $0x1  }
0x21: {  	s15 =	smul.u32 @!p1 $0xC8, s15  }
0x22: {  	s16 =	sxor.u32 @!p1 $0xFFFFFFFF, s11;
	s17 =	smul.u32 @!p1 $0xC80, s10  }
0x23: {  	s31 =	sadd.s32 $0xFFFFFFFF, s11;
	s16 =	sshll.u32 @!p1 s16, $0xD;
	s14 =	ssub.s32 @!p1 s14, s15  }
0x24: {  	s15 =	sand.u32 @!p1 $0x2000, s16;
	s16 =	sadd.s32 @!p1 s6, s17;
	s14 =	sshll.u32 @!p1 s14, $0x4  }
0x25: {  	s17 =	simm.s32 @!p1 $0x6400;
	s14 =	sadd.s32 @!p1 s14, s16;
	s16 =	simm.s32 @!p1 $0x40  }
0x26: {  	[tilespmem:s15], [sflag:$0x1] =	stream.strided.gather @!p1 [hbm4b:s14+s16], $0x2000, s17, s16, $0x38;
	[tilespmem:$0x8080] =	vst v63  }
0x27: {  	p1 =	sge.u32 s31, s5  }
.Ltmp2:
0x28: {  	_ = 	snop;
	(pc) =	sbr.rel @p1 .LBB1_5-.Ltmp2, $1  }
0x29: {  	_ =	sdelay $0x3  }
0x2a: {  	s14 =	simm.s32 $0x1  }
0x2b: {  	_ =	swait.ge [sflag:s4], $0x2000;
	s14 =	simm.s32 @!p0 $0x0  }
0x2c: {  	[sflag:s4] =	ssyncset.done $0x0;
	s15 =	sshll.u32 s14, $0xD  }
0x2d: {  	[sflag:s4] =	ssyncadd.s32 $0xFFFFE000;
	s18 =	sor.u32 $0x20, s15  }
0x2e: {  	s14 =	smul.u32 $0x8100, s14;
	v3 =	vld [tilespmem:s18+$0x10]  }
0x2f: {  	s30 =	sand.u32 $0x1, s11;
	v2 =	vld [tilespmem:s18+$0xFFFFFFF0]  }
0x30: {  	s15 =	smul.u32 $0x8100, s30;
	s14 =	sshrl.u32 s14, $0x2;
	v0 =	vld [tilespmem:s18+$0x0]  }
0x31: {  	v1 =	vld [tilespmem:s18+$0xFFFFFFE0];
	s16 =	sor.u32 $0x4000, s14  }
0x32: {  	s31 =	sshrl.u32 s15, $0x2;
	s15 =	sadd.s32 $0x0, s16  }
0x33: {  	s17 =	simm.s32 $0x4;
	s18 =	sadd.s32 $0x40, s18;
	s14 =	sor.u32 $0x4000, s31;
	[tilespmem:s15+$0x1830 ss:$0x81] =	vst.msk $0xffff, v3  }
.LBB1_3:
0x34: {  	v3 =	vld [tilespmem:s18+$0x10];
	p1 =	sne.s32 s17, $0x1FC;
	[tilespmem:s15+$0x810 ss:$0x81] =	vst.msk $0xffff, v2;
	s19 =	smov.u32 s17;
	s17 =	sadd.s32 $0x4, s17  }
.Ltmp3:
0x35: {  	v2 =	vld [tilespmem:s18+$0xFFFFFFF0];
	[tilespmem:s15+$0x1020 ss:$0x81] =	vst.msk $0xffff, v0;
	(pc) =	sbr.rel @p1 .LBB1_3-.Ltmp3, $4  }
0x36: {  	v0 =	vld [tilespmem:s18+$0x0];
	[tilespmem:s15+$0x0 ss:$0x81] =	vst.msk $0xffff, v1  }
0x37: {  	s15 =	sshra.s32 s19, $0x2;
	v1 =	vld [tilespmem:s18+$0xFFFFFFE0]  }
0x38: {  	s15 =	sadd.s32 s15, s16  }
0x39: {  	s18 =	sadd.s32 $0x40, s18;
	[tilespmem:s15+$0x1830 ss:$0x81] =	vst.msk $0xffff, v3  }
.Ltmp4:
0x3a: {  	_ = 	snop;
	(pc) =	sbr.rel .LBB1_4-.Ltmp4, $1  }
0x3b: {  	_ =	sdelay $0x3  }
.LBB1_6:
0x3c: {  	_ =	sfence.sel $0x180000  }
0x3d: {  	s2 =	simm.s32 $0x1;
	[bflag:$0x0] =	sbarrier.arrive $0xFFFF  }
0x3e: {  	s31 =	simm.s32 $0x2;
	[sflag:s2] =	ssyncpa.u1 $0x1  }
0x3f: {  	[sflag:s31] =	ssyncpa.u1 $0x1  }
0x40: {  	p0 =	sne.s32 s0, $0x0;
	_ =	strace $0x9000004A  }
0x41: {  	s0 =	sadd.s32 @!p0 $0x100000, s1;
	[bflag:$0x2] =	sbarrier.arrive $0xFFFF  }
0x42: {  	[sflag:s0] =	ssyncadd.tile.s32 @!p0 $0x1;
	_ =	shalt  }
.Lfunc_end1:
_tile_overlayer_lowered:
.L_overlay_start_2:
0x43: {  	(tag) =	ssettag $0x2  }
0x44: {  	s0 =	rddreg [dreg:$0x0];
	s2 =	stileid.u32  }
0x45: {  	s1 =	rddreg [dreg:$0x1];
	p0 =	sne.s32 s2, $0x0  }
0x46: {  	s3 =	rddreg [dreg:$0x2];
	[bflag:$0x3] =	sbarrier.arrive $0xFFFF;
	s2 =	simm.s32 @!p0 $0x1C01  }
0x47: {  	[timem:s3], [sflag:s2] =	dma.local @!p0 [hbm:s0], s1  }
0x48: {  	s0 =	simm.s32 @!p0 $0x1  }
0x49: {  	_ =	swait.ge @!p0 [sflag:s0], s1  }
0x4a: {  	s1 =	ssub.s32 @!p0 $0x0, s1;
	[sflag:s0] =	ssyncset.done @!p0 $0x0  }
0x4b: {  	[sflag:s0] =	ssyncadd.s32 @!p0 s1  }
0x4c: {  	[bflag:$0x3] =	sbarrier.arrive $0xFFFF  }
0x4d: {  	_ =	shalt  }

</sc_bundles>
